<compile_context>
chip_gen: v7x
topology: tpu7x:2x2x1
jax: 0.10.2.dev20260603
libtpu: 0.0.44.dev20260713+nightly
codegen_flags: <defaults>
</compile_context>

<pallas_src>
import functools
import math

import jax
import jax.numpy as jnp
from jax import lax
from jax.experimental import pallas as pl
from jax.experimental.pallas import tpu as pltpu
from jax.experimental.pallas import tpu_sc as plsc

B = 16
T_PER = 1024
T = B * T_PER
D_MODEL = 1024
D_QK = 128
MAX_A = 64
MAX_K = 512
NEG = -1000000000.0
SCALE = 1.0 / math.sqrt(D_QK)

Q_PER = 32
KC = 128

_SC_MESH = plsc.VectorSubcoreMesh(core_axis_name="c", subcore_axis_name="s")


def _proj_body(x_ref, wq_ref, bq_ref, wk_ref, bk_ref, xq_ref, xk_ref):
    x = x_ref[...]
    xq_ref[...] = (
        jnp.dot(x, wq_ref[...], preferred_element_type=jnp.float32) + bq_ref[...]
    )
    xk_ref[...] = (
        jnp.dot(x, wk_ref[...], preferred_element_type=jnp.float32) + bk_ref[...]
    )


_ROWS_BLK = 2048


def _project(x, Wq, bq, Wk, bk):
    grid = (T // _ROWS_BLK,)
    return pl.pallas_call(
        _proj_body,
        grid=grid,
        in_specs=[
            pl.BlockSpec((_ROWS_BLK, D_MODEL), lambda i: (i, 0)),
            pl.BlockSpec((D_MODEL, D_QK), lambda i: (0, 0)),
            pl.BlockSpec((1, D_QK), lambda i: (0, 0)),
            pl.BlockSpec((D_MODEL, D_QK), lambda i: (0, 0)),
            pl.BlockSpec((1, D_QK), lambda i: (0, 0)),
        ],
        out_specs=[
            pl.BlockSpec((_ROWS_BLK, D_QK), lambda i: (i, 0)),
            pl.BlockSpec((_ROWS_BLK, D_QK), lambda i: (i, 0)),
        ],
        out_shape=[
            jax.ShapeDtypeStruct((T, D_QK), jnp.float32),
            jax.ShapeDtypeStruct((T, D_QK), jnp.float32),
        ],
    )(x, Wq, bq.reshape(1, D_QK), Wk, bk.reshape(1, D_QK))


_B_PER_SC = B // 2
_SLAB = _B_PER_SC * T_PER
_STG = _SLAB // 16


def _gather_body(xq_hbm, xk_hbm, actors_hbm, actees_hbm, qg_hbm, kg_hbm,
                 qidx_v, qrows_v, kidx_v, krows_v, shared, sem_i, sem_g,
                 sem_s, sem_q):
    c = lax.axis_index("c")
    s = lax.axis_index("s")
    stg = pltpu.async_copy(
        xk_hbm.at[pl.ds(_SLAB * c + _STG * s, _STG)],
        shared.at[pl.ds(_STG * s, _STG)], sem_s)
    kbatch = _B_PER_SC * c + jnp.right_shift(s, 1)
    half = jnp.bitwise_and(s, 1)
    krow0 = half * (MAX_K // 2)
    qrow0 = half * (MAX_A // 2)
    ciq = pltpu.async_copy(
        actors_hbm.at[kbatch, pl.ds(qrow0, Q_PER)], qidx_v, sem_i)
    cik = [pltpu.async_copy(
        actees_hbm.at[kbatch, pl.ds(krow0 + c2 * KC, KC)], kidx_v.at[c2],
        sem_i) for c2 in range(2)]
    ciq.wait()
    for d in cik:
        d.wait()
    base = _SLAB * c
    for c2 in range(2):
        for j in range(KC // 16):
            sl = pl.ds(j * 16, 16)
            loc = kidx_v[c2, sl] - base
            kidx_v[c2, sl] = jnp.minimum(jnp.maximum(loc, 0), _SLAB - 1)
    for j in range(Q_PER // 16):
        sl = pl.ds(j * 16, 16)
        loc = qidx_v[sl] - base
        qidx_v[sl] = jnp.minimum(jnp.maximum(loc, 0), _SLAB - 1)
    stg.wait()
    plsc.subcore_barrier()
    gk = [pltpu.async_copy(shared.at[kidx_v.at[c2]], krows_v.at[c2], sem_g)
          for c2 in range(2)]
    co = []
    for c2 in range(2):
        gk[c2].wait()
        co.append(pltpu.async_copy(
            krows_v.at[c2], kg_hbm.at[kbatch, pl.ds(krow0 + c2 * KC, KC)],
            sem_i))
    plsc.subcore_barrier()
    stq = pltpu.async_copy(
        xq_hbm.at[pl.ds(_SLAB * c + _STG * s, _STG)],
        shared.at[pl.ds(_STG * s, _STG)], sem_s)
    stq.wait()
    plsc.subcore_barrier()
    gq = pltpu.async_copy(shared.at[qidx_v], qrows_v, sem_q)
    gq.wait()
    co.append(pltpu.async_copy(
        qrows_v, qg_hbm.at[kbatch, pl.ds(qrow0, Q_PER)], sem_i))
    for d in co:
        d.wait()


_sc_gather = functools.partial(
    pl.kernel,
    out_type=(
        jax.ShapeDtypeStruct((B, MAX_A, D_QK), jnp.float32),
        jax.ShapeDtypeStruct((B, MAX_K, D_QK), jnp.float32),
    ),
    mesh=_SC_MESH,
    scratch_types=[
        pltpu.VMEM((Q_PER,), jnp.int32),
        pltpu.VMEM((Q_PER, D_QK), jnp.float32),
        pltpu.VMEM((2, KC), jnp.int32),
        pltpu.VMEM((2, KC, D_QK), jnp.float32),
        pltpu.VMEM_SHARED((_SLAB, D_QK), jnp.float32),
        pltpu.SemaphoreType.DMA,
        pltpu.SemaphoreType.DMA,
        pltpu.SemaphoreType.DMA,
        pltpu.SemaphoreType.DMA,
    ],
)(_gather_body)


def _attn_body(alen_ref, klen_ref, pa_ref, q_ref, k_ref,
               logits_ref, lp_ref, en_ref):
    b = pl.program_id(0)
    la = alen_ref[b]
    lk = klen_ref[b]
    q = q_ref[0]
    k = k_ref[0]
    logits = lax.dot_general(
        q, k, (((1,), (1,)), ((), ())), preferred_element_type=jnp.float32
    ) * SCALE
    arow = lax.broadcasted_iota(jnp.int32, (MAX_A, MAX_K), 0)
    kcol = lax.broadcasted_iota(jnp.int32, (MAX_A, MAX_K), 1)
    valid = (arow < la) & (kcol < lk)
    logits = jnp.where(valid, logits, NEG)
    logits_ref[0] = logits
    m = jnp.max(logits, axis=1, keepdims=True)
    ex = jnp.exp(logits - m)
    se = jnp.sum(ex, axis=1, keepdims=True)
    logp = logits - (jnp.log(se) + m)
    p = ex / se
    en = -jnp.sum(p * logp, axis=1)
    pa_row = pa_ref[pl.ds(b, 1), :]
    amask = lax.broadcasted_iota(jnp.int32, (1, MAX_A), 1) < la
    act_row = jnp.where(amask, pa_row, 1)
    act_col = jnp.transpose(act_row)
    onehot = kcol == act_col
    lp = jnp.sum(jnp.where(onehot, logp, 0.0), axis=1)
    lp_ref[0] = lp.reshape(1, MAX_A)
    en_ref[0] = en.reshape(1, MAX_A)


def _attention(alen, klen, pa, qg, kg):
    return pl.pallas_call(
        _attn_body,
        grid=(B,),
        in_specs=[
            pl.BlockSpec(memory_space=pltpu.SMEM),
            pl.BlockSpec(memory_space=pltpu.SMEM),
            pl.BlockSpec((B, MAX_A), lambda b: (0, 0)),
            pl.BlockSpec((1, MAX_A, D_QK), lambda b: (b, 0, 0)),
            pl.BlockSpec((1, MAX_K, D_QK), lambda b: (b, 0, 0)),
        ],
        out_specs=[
            pl.BlockSpec((1, MAX_A, MAX_K), lambda b: (b, 0, 0)),
            pl.BlockSpec((1, 1, MAX_A), lambda b: (b, 0, 0)),
            pl.BlockSpec((1, 1, MAX_A), lambda b: (b, 0, 0)),
        ],
        out_shape=[
            jax.ShapeDtypeStruct((B, MAX_A, MAX_K), jnp.float32),
            jax.ShapeDtypeStruct((B, 1, MAX_A), jnp.float32),
            jax.ShapeDtypeStruct((B, 1, MAX_A), jnp.float32),
        ],
    )(alen, klen, pa, qg, kg)


def _make_flatten(n, n_pad):
    def _flatten_body(pa_hbm, lp_hbm, en_hbm, qidx_hbm,
                      ac_out, lpo_out, eno_out,
                      pa_v, lp_v, en_v, qidx_v, aco_v, lpo_v, eno_v):
        wid = lax.axis_index("s") * 2 + lax.axis_index("c")

        @pl.when(wid == 0)
        def _():
            pltpu.sync_copy(pa_hbm, pa_v)
            pltpu.sync_copy(lp_hbm, lp_v)
            pltpu.sync_copy(en_hbm, en_v)
            pltpu.sync_copy(qidx_hbm, qidx_v.at[pl.ds(0, n)])
            for i in range(n_pad // 16):
                sl = pl.ds(i * 16, 16)
                idx = qidx_v[sl]
                hi = jnp.minimum(jnp.maximum(jnp.right_shift(idx, 6), 0), B - 1)
                lo = jnp.bitwise_and(idx, MAX_A - 1)
                z = jnp.bitwise_and(idx, 0)
                aco_v[sl] = plsc.load_gather(pa_v, [hi, lo])
                lpo_v[sl] = plsc.load_gather(lp_v, [hi, z, lo])
                eno_v[sl] = plsc.load_gather(en_v, [hi, z, lo])
            pltpu.sync_copy(aco_v.at[pl.ds(0, n)], ac_out)
            pltpu.sync_copy(lpo_v.at[pl.ds(0, n)], lpo_out)
            pltpu.sync_copy(eno_v.at[pl.ds(0, n)], eno_out)

    return pl.kernel(
        _flatten_body,
        out_type=(
            jax.ShapeDtypeStruct((n,), jnp.int32),
            jax.ShapeDtypeStruct((n,), jnp.float32),
            jax.ShapeDtypeStruct((n,), jnp.float32),
        ),
        mesh=_SC_MESH,
        compiler_params=pltpu.CompilerParams(needs_layout_passes=False),
        scratch_types=[
            pltpu.VMEM((B, MAX_A), jnp.int32),
            pltpu.VMEM((B, 1, MAX_A), jnp.float32),
            pltpu.VMEM((B, 1, MAX_A), jnp.float32),
            pltpu.VMEM((n_pad,), jnp.int32),
            pltpu.VMEM((n_pad,), jnp.int32),
            pltpu.VMEM((n_pad,), jnp.float32),
            pltpu.VMEM((n_pad,), jnp.float32),
        ],
    )


def kernel(x, Wq, bq, Wk, bk, actors, actor_lengths, actees, actee_lengths,
           prev_actions, qindices):
    actors_i = actors.astype(jnp.int32)
    actees_i = actees.astype(jnp.int32)
    alen = actor_lengths.astype(jnp.int32)
    klen = actee_lengths.astype(jnp.int32)
    pa = prev_actions.astype(jnp.int32)

    xq, xk = _project(x, Wq, bq, Wk, bk)
    qg, kg = _sc_gather(xq, xk, actors_i, actees_i)
    logits, lp_pad, en_pad = _attention(alen, klen, pa, qg, kg)

    n = qindices.shape[0]
    n_pad = ((n + 15) // 16) * 16
    ac_flat, lp_flat, en_flat = _make_flatten(n, n_pad)(
        pa, lp_pad, en_pad, qindices.astype(jnp.int32)
    )
    return (ac_flat, actor_lengths, lp_flat, en_flat, logits)

# --- scband reference (transcript-rebuilt; emitter-appended) ---
"""Pipeline reference for scband-padded-select-entity-action-head-69475390980244 (READ-ONLY COPY).

The authoritative reference and input builder live on the scoring server;
editing this copy changes nothing except your own understanding.
"""

import jax, jax.numpy as jnp
import numpy as np
import math

B = 16
T_PER = 1024
T = B * T_PER
D_MODEL = 1024
D_QK = 128
MAX_A = 64
MAX_K = 512


def setup_inputs(seed: int = 0) -> dict:
    key = jax.random.key(seed)
    ks = jax.random.split(key, 4)
    rng = np.random.default_rng(0)
    actor_lengths = rng.integers(16, MAX_A + 1, size=B).astype(np.int64)
    actee_lengths = rng.integers(128, MAX_K + 1, size=B).astype(np.int64)
    actors = np.zeros((B, MAX_A), dtype=np.int64)
    actees = np.zeros((B, MAX_K), dtype=np.int64)
    prev_actions = np.ones((B, MAX_A), dtype=np.int64)
    for i in range(B):
        la = int(actor_lengths[i]); lk = int(actee_lengths[i])
        actors[i, :la] = rng.choice(T_PER, size=la, replace=False) + i * T_PER
        actees[i, :lk] = rng.choice(T_PER, size=lk, replace=False) + i * T_PER
        prev_actions[i, :la] = rng.integers(0, lk, size=la)
    qindices = np.concatenate([i * MAX_A + np.arange(int(actor_lengths[i])) for i in range(B)]).astype(np.int64)
    x = jax.random.normal(ks[0], (T, D_MODEL), dtype=jnp.float32)
    Wq = jax.random.normal(ks[1], (D_MODEL, D_QK), dtype=jnp.float32) / math.sqrt(D_MODEL)
    bq = jnp.zeros((D_QK,), dtype=jnp.float32)
    Wk = jax.random.normal(ks[2], (D_MODEL, D_QK), dtype=jnp.float32) / math.sqrt(D_MODEL)
    bk = jnp.zeros((D_QK,), dtype=jnp.float32)
    return {"x": x, "Wq": Wq, "bq": bq, "Wk": Wk, "bk": bk,
            "actors": jnp.asarray(actors), "actor_lengths": jnp.asarray(actor_lengths),
            "actees": jnp.asarray(actees), "actee_lengths": jnp.asarray(actee_lengths),
            "prev_actions": jnp.asarray(prev_actions), "qindices": jnp.asarray(qindices)}


def reference(x, Wq, bq, Wk, bk, actors, actor_lengths, actees, actee_lengths, prev_actions, qindices):
    # padded-query construction: zeros at invalid slots (matches scatter into zeros buffer)
    query_mask = (jnp.arange(MAX_A)[None, :] < actor_lengths[:, None]).astype(jnp.float32)
    # padded-key construction: ones at invalid slots (matches scatter into ones buffer)
    key_mask = (jnp.arange(MAX_K)[None, :] < actee_lengths[:, None]).astype(jnp.float32)
    actor_embeds = jnp.take(x, actors, axis=0)           # [B, MAX_A, D_MODEL] gather
    queries = actor_embeds @ Wq + bq                     # query_proj
    padded_queries = queries * query_mask[:, :, None]
    actee_embeds = jnp.take(x, actees, axis=0)           # [B, MAX_K, D_MODEL] gather
    keys = actee_embeds @ Wk + bk                        # key_proj
    padded_keys = jnp.where(key_mask[:, :, None] > 0, keys, 1.0)
    logits = jnp.einsum('bad,bkd->bak', padded_queries, padded_keys) * (1.0 / math.sqrt(D_QK))
    logits_mask = query_mask[:, :, None] * key_mask[:, None, :]
    logits = jnp.where(logits_mask == 0, -1000000000.0, logits)
    logp = jax.nn.log_softmax(logits, axis=-1)
    # prev_actions path (deterministic): padded action buffer is ones, valid slots overwritten
    action = jnp.where(query_mask > 0, prev_actions, 1)
    logprob = jnp.take_along_axis(logp, action[:, :, None], axis=-1).squeeze(-1)
    probs = jnp.exp(logp)
    entropy = -jnp.sum(probs * logp, axis=-1)
    action_flat = action.reshape(-1)[qindices]
    logprob_flat = logprob.reshape(-1)[qindices]
    entropy_flat = entropy.reshape(-1)[qindices]
    return (action_flat, actor_lengths, logprob_flat, entropy_flat, logits)

if __name__ == "__main__":
    import jax
    _d = setup_inputs()
    print(jax.jit(kernel)(*tuple(_d.values())))

</pallas_src>

<mosaic_0001>
#map = affine_map<(d0, d1) -> (0, 0)>
#map1 = affine_map<(d0, d1) -> (0, 0, 0)>
module attributes {stable_mosaic.version = 14 : i64} {
  func.func @_gather_body(%arg0: i32, %arg1: i32, %arg2: memref<16384x128xf32, #tpu.memory_space<hbm>>, %arg3: memref<16384x128xf32, #tpu.memory_space<hbm>>, %arg4: memref<16x64xi32, #tpu.memory_space<hbm>>, %arg5: memref<16x512xi32, #tpu.memory_space<hbm>>, %arg6: memref<16x64x128xf32, #tpu.memory_space<hbm>>, %arg7: memref<16x512x128xf32, #tpu.memory_space<hbm>>, %arg8: memref<32xi32, #tpu.memory_space<vmem>>, %arg9: memref<32x128xf32, #tpu.memory_space<vmem>>, %arg10: memref<2x128xi32, #tpu.memory_space<vmem>>, %arg11: memref<2x128x128xf32, #tpu.memory_space<vmem>>, %arg12: memref<8192x128xf32, #tpu.memory_space<vmem_shared>>, %arg13: memref<!tpu.dma_semaphore, #tpu.memory_space<semaphore_mem>>, %arg14: memref<!tpu.dma_semaphore, #tpu.memory_space<semaphore_mem>>, %arg15: memref<!tpu.dma_semaphore, #tpu.memory_space<semaphore_mem>>, %arg16: memref<!tpu.dma_semaphore, #tpu.memory_space<semaphore_mem>>) attributes {dimension_semantics = [#tpu.dimension_semantics<core_parallel>, #tpu.dimension_semantics<subcore_parallel>], iteration_bounds = array<i64: 2, 16>, scalar_prefetch = 0 : i64, scratch_operands = 9 : i64, tpu.core_type = #tpu.core_type<sc_vector_subcore>, window_params = [{transform_indices = #map}, {transform_indices = #map}, {transform_indices = #map}, {transform_indices = #map}, {transform_indices = #map1}, {transform_indices = #map1}]} {
    %mul3A = arith.constant 8192 : i32
    %mul3A_0 = arith.muli %mul3A, %arg0 : i32
    %mul3A_1 = arith.constant 512 : i32
    %mul3A_2 = arith.muli %mul3A_1, %arg1 : i32
    %add3A = arith.addi %mul3A_0, %mul3A_2 : i32
    %mul3A_3 = arith.constant 512 : i32
    %mul3A_4 = arith.muli %mul3A_3, %arg1 : i32
    %dma_start3A = arith.constant 0 : i32
    %dma_start3A_5 = tpu.memref_slice %arg12[%mul3A_4, %dma_start3A] : memref<8192x128xf32, #tpu.memory_space<vmem_shared>> -> memref<512x128xf32, #tpu.memory_space<vmem_shared>>
    %dma_start3A_6 = arith.constant 0 : i32
    %dma_start3A_7 = tpu.memref_slice %arg3[%add3A, %dma_start3A_6] : memref<16384x128xf32, #tpu.memory_space<hbm>> -> memref<512x128xf32, #tpu.memory_space<hbm>>
    tpu.enqueue_dma source(%dma_start3A_7 : memref<512x128xf32, #tpu.memory_space<hbm>>) target(%dma_start3A_5 : memref<512x128xf32, #tpu.memory_space<vmem_shared>>) target_semaphore(%arg15 : memref<!tpu.dma_semaphore, #tpu.memory_space<semaphore_mem>>)
    %mul3A_8 = arith.constant 8 : i32
    %mul3A_9 = arith.muli %mul3A_8, %arg0 : i32
    %shift_right_arithmetic3A = arith.constant 1 : i32
    %shift_right_arithmetic3A_10 = arith.shrsi %arg1, %shift_right_arithmetic3A : i32
    %add3A_11 = arith.addi %mul3A_9, %shift_right_arithmetic3A_10 : i32
    %and3A = arith.constant 1 : i32
    %and3A_12 = arith.andi %arg1, %and3A : i32
    %mul3A_13 = arith.constant 256 : i32
    %mul3A_14 = arith.muli %and3A_12, %mul3A_13 : i32
    %mul3A_15 = arith.constant 32 : i32
    %mul3A_16 = arith.muli %and3A_12, %mul3A_15 : i32
    %dma_start3A_17 = tpu.memref_slice %arg4[%add3A_11, %mul3A_16] : memref<16x64xi32, #tpu.memory_space<hbm>> -> memref<1x32xi32, #tpu.memory_space<hbm>>
    %dma_start3A_18 = tpu.memref_squeeze %dma_start3A_17 : memref<1x32xi32, #tpu.memory_space<hbm>> -> memref<32xi32, #tpu.memory_space<hbm>>
    %dma_start3A_19 = tpu.memref_slice %arg4[%add3A_11, %mul3A_16] : memref<16x64xi32, #tpu.memory_space<hbm>> -> memref<1x32xi32, #tpu.memory_space<hbm>>
    %dma_start3A_20 = tpu.memref_squeeze %dma_start3A_19 : memref<1x32xi32, #tpu.memory_space<hbm>> -> memref<32xi32, #tpu.memory_space<hbm>>
    tpu.enqueue_dma source(%dma_start3A_20 : memref<32xi32, #tpu.memory_space<hbm>>) target(%arg8 : memref<32xi32, #tpu.memory_space<vmem>>) target_semaphore(%arg13 : memref<!tpu.dma_semaphore, #tpu.memory_space<semaphore_mem>>)
    %add3A_21 = arith.constant 0 : i32
    %add3A_22 = arith.addi %mul3A_14, %add3A_21 : i32
    %dma_start3A_23 = arith.constant 0 : i32
    %dma_start3A_24 = arith.constant 0 : i32
    %dma_start3A_25 = tpu.memref_slice %arg10[%dma_start3A_23, %dma_start3A_24] : memref<2x128xi32, #tpu.memory_space<vmem>> -> memref<1x128xi32, #tpu.memory_space<vmem>>
    %dma_start3A_26 = tpu.memref_squeeze %dma_start3A_25 : memref<1x128xi32, #tpu.memory_space<vmem>> -> memref<128xi32, #tpu.memory_space<vmem>>
    %dma_start3A_27 = tpu.memref_slice %arg5[%add3A_11, %add3A_22] : memref<16x512xi32, #tpu.memory_space<hbm>> -> memref<1x128xi32, #tpu.memory_space<hbm>>
    %dma_start3A_28 = tpu.memref_squeeze %dma_start3A_27 : memref<1x128xi32, #tpu.memory_space<hbm>> -> memref<128xi32, #tpu.memory_space<hbm>>
    %dma_start3A_29 = arith.constant 0 : i32
    %dma_start3A_30 = tpu.memref_slice %arg10[%dma_start3A_23, %dma_start3A_29] : memref<2x128xi32, #tpu.memory_space<vmem>> -> memref<1x128xi32, #tpu.memory_space<vmem>>
    %dma_start3A_31 = tpu.memref_squeeze %dma_start3A_30 : memref<1x128xi32, #tpu.memory_space<vmem>> -> memref<128xi32, #tpu.memory_space<vmem>>
    %dma_start3A_32 = tpu.memref_slice %arg5[%add3A_11, %add3A_22] : memref<16x512xi32, #tpu.memory_space<hbm>> -> memref<1x128xi32, #tpu.memory_space<hbm>>
    %dma_start3A_33 = tpu.memref_squeeze %dma_start3A_32 : memref<1x128xi32, #tpu.memory_space<hbm>> -> memref<128xi32, #tpu.memory_space<hbm>>
    tpu.enqueue_dma source(%dma_start3A_33 : memref<128xi32, #tpu.memory_space<hbm>>) target(%dma_start3A_31 : memref<128xi32, #tpu.memory_space<vmem>>) target_semaphore(%arg13 : memref<!tpu.dma_semaphore, #tpu.memory_space<semaphore_mem>>)
    %add3A_34 = arith.constant 128 : i32
    %add3A_35 = arith.addi %mul3A_14, %add3A_34 : i32
    %dma_start3A_36 = arith.constant 1 : i32
    %dma_start3A_37 = arith.constant 0 : i32
    %dma_start3A_38 = tpu.memref_slice %arg10[%dma_start3A_36, %dma_start3A_37] : memref<2x128xi32, #tpu.memory_space<vmem>> -> memref<1x128xi32, #tpu.memory_space<vmem>>
    %dma_start3A_39 = tpu.memref_squeeze %dma_start3A_38 : memref<1x128xi32, #tpu.memory_space<vmem>> -> memref<128xi32, #tpu.memory_space<vmem>>
    %dma_start3A_40 = tpu.memref_slice %arg5[%add3A_11, %add3A_35] : memref<16x512xi32, #tpu.memory_space<hbm>> -> memref<1x128xi32, #tpu.memory_space<hbm>>
    %dma_start3A_41 = tpu.memref_squeeze %dma_start3A_40 : memref<1x128xi32, #tpu.memory_space<hbm>> -> memref<128xi32, #tpu.memory_space<hbm>>
    %dma_start3A_42 = arith.constant 0 : i32
    %dma_start3A_43 = tpu.memref_slice %arg10[%dma_start3A_36, %dma_start3A_42] : memref<2x128xi32, #tpu.memory_space<vmem>> -> memref<1x128xi32, #tpu.memory_space<vmem>>
    %dma_start3A_44 = tpu.memref_squeeze %dma_start3A_43 : memref<1x128xi32, #tpu.memory_space<vmem>> -> memref<128xi32, #tpu.memory_space<vmem>>
    %dma_start3A_45 = tpu.memref_slice %arg5[%add3A_11, %add3A_35] : memref<16x512xi32, #tpu.memory_space<hbm>> -> memref<1x128xi32, #tpu.memory_space<hbm>>
    %dma_start3A_46 = tpu.memref_squeeze %dma_start3A_45 : memref<1x128xi32, #tpu.memory_space<hbm>> -> memref<128xi32, #tpu.memory_space<hbm>>
    tpu.enqueue_dma source(%dma_start3A_46 : memref<128xi32, #tpu.memory_space<hbm>>) target(%dma_start3A_44 : memref<128xi32, #tpu.memory_space<vmem>>) target_semaphore(%arg13 : memref<!tpu.dma_semaphore, #tpu.memory_space<semaphore_mem>>)
    %dma_wait3A = tpu.memref_slice %arg4[%add3A_11, %mul3A_16] : memref<16x64xi32, #tpu.memory_space<hbm>> -> memref<1x32xi32, #tpu.memory_space<hbm>>
    %dma_wait3A_47 = tpu.memref_squeeze %dma_wait3A : memref<1x32xi32, #tpu.memory_space<hbm>> -> memref<32xi32, #tpu.memory_space<hbm>>
    %dma_wait3A_48 = tpu.memref_slice %arg4[%add3A_11, %mul3A_16] : memref<16x64xi32, #tpu.memory_space<hbm>> -> memref<1x32xi32, #tpu.memory_space<hbm>>
    %dma_wait3A_49 = tpu.memref_squeeze %dma_wait3A_48 : memref<1x32xi32, #tpu.memory_space<hbm>> -> memref<32xi32, #tpu.memory_space<hbm>>
    tpu.wait_dma2 semaphore(%arg13 : memref<!tpu.dma_semaphore, #tpu.memory_space<semaphore_mem>>) src(%dma_wait3A_49 : memref<32xi32, #tpu.memory_space<hbm>>) dst(%arg8 : memref<32xi32, #tpu.memory_space<vmem>>)
    %dma_wait3A_50 = arith.constant 0 : i32
    %dma_wait3A_51 = arith.constant 0 : i32
    %dma_wait3A_52 = tpu.memref_slice %arg10[%dma_wait3A_50, %dma_wait3A_51] : memref<2x128xi32, #tpu.memory_space<vmem>> -> memref<1x128xi32, #tpu.memory_space<vmem>>
    %dma_wait3A_53 = tpu.memref_squeeze %dma_wait3A_52 : memref<1x128xi32, #tpu.memory_space<vmem>> -> memref<128xi32, #tpu.memory_space<vmem>>
    %dma_wait3A_54 = tpu.memref_slice %arg5[%add3A_11, %add3A_22] : memref<16x512xi32, #tpu.memory_space<hbm>> -> memref<1x128xi32, #tpu.memory_space<hbm>>
    %dma_wait3A_55 = tpu.memref_squeeze %dma_wait3A_54 : memref<1x128xi32, #tpu.memory_space<hbm>> -> memref<128xi32, #tpu.memory_space<hbm>>
    %dma_wait3A_56 = arith.constant 0 : i32
    %dma_wait3A_57 = tpu.memref_slice %arg10[%dma_wait3A_50, %dma_wait3A_56] : memref<2x128xi32, #tpu.memory_space<vmem>> -> memref<1x128xi32, #tpu.memory_space<vmem>>
    %dma_wait3A_58 = tpu.memref_squeeze %dma_wait3A_57 : memref<1x128xi32, #tpu.memory_space<vmem>> -> memref<128xi32, #tpu.memory_space<vmem>>
    %dma_wait3A_59 = tpu.memref_slice %arg5[%add3A_11, %add3A_22] : memref<16x512xi32, #tpu.memory_space<hbm>> -> memref<1x128xi32, #tpu.memory_space<hbm>>
    %dma_wait3A_60 = tpu.memref_squeeze %dma_wait3A_59 : memref<1x128xi32, #tpu.memory_space<hbm>> -> memref<128xi32, #tpu.memory_space<hbm>>
    tpu.wait_dma2 semaphore(%arg13 : memref<!tpu.dma_semaphore, #tpu.memory_space<semaphore_mem>>) src(%dma_wait3A_60 : memref<128xi32, #tpu.memory_space<hbm>>) dst(%dma_wait3A_58 : memref<128xi32, #tpu.memory_space<vmem>>)
    %dma_wait3A_61 = arith.constant 1 : i32
    %dma_wait3A_62 = arith.constant 0 : i32
    %dma_wait3A_63 = tpu.memref_slice %arg10[%dma_wait3A_61, %dma_wait3A_62] : memref<2x128xi32, #tpu.memory_space<vmem>> -> memref<1x128xi32, #tpu.memory_space<vmem>>
    %dma_wait3A_64 = tpu.memref_squeeze %dma_wait3A_63 : memref<1x128xi32, #tpu.memory_space<vmem>> -> memref<128xi32, #tpu.memory_space<vmem>>
    %dma_wait3A_65 = tpu.memref_slice %arg5[%add3A_11, %add3A_35] : memref<16x512xi32, #tpu.memory_space<hbm>> -> memref<1x128xi32, #tpu.memory_space<hbm>>
    %dma_wait3A_66 = tpu.memref_squeeze %dma_wait3A_65 : memref<1x128xi32, #tpu.memory_space<hbm>> -> memref<128xi32, #tpu.memory_space<hbm>>
    %dma_wait3A_67 = arith.constant 0 : i32
    %dma_wait3A_68 = tpu.memref_slice %arg10[%dma_wait3A_61, %dma_wait3A_67] : memref<2x128xi32, #tpu.memory_space<vmem>> -> memref<1x128xi32, #tpu.memory_space<vmem>>
    %dma_wait3A_69 = tpu.memref_squeeze %dma_wait3A_68 : memref<1x128xi32, #tpu.memory_space<vmem>> -> memref<128xi32, #tpu.memory_space<vmem>>
    %dma_wait3A_70 = tpu.memref_slice %arg5[%add3A_11, %add3A_35] : memref<16x512xi32, #tpu.memory_space<hbm>> -> memref<1x128xi32, #tpu.memory_space<hbm>>
    %dma_wait3A_71 = tpu.memref_squeeze %dma_wait3A_70 : memref<1x128xi32, #tpu.memory_space<hbm>> -> memref<128xi32, #tpu.memory_space<hbm>>
    tpu.wait_dma2 semaphore(%arg13 : memref<!tpu.dma_semaphore, #tpu.memory_space<semaphore_mem>>) src(%dma_wait3A_71 : memref<128xi32, #tpu.memory_space<hbm>>) dst(%dma_wait3A_69 : memref<128xi32, #tpu.memory_space<vmem>>)
    %mul3A_72 = arith.constant 8192 : i32
    %mul3A_73 = arith.muli %mul3A_72, %arg0 : i32
    %get3A = arith.constant 0 : i32
    %get3A_74 = arith.index_cast %get3A : i32 to index
    %get3A_75 = arith.constant 0 : index
    %get3A_76 = tpu.vector_load %arg10[%get3A_74, %get3A_75] {strides = array<i32>} : memref<2x128xi32, #tpu.memory_space<vmem>>, vector<1x16xi32>,
    %get3A_77 = vector.shape_cast %get3A_76 : vector<1x16xi32> to vector<16xi32>
    %sub3A = vector.broadcast %mul3A_73 : i32 to vector<16xi32>
    %sub3A_78 = arith.subi %get3A_77, %sub3A : vector<16xi32>
    %max3A = arith.constant 0 : i32
    %max3A_79 = vector.broadcast %max3A : i32 to vector<16xi32>
    %max3A_80 = arith.maxsi %sub3A_78, %max3A_79 : vector<16xi32>
    %min3A = arith.constant 8191 : i32
    %min3A_81 = vector.broadcast %min3A : i32 to vector<16xi32>
    %min3A_82 = arith.minsi %max3A_80, %min3A_81 : vector<16xi32>
    %swap3A = arith.constant 0 : i32
    %swap3A_83 = arith.index_cast %swap3A : i32 to index
    %swap3A_84 = arith.constant 0 : index
    %swap3A_85 = tpu.vector_load %arg10[%swap3A_83, %swap3A_84] {strides = array<i32>} : memref<2x128xi32, #tpu.memory_space<vmem>>, vector<1x16xi32>,
    %swap3A_86 = vector.shape_cast %swap3A_85 : vector<1x16xi32> to vector<16xi32>
    %swap3A_87 = vector.shape_cast %min3A_82 : vector<16xi32> to vector<1x16xi32>
    tpu.vector_store %arg10[%swap3A_83, %swap3A_84], %swap3A_87 {strides = array<i32>} : memref<2x128xi32, #tpu.memory_space<vmem>>, vector<1x16xi32>,
    %get3A_88 = arith.constant 0 : i32
    %get3A_89 = arith.index_cast %get3A_88 : i32 to index
    %get3A_90 = arith.constant 16 : index
    %get3A_91 = tpu.vector_load %arg10[%get3A_89, %get3A_90] {strides = array<i32>} : memref<2x128xi32, #tpu.memory_space<vmem>>, vector<1x16xi32>,
    %get3A_92 = vector.shape_cast %get3A_91 : vector<1x16xi32> to vector<16xi32>
    %sub3A_93 = vector.broadcast %mul3A_73 : i32 to vector<16xi32>
    %sub3A_94 = arith.subi %get3A_92, %sub3A_93 : vector<16xi32>
    %max3A_95 = arith.constant 0 : i32
    %max3A_96 = vector.broadcast %max3A_95 : i32 to vector<16xi32>
    %max3A_97 = arith.maxsi %sub3A_94, %max3A_96 : vector<16xi32>
    %min3A_98 = arith.constant 8191 : i32
    %min3A_99 = vector.broadcast %min3A_98 : i32 to vector<16xi32>
    %min3A_100 = arith.minsi %max3A_97, %min3A_99 : vector<16xi32>
    %swap3A_101 = arith.constant 0 : i32
    %swap3A_102 = arith.index_cast %swap3A_101 : i32 to index
    %swap3A_103 = arith.constant 16 : index
    %swap3A_104 = tpu.vector_load %arg10[%swap3A_102, %swap3A_103] {strides = array<i32>} : memref<2x128xi32, #tpu.memory_space<vmem>>, vector<1x16xi32>,
    %swap3A_105 = vector.shape_cast %swap3A_104 : vector<1x16xi32> to vector<16xi32>
    %swap3A_106 = vector.shape_cast %min3A_100 : vector<16xi32> to vector<1x16xi32>
    tpu.vector_store %arg10[%swap3A_102, %swap3A_103], %swap3A_106 {strides = array<i32>} : memref<2x128xi32, #tpu.memory_space<vmem>>, vector<1x16xi32>,
    %get3A_107 = arith.constant 0 : i32
    %get3A_108 = arith.index_cast %get3A_107 : i32 to index
    %get3A_109 = arith.constant 32 : index
    %get3A_110 = tpu.vector_load %arg10[%get3A_108, %get3A_109] {strides = array<i32>} : memref<2x128xi32, #tpu.memory_space<vmem>>, vector<1x16xi32>,
    %get3A_111 = vector.shape_cast %get3A_110 : vector<1x16xi32> to vector<16xi32>
    %sub3A_112 = vector.broadcast %mul3A_73 : i32 to vector<16xi32>
    %sub3A_113 = arith.subi %get3A_111, %sub3A_112 : vector<16xi32>
    %max3A_114 = arith.constant 0 : i32
    %max3A_115 = vector.broadcast %max3A_114 : i32 to vector<16xi32>
    %max3A_116 = arith.maxsi %sub3A_113, %max3A_115 : vector<16xi32>
    %min3A_117 = arith.constant 8191 : i32
    %min3A_118 = vector.broadcast %min3A_117 : i32 to vector<16xi32>
    %min3A_119 = arith.minsi %max3A_116, %min3A_118 : vector<16xi32>
    %swap3A_120 = arith.constant 0 : i32
    %swap3A_121 = arith.index_cast %swap3A_120 : i32 to index
    %swap3A_122 = arith.constant 32 : index
    %swap3A_123 = tpu.vector_load %arg10[%swap3A_121, %swap3A_122] {strides = array<i32>} : memref<2x128xi32, #tpu.memory_space<vmem>>, vector<1x16xi32>,
    %swap3A_124 = vector.shape_cast %swap3A_123 : vector<1x16xi32> to vector<16xi32>
    %swap3A_125 = vector.shape_cast %min3A_119 : vector<16xi32> to vector<1x16xi32>
    tpu.vector_store %arg10[%swap3A_121, %swap3A_122], %swap3A_125 {strides = array<i32>} : memref<2x128xi32, #tpu.memory_space<vmem>>, vector<1x16xi32>,
    %get3A_126 = arith.constant 0 : i32
    %get3A_127 = arith.index_cast %get3A_126 : i32 to index
    %get3A_128 = arith.constant 48 : index
    %get3A_129 = tpu.vector_load %arg10[%get3A_127, %get3A_128] {strides = array<i32>} : memref<2x128xi32, #tpu.memory_space<vmem>>, vector<1x16xi32>,
    %get3A_130 = vector.shape_cast %get3A_129 : vector<1x16xi32> to vector<16xi32>
    %sub3A_131 = vector.broadcast %mul3A_73 : i32 to vector<16xi32>
    %sub3A_132 = arith.subi %get3A_130, %sub3A_131 : vector<16xi32>
    %max3A_133 = arith.constant 0 : i32
    %max3A_134 = vector.broadcast %max3A_133 : i32 to vector<16xi32>
    %max3A_135 = arith.maxsi %sub3A_132, %max3A_134 : vector<16xi32>
    %min3A_136 = arith.constant 8191 : i32
    %min3A_137 = vector.broadcast %min3A_136 : i32 to vector<16xi32>
    %min3A_138 = arith.minsi %max3A_135, %min3A_137 : vector<16xi32>
    %swap3A_139 = arith.constant 0 : i32
    %swap3A_140 = arith.index_cast %swap3A_139 : i32 to index
    %swap3A_141 = arith.constant 48 : index
    %swap3A_142 = tpu.vector_load %arg10[%swap3A_140, %swap3A_141] {strides = array<i32>} : memref<2x128xi32, #tpu.memory_space<vmem>>, vector<1x16xi32>,
    %swap3A_143 = vector.shape_cast %swap3A_142 : vector<1x16xi32> to vector<16xi32>
    %swap3A_144 = vector.shape_cast %min3A_138 : vector<16xi32> to vector<1x16xi32>
    tpu.vector_store %arg10[%swap3A_140, %swap3A_141], %swap3A_144 {strides = array<i32>} : memref<2x128xi32, #tpu.memory_space<vmem>>, vector<1x16xi32>,
    %get3A_145 = arith.constant 0 : i32
    %get3A_146 = arith.index_cast %get3A_145 : i32 to index
    %get3A_147 = arith.constant 64 : index
    %get3A_148 = tpu.vector_load %arg10[%get3A_146, %get3A_147] {strides = array<i32>} : memref<2x128xi32, #tpu.memory_space<vmem>>, vector<1x16xi32>,
    %get3A_149 = vector.shape_cast %get3A_148 : vector<1x16xi32> to vector<16xi32>
    %sub3A_150 = vector.broadcast %mul3A_73 : i32 to vector<16xi32>
    %sub3A_151 = arith.subi %get3A_149, %sub3A_150 : vector<16xi32>
    %max3A_152 = arith.constant 0 : i32
    %max3A_153 = vector.broadcast %max3A_152 : i32 to vector<16xi32>
    %max3A_154 = arith.maxsi %sub3A_151, %max3A_153 : vector<16xi32>
    %min3A_155 = arith.constant 8191 : i32
    %min3A_156 = vector.broadcast %min3A_155 : i32 to vector<16xi32>
    %min3A_157 = arith.minsi %max3A_154, %min3A_156 : vector<16xi32>
    %swap3A_158 = arith.constant 0 : i32
    %swap3A_159 = arith.index_cast %swap3A_158 : i32 to index
    %swap3A_160 = arith.constant 64 : index
    %swap3A_161 = tpu.vector_load %arg10[%swap3A_159, %swap3A_160] {strides = array<i32>} : memref<2x128xi32, #tpu.memory_space<vmem>>, vector<1x16xi32>,
    %swap3A_162 = vector.shape_cast %swap3A_161 : vector<1x16xi32> to vector<16xi32>
    %swap3A_163 = vector.shape_cast %min3A_157 : vector<16xi32> to vector<1x16xi32>
    tpu.vector_store %arg10[%swap3A_159, %swap3A_160], %swap3A_163 {strides = array<i32>} : memref<2x128xi32, #tpu.memory_space<vmem>>, vector<1x16xi32>,
    %get3A_164 = arith.constant 0 : i32
    %get3A_165 = arith.index_cast %get3A_164 : i32 to index
    %get3A_166 = arith.constant 80 : index
    %get3A_167 = tpu.vector_load %arg10[%get3A_165, %get3A_166] {strides = array<i32>} : memref<2x128xi32, #tpu.memory_space<vmem>>, vector<1x16xi32>,
    %get3A_168 = vector.shape_cast %get3A_167 : vector<1x16xi32> to vector<16xi32>
    %sub3A_169 = vector.broadcast %mul3A_73 : i32 to vector<16xi32>
    %sub3A_170 = arith.subi %get3A_168, %sub3A_169 : vector<16xi32>
    %max3A_171 = arith.constant 0 : i32
    %max3A_172 = vector.broadcast %max3A_171 : i32 to vector<16xi32>
    %max3A_173 = arith.maxsi %sub3A_170, %max3A_172 : vector<16xi32>
    %min3A_174 = arith.constant 8191 : i32
    %min3A_175 = vector.broadcast %min3A_174 : i32 to vector<16xi32>
    %min3A_176 = arith.minsi %max3A_173, %min3A_175 : vector<16xi32>
    %swap3A_177 = arith.constant 0 : i32
    %swap3A_178 = arith.index_cast %swap3A_177 : i32 to index
    %swap3A_179 = arith.constant 80 : index
    %swap3A_180 = tpu.vector_load %arg10[%swap3A_178, %swap3A_179] {strides = array<i32>} : memref<2x128xi32, #tpu.memory_space<vmem>>, vector<1x16xi32>,
    %swap3A_181 = vector.shape_cast %swap3A_180 : vector<1x16xi32> to vector<16xi32>
    %swap3A_182 = vector.shape_cast %min3A_176 : vector<16xi32> to vector<1x16xi32>
    tpu.vector_store %arg10[%swap3A_178, %swap3A_179], %swap3A_182 {strides = array<i32>} : memref<2x128xi32, #tpu.memory_space<vmem>>, vector<1x16xi32>,
    %get3A_183 = arith.constant 0 : i32
    %get3A_184 = arith.index_cast %get3A_183 : i32 to index
    %get3A_185 = arith.constant 96 : index
    %get3A_186 = tpu.vector_load %arg10[%get3A_184, %get3A_185] {strides = array<i32>} : memref<2x128xi32, #tpu.memory_space<vmem>>, vector<1x16xi32>,
    %get3A_187 = vector.shape_cast %get3A_186 : vector<1x16xi32> to vector<16xi32>
    %sub3A_188 = vector.broadcast %mul3A_73 : i32 to vector<16xi32>
    %sub3A_189 = arith.subi %get3A_187, %sub3A_188 : vector<16xi32>
    %max3A_190 = arith.constant 0 : i32
    %max3A_191 = vector.broadcast %max3A_190 : i32 to vector<16xi32>
    %max3A_192 = arith.maxsi %sub3A_189, %max3A_191 : vector<16xi32>
    %min3A_193 = arith.constant 8191 : i32
    %min3A_194 = vector.broadcast %min3A_193 : i32 to vector<16xi32>
    %min3A_195 = arith.minsi %max3A_192, %min3A_194 : vector<16xi32>
    %swap3A_196 = arith.constant 0 : i32
    %swap3A_197 = arith.index_cast %swap3A_196 : i32 to index
    %swap3A_198 = arith.constant 96 : index
    %swap3A_199 = tpu.vector_load %arg10[%swap3A_197, %swap3A_198] {strides = array<i32>} : memref<2x128xi32, #tpu.memory_space<vmem>>, vector<1x16xi32>,
    %swap3A_200 = vector.shape_cast %swap3A_199 : vector<1x16xi32> to vector<16xi32>
    %swap3A_201 = vector.shape_cast %min3A_195 : vector<16xi32> to vector<1x16xi32>
    tpu.vector_store %arg10[%swap3A_197, %swap3A_198], %swap3A_201 {strides = array<i32>} : memref<2x128xi32, #tpu.memory_space<vmem>>, vector<1x16xi32>,
    %get3A_202 = arith.constant 0 : i32
    %get3A_203 = arith.index_cast %get3A_202 : i32 to index
    %get3A_204 = arith.constant 112 : index
    %get3A_205 = tpu.vector_load %arg10[%get3A_203, %get3A_204] {strides = array<i32>} : memref<2x128xi32, #tpu.memory_space<vmem>>, vector<1x16xi32>,
    %get3A_206 = vector.shape_cast %get3A_205 : vector<1x16xi32> to vector<16xi32>
    %sub3A_207 = vector.broadcast %mul3A_73 : i32 to vector<16xi32>
    %sub3A_208 = arith.subi %get3A_206, %sub3A_207 : vector<16xi32>
    %max3A_209 = arith.constant 0 : i32
    %max3A_210 = vector.broadcast %max3A_209 : i32 to vector<16xi32>
    %max3A_211 = arith.maxsi %sub3A_208, %max3A_210 : vector<16xi32>
    %min3A_212 = arith.constant 8191 : i32
    %min3A_213 = vector.broadcast %min3A_212 : i32 to vector<16xi32>
    %min3A_214 = arith.minsi %max3A_211, %min3A_213 : vector<16xi32>
    %swap3A_215 = arith.constant 0 : i32
    %swap3A_216 = arith.index_cast %swap3A_215 : i32 to index
    %swap3A_217 = arith.constant 112 : index
    %swap3A_218 = tpu.vector_load %arg10[%swap3A_216, %swap3A_217] {strides = array<i32>} : memref<2x128xi32, #tpu.memory_space<vmem>>, vector<1x16xi32>,
    %swap3A_219 = vector.shape_cast %swap3A_218 : vector<1x16xi32> to vector<16xi32>
    %swap3A_220 = vector.shape_cast %min3A_214 : vector<16xi32> to vector<1x16xi32>
    tpu.vector_store %arg10[%swap3A_216, %swap3A_217], %swap3A_220 {strides = array<i32>} : memref<2x128xi32, #tpu.memory_space<vmem>>, vector<1x16xi32>,
    %get3A_221 = arith.constant 1 : i32
    %get3A_222 = arith.index_cast %get3A_221 : i32 to index
    %get3A_223 = arith.constant 0 : index
    %get3A_224 = tpu.vector_load %arg10[%get3A_222, %get3A_223] {strides = array<i32>} : memref<2x128xi32, #tpu.memory_space<vmem>>, vector<1x16xi32>,
    %get3A_225 = vector.shape_cast %get3A_224 : vector<1x16xi32> to vector<16xi32>
    %sub3A_226 = vector.broadcast %mul3A_73 : i32 to vector<16xi32>
    %sub3A_227 = arith.subi %get3A_225, %sub3A_226 : vector<16xi32>
    %max3A_228 = arith.constant 0 : i32
    %max3A_229 = vector.broadcast %max3A_228 : i32 to vector<16xi32>
    %max3A_230 = arith.maxsi %sub3A_227, %max3A_229 : vector<16xi32>
    %min3A_231 = arith.constant 8191 : i32
    %min3A_232 = vector.broadcast %min3A_231 : i32 to vector<16xi32>
    %min3A_233 = arith.minsi %max3A_230, %min3A_232 : vector<16xi32>
    %swap3A_234 = arith.constant 1 : i32
    %swap3A_235 = arith.index_cast %swap3A_234 : i32 to index
    %swap3A_236 = arith.constant 0 : index
    %swap3A_237 = tpu.vector_load %arg10[%swap3A_235, %swap3A_236] {strides = array<i32>} : memref<2x128xi32, #tpu.memory_space<vmem>>, vector<1x16xi32>,
    %swap3A_238 = vector.shape_cast %swap3A_237 : vector<1x16xi32> to vector<16xi32>
    %swap3A_239 = vector.shape_cast %min3A_233 : vector<16xi32> to vector<1x16xi32>
    tpu.vector_store %arg10[%swap3A_235, %swap3A_236], %swap3A_239 {strides = array<i32>} : memref<2x128xi32, #tpu.memory_space<vmem>>, vector<1x16xi32>,
    %get3A_240 = arith.constant 1 : i32
    %get3A_241 = arith.index_cast %get3A_240 : i32 to index
    %get3A_242 = arith.constant 16 : index
    %get3A_243 = tpu.vector_load %arg10[%get3A_241, %get3A_242] {strides = array<i32>} : memref<2x128xi32, #tpu.memory_space<vmem>>, vector<1x16xi32>,
    %get3A_244 = vector.shape_cast %get3A_243 : vector<1x16xi32> to vector<16xi32>
    %sub3A_245 = vector.broadcast %mul3A_73 : i32 to vector<16xi32>
    %sub3A_246 = arith.subi %get3A_244, %sub3A_245 : vector<16xi32>
    %max3A_247 = arith.constant 0 : i32
    %max3A_248 = vector.broadcast %max3A_247 : i32 to vector<16xi32>
    %max3A_249 = arith.maxsi %sub3A_246, %max3A_248 : vector<16xi32>
    %min3A_250 = arith.constant 8191 : i32
    %min3A_251 = vector.broadcast %min3A_250 : i32 to vector<16xi32>
    %min3A_252 = arith.minsi %max3A_249, %min3A_251 : vector<16xi32>
    %swap3A_253 = arith.constant 1 : i32
    %swap3A_254 = arith.index_cast %swap3A_253 : i32 to index
    %swap3A_255 = arith.constant 16 : index
    %swap3A_256 = tpu.vector_load %arg10[%swap3A_254, %swap3A_255] {strides = array<i32>} : memref<2x128xi32, #tpu.memory_space<vmem>>, vector<1x16xi32>,
    %swap3A_257 = vector.shape_cast %swap3A_256 : vector<1x16xi32> to vector<16xi32>
    %swap3A_258 = vector.shape_cast %min3A_252 : vector<16xi32> to vector<1x16xi32>
    tpu.vector_store %arg10[%swap3A_254, %swap3A_255], %swap3A_258 {strides = array<i32>} : memref<2x128xi32, #tpu.memory_space<vmem>>, vector<1x16xi32>,
    %get3A_259 = arith.constant 1 : i32
    %get3A_260 = arith.index_cast %get3A_259 : i32 to index
    %get3A_261 = arith.constant 32 : index
    %get3A_262 = tpu.vector_load %arg10[%get3A_260, %get3A_261] {strides = array<i32>} : memref<2x128xi32, #tpu.memory_space<vmem>>, vector<1x16xi32>,
    %get3A_263 = vector.shape_cast %get3A_262 : vector<1x16xi32> to vector<16xi32>
    %sub3A_264 = vector.broadcast %mul3A_73 : i32 to vector<16xi32>
    %sub3A_265 = arith.subi %get3A_263, %sub3A_264 : vector<16xi32>
    %max3A_266 = arith.constant 0 : i32
    %max3A_267 = vector.broadcast %max3A_266 : i32 to vector<16xi32>
    %max3A_268 = arith.maxsi %sub3A_265, %max3A_267 : vector<16xi32>
    %min3A_269 = arith.constant 8191 : i32
    %min3A_270 = vector.broadcast %min3A_269 : i32 to vector<16xi32>
    %min3A_271 = arith.minsi %max3A_268, %min3A_270 : vector<16xi32>
    %swap3A_272 = arith.constant 1 : i32
    %swap3A_273 = arith.index_cast %swap3A_272 : i32 to index
    %swap3A_274 = arith.constant 32 : index
    %swap3A_275 = tpu.vector_load %arg10[%swap3A_273, %swap3A_274] {strides = array<i32>} : memref<2x128xi32, #tpu.memory_space<vmem>>, vector<1x16xi32>,
    %swap3A_276 = vector.shape_cast %swap3A_275 : vector<1x16xi32> to vector<16xi32>
    %swap3A_277 = vector.shape_cast %min3A_271 : vector<16xi32> to vector<1x16xi32>
    tpu.vector_store %arg10[%swap3A_273, %swap3A_274], %swap3A_277 {strides = array<i32>} : memref<2x128xi32, #tpu.memory_space<vmem>>, vector<1x16xi32>,
    %get3A_278 = arith.constant 1 : i32
    %get3A_279 = arith.index_cast %get3A_278 : i32 to index
    %get3A_280 = arith.constant 48 : index
    %get3A_281 = tpu.vector_load %arg10[%get3A_279, %get3A_280] {strides = array<i32>} : memref<2x128xi32, #tpu.memory_space<vmem>>, vector<1x16xi32>,
    %get3A_282 = vector.shape_cast %get3A_281 : vector<1x16xi32> to vector<16xi32>
    %sub3A_283 = vector.broadcast %mul3A_73 : i32 to vector<16xi32>
    %sub3A_284 = arith.subi %get3A_282, %sub3A_283 : vector<16xi32>
    %max3A_285 = arith.constant 0 : i32
    %max3A_286 = vector.broadcast %max3A_285 : i32 to vector<16xi32>
    %max3A_287 = arith.maxsi %sub3A_284, %max3A_286 : vector<16xi32>
    %min3A_288 = arith.constant 8191 : i32
    %min3A_289 = vector.broadcast %min3A_288 : i32 to vector<16xi32>
    %min3A_290 = arith.minsi %max3A_287, %min3A_289 : vector<16xi32>
    %swap3A_291 = arith.constant 1 : i32
    %swap3A_292 = arith.index_cast %swap3A_291 : i32 to index
    %swap3A_293 = arith.constant 48 : index
    %swap3A_294 = tpu.vector_load %arg10[%swap3A_292, %swap3A_293] {strides = array<i32>} : memref<2x128xi32, #tpu.memory_space<vmem>>, vector<1x16xi32>,
    %swap3A_295 = vector.shape_cast %swap3A_294 : vector<1x16xi32> to vector<16xi32>
    %swap3A_296 = vector.shape_cast %min3A_290 : vector<16xi32> to vector<1x16xi32>
    tpu.vector_store %arg10[%swap3A_292, %swap3A_293], %swap3A_296 {strides = array<i32>} : memref<2x128xi32, #tpu.memory_space<vmem>>, vector<1x16xi32>,
    %get3A_297 = arith.constant 1 : i32
    %get3A_298 = arith.index_cast %get3A_297 : i32 to index
    %get3A_299 = arith.constant 64 : index
    %get3A_300 = tpu.vector_load %arg10[%get3A_298, %get3A_299] {strides = array<i32>} : memref<2x128xi32, #tpu.memory_space<vmem>>, vector<1x16xi32>,
    %get3A_301 = vector.shape_cast %get3A_300 : vector<1x16xi32> to vector<16xi32>
    %sub3A_302 = vector.broadcast %mul3A_73 : i32 to vector<16xi32>
    %sub3A_303 = arith.subi %get3A_301, %sub3A_302 : vector<16xi32>
    %max3A_304 = arith.constant 0 : i32
    %max3A_305 = vector.broadcast %max3A_304 : i32 to vector<16xi32>
    %max3A_306 = arith.maxsi %sub3A_303, %max3A_305 : vector<16xi32>
    %min3A_307 = arith.constant 8191 : i32
    %min3A_308 = vector.broadcast %min3A_307 : i32 to vector<16xi32>
    %min3A_309 = arith.minsi %max3A_306, %min3A_308 : vector<16xi32>
    %swap3A_310 = arith.constant 1 : i32
    %swap3A_311 = arith.index_cast %swap3A_310 : i32 to index
    %swap3A_312 = arith.constant 64 : index
    %swap3A_313 = tpu.vector_load %arg10[%swap3A_311, %swap3A_312] {strides = array<i32>} : memref<2x128xi32, #tpu.memory_space<vmem>>, vector<1x16xi32>,
    %swap3A_314 = vector.shape_cast %swap3A_313 : vector<1x16xi32> to vector<16xi32>
    %swap3A_315 = vector.shape_cast %min3A_309 : vector<16xi32> to vector<1x16xi32>
    tpu.vector_store %arg10[%swap3A_311, %swap3A_312], %swap3A_315 {strides = array<i32>} : memref<2x128xi32, #tpu.memory_space<vmem>>, vector<1x16xi32>,
    %get3A_316 = arith.constant 1 : i32
    %get3A_317 = arith.index_cast %get3A_316 : i32 to index
    %get3A_318 = arith.constant 80 : index
    %get3A_319 = tpu.vector_load %arg10[%get3A_317, %get3A_318] {strides = array<i32>} : memref<2x128xi32, #tpu.memory_space<vmem>>, vector<1x16xi32>,
    %get3A_320 = vector.shape_cast %get3A_319 : vector<1x16xi32> to vector<16xi32>
    %sub3A_321 = vector.broadcast %mul3A_73 : i32 to vector<16xi32>
    %sub3A_322 = arith.subi %get3A_320, %sub3A_321 : vector<16xi32>
    %max3A_323 = arith.constant 0 : i32
    %max3A_324 = vector.broadcast %max3A_323 : i32 to vector<16xi32>
    %max3A_325 = arith.maxsi %sub3A_322, %max3A_324 : vector<16xi32>
    %min3A_326 = arith.constant 8191 : i32
    %min3A_327 = vector.broadcast %min3A_326 : i32 to vector<16xi32>
    %min3A_328 = arith.minsi %max3A_325, %min3A_327 : vector<16xi32>
    %swap3A_329 = arith.constant 1 : i32
    %swap3A_330 = arith.index_cast %swap3A_329 : i32 to index
    %swap3A_331 = arith.constant 80 : index
    %swap3A_332 = tpu.vector_load %arg10[%swap3A_330, %swap3A_331] {strides = array<i32>} : memref<2x128xi32, #tpu.memory_space<vmem>>, vector<1x16xi32>,
    %swap3A_333 = vector.shape_cast %swap3A_332 : vector<1x16xi32> to vector<16xi32>
    %swap3A_334 = vector.shape_cast %min3A_328 : vector<16xi32> to vector<1x16xi32>
    tpu.vector_store %arg10[%swap3A_330, %swap3A_331], %swap3A_334 {strides = array<i32>} : memref<2x128xi32, #tpu.memory_space<vmem>>, vector<1x16xi32>,
    %get3A_335 = arith.constant 1 : i32
    %get3A_336 = arith.index_cast %get3A_335 : i32 to index
    %get3A_337 = arith.constant 96 : index
    %get3A_338 = tpu.vector_load %arg10[%get3A_336, %get3A_337] {strides = array<i32>} : memref<2x128xi32, #tpu.memory_space<vmem>>, vector<1x16xi32>,
    %get3A_339 = vector.shape_cast %get3A_338 : vector<1x16xi32> to vector<16xi32>
    %sub3A_340 = vector.broadcast %mul3A_73 : i32 to vector<16xi32>
    %sub3A_341 = arith.subi %get3A_339, %sub3A_340 : vector<16xi32>
    %max3A_342 = arith.constant 0 : i32
    %max3A_343 = vector.broadcast %max3A_342 : i32 to vector<16xi32>
    %max3A_344 = arith.maxsi %sub3A_341, %max3A_343 : vector<16xi32>
    %min3A_345 = arith.constant 8191 : i32
    %min3A_346 = vector.broadcast %min3A_345 : i32 to vector<16xi32>
    %min3A_347 = arith.minsi %max3A_344, %min3A_346 : vector<16xi32>
    %swap3A_348 = arith.constant 1 : i32
    %swap3A_349 = arith.index_cast %swap3A_348 : i32 to index
    %swap3A_350 = arith.constant 96 : index
    %swap3A_351 = tpu.vector_load %arg10[%swap3A_349, %swap3A_350] {strides = array<i32>} : memref<2x128xi32, #tpu.memory_space<vmem>>, vector<1x16xi32>,
    %swap3A_352 = vector.shape_cast %swap3A_351 : vector<1x16xi32> to vector<16xi32>
    %swap3A_353 = vector.shape_cast %min3A_347 : vector<16xi32> to vector<1x16xi32>
    tpu.vector_store %arg10[%swap3A_349, %swap3A_350], %swap3A_353 {strides = array<i32>} : memref<2x128xi32, #tpu.memory_space<vmem>>, vector<1x16xi32>,
    %get3A_354 = arith.constant 1 : i32
    %get3A_355 = arith.index_cast %get3A_354 : i32 to index
    %get3A_356 = arith.constant 112 : index
    %get3A_357 = tpu.vector_load %arg10[%get3A_355, %get3A_356] {strides = array<i32>} : memref<2x128xi32, #tpu.memory_space<vmem>>, vector<1x16xi32>,
    %get3A_358 = vector.shape_cast %get3A_357 : vector<1x16xi32> to vector<16xi32>
    %sub3A_359 = vector.broadcast %mul3A_73 : i32 to vector<16xi32>
    %sub3A_360 = arith.subi %get3A_358, %sub3A_359 : vector<16xi32>
    %max3A_361 = arith.constant 0 : i32
    %max3A_362 = vector.broadcast %max3A_361 : i32 to vector<16xi32>
    %max3A_363 = arith.maxsi %sub3A_360, %max3A_362 : vector<16xi32>
    %min3A_364 = arith.constant 8191 : i32
    %min3A_365 = vector.broadcast %min3A_364 : i32 to vector<16xi32>
    %min3A_366 = arith.minsi %max3A_363, %min3A_365 : vector<16xi32>
    %swap3A_367 = arith.constant 1 : i32
    %swap3A_368 = arith.index_cast %swap3A_367 : i32 to index
    %swap3A_369 = arith.constant 112 : index
    %swap3A_370 = tpu.vector_load %arg10[%swap3A_368, %swap3A_369] {strides = array<i32>} : memref<2x128xi32, #tpu.memory_space<vmem>>, vector<1x16xi32>,
    %swap3A_371 = vector.shape_cast %swap3A_370 : vector<1x16xi32> to vector<16xi32>
    %swap3A_372 = vector.shape_cast %min3A_366 : vector<16xi32> to vector<1x16xi32>
    tpu.vector_store %arg10[%swap3A_368, %swap3A_369], %swap3A_372 {strides = array<i32>} : memref<2x128xi32, #tpu.memory_space<vmem>>, vector<1x16xi32>,
    %get3A_373 = arith.constant 0 : index
    %get3A_374 = tpu.vector_load %arg8[%get3A_373] {strides = array<i32>} : memref<32xi32, #tpu.memory_space<vmem>>, vector<16xi32>,
    %get3A_375 = vector.shape_cast %get3A_374 : vector<16xi32> to vector<16xi32>
    %sub3A_376 = vector.broadcast %mul3A_73 : i32 to vector<16xi32>
    %sub3A_377 = arith.subi %get3A_375, %sub3A_376 : vector<16xi32>
    %max3A_378 = arith.constant 0 : i32
    %max3A_379 = vector.broadcast %max3A_378 : i32 to vector<16xi32>
    %max3A_380 = arith.maxsi %sub3A_377, %max3A_379 : vector<16xi32>
    %min3A_381 = arith.constant 8191 : i32
    %min3A_382 = vector.broadcast %min3A_381 : i32 to vector<16xi32>
    %min3A_383 = arith.minsi %max3A_380, %min3A_382 : vector<16xi32>
    %swap3A_384 = arith.constant 0 : index
    %swap3A_385 = tpu.vector_load %arg8[%swap3A_384] {strides = array<i32>} : memref<32xi32, #tpu.memory_space<vmem>>, vector<16xi32>,
    %swap3A_386 = vector.shape_cast %swap3A_385 : vector<16xi32> to vector<16xi32>
    %swap3A_387 = vector.shape_cast %min3A_383 : vector<16xi32> to vector<16xi32>
    tpu.vector_store %arg8[%swap3A_384], %swap3A_387 {strides = array<i32>} : memref<32xi32, #tpu.memory_space<vmem>>, vector<16xi32>,
    %get3A_388 = arith.constant 16 : index
    %get3A_389 = tpu.vector_load %arg8[%get3A_388] {strides = array<i32>} : memref<32xi32, #tpu.memory_space<vmem>>, vector<16xi32>,
    %get3A_390 = vector.shape_cast %get3A_389 : vector<16xi32> to vector<16xi32>
    %sub3A_391 = vector.broadcast %mul3A_73 : i32 to vector<16xi32>
    %sub3A_392 = arith.subi %get3A_390, %sub3A_391 : vector<16xi32>
    %max3A_393 = arith.constant 0 : i32
    %max3A_394 = vector.broadcast %max3A_393 : i32 to vector<16xi32>
    %max3A_395 = arith.maxsi %sub3A_392, %max3A_394 : vector<16xi32>
    %min3A_396 = arith.constant 8191 : i32
    %min3A_397 = vector.broadcast %min3A_396 : i32 to vector<16xi32>
    %min3A_398 = arith.minsi %max3A_395, %min3A_397 : vector<16xi32>
    %swap3A_399 = arith.constant 16 : index
    %swap3A_400 = tpu.vector_load %arg8[%swap3A_399] {strides = array<i32>} : memref<32xi32, #tpu.memory_space<vmem>>, vector<16xi32>,
    %swap3A_401 = vector.shape_cast %swap3A_400 : vector<16xi32> to vector<16xi32>
    %swap3A_402 = vector.shape_cast %min3A_398 : vector<16xi32> to vector<16xi32>
    tpu.vector_store %arg8[%swap3A_399], %swap3A_402 {strides = array<i32>} : memref<32xi32, #tpu.memory_space<vmem>>, vector<16xi32>,
    %dma_wait3A_403 = arith.constant 0 : i32
    %dma_wait3A_404 = tpu.memref_slice %arg12[%mul3A_4, %dma_wait3A_403] : memref<8192x128xf32, #tpu.memory_space<vmem_shared>> -> memref<512x128xf32, #tpu.memory_space<vmem_shared>>
    %dma_wait3A_405 = arith.constant 0 : i32
    %dma_wait3A_406 = tpu.memref_slice %arg3[%add3A, %dma_wait3A_405] : memref<16384x128xf32, #tpu.memory_space<hbm>> -> memref<512x128xf32, #tpu.memory_space<hbm>>
    tpu.wait_dma2 semaphore(%arg15 : memref<!tpu.dma_semaphore, #tpu.memory_space<semaphore_mem>>) src(%dma_wait3A_406 : memref<512x128xf32, #tpu.memory_space<hbm>>) dst(%dma_wait3A_404 : memref<512x128xf32, #tpu.memory_space<vmem_shared>>)
    %barrier3A = arith.constant 0 : index
    tpu.barrier barrier_id(%barrier3A)
    %dma_start3A_407 = arith.constant 0 : i32
    %dma_start3A_408 = arith.constant 0 : i32
    %dma_start3A_409 = arith.constant 0 : i32
    %dma_start3A_410 = arith.constant 0 : i32
    %dma_start3A_411 = tpu.memref_slice %arg11[%dma_start3A_408, %dma_start3A_409, %dma_start3A_410] : memref<2x128x128xf32, #tpu.memory_space<vmem>> -> memref<1x128x128xf32, #tpu.memory_space<vmem>>
    %dma_start3A_412 = tpu.memref_squeeze %dma_start3A_411 : memref<1x128x128xf32, #tpu.memory_space<vmem>> -> memref<128x128xf32, #tpu.memory_space<vmem>>
    %dma_start3A_413 = arith.constant 0 : i32
    %dma_start3A_414 = tpu.memref_slice %arg10[%dma_start3A_407, %dma_start3A_413] : memref<2x128xi32, #tpu.memory_space<vmem>> -> memref<1x128xi32, #tpu.memory_space<vmem>>
    %dma_start3A_415 = tpu.memref_squeeze %dma_start3A_414 : memref<1x128xi32, #tpu.memory_space<vmem>> -> memref<128xi32, #tpu.memory_space<vmem>>
    %dma_start3A_416 = arith.constant 0 : i32
    %dma_start3A_417 = arith.constant 0 : i32
    %dma_start3A_418 = tpu.memref_slice %arg12[%dma_start3A_416, %dma_start3A_417] : memref<8192x128xf32, #tpu.memory_space<vmem_shared>> -> memref<8192x128xf32, #tpu.memory_space<vmem_shared>>
    tpu.enqueue_indirect_dma source(%dma_start3A_418 : memref<8192x128xf32, #tpu.memory_space<vmem_shared>>) target(%dma_start3A_412 : memref<128x128xf32, #tpu.memory_space<vmem>>) offsets(%dma_start3A_415 : memref<128xi32, #tpu.memory_space<vmem>>) semaphore(%arg14 : memref<!tpu.dma_semaphore, #tpu.memory_space<semaphore_mem>>)
    %dma_start3A_419 = arith.constant 1 : i32
    %dma_start3A_420 = arith.constant 1 : i32
    %dma_start3A_421 = arith.constant 0 : i32
    %dma_start3A_422 = arith.constant 0 : i32
    %dma_start3A_423 = tpu.memref_slice %arg11[%dma_start3A_420, %dma_start3A_421, %dma_start3A_422] : memref<2x128x128xf32, #tpu.memory_space<vmem>> -> memref<1x128x128xf32, #tpu.memory_space<vmem>>
    %dma_start3A_424 = tpu.memref_squeeze %dma_start3A_423 : memref<1x128x128xf32, #tpu.memory_space<vmem>> -> memref<128x128xf32, #tpu.memory_space<vmem>>
    %dma_start3A_425 = arith.constant 0 : i32
    %dma_start3A_426 = tpu.memref_slice %arg10[%dma_start3A_419, %dma_start3A_425] : memref<2x128xi32, #tpu.memory_space<vmem>> -> memref<1x128xi32, #tpu.memory_space<vmem>>
    %dma_start3A_427 = tpu.memref_squeeze %dma_start3A_426 : memref<1x128xi32, #tpu.memory_space<vmem>> -> memref<128xi32, #tpu.memory_space<vmem>>
    %dma_start3A_428 = arith.constant 0 : i32
    %dma_start3A_429 = arith.constant 0 : i32
    %dma_start3A_430 = tpu.memref_slice %arg12[%dma_start3A_428, %dma_start3A_429] : memref<8192x128xf32, #tpu.memory_space<vmem_shared>> -> memref<8192x128xf32, #tpu.memory_space<vmem_shared>>
    tpu.enqueue_indirect_dma source(%dma_start3A_430 : memref<8192x128xf32, #tpu.memory_space<vmem_shared>>) target(%dma_start3A_424 : memref<128x128xf32, #tpu.memory_space<vmem>>) offsets(%dma_start3A_427 : memref<128xi32, #tpu.memory_space<vmem>>) semaphore(%arg14 : memref<!tpu.dma_semaphore, #tpu.memory_space<semaphore_mem>>)
    %dma_wait3A_431 = arith.constant 0 : i32
    %dma_wait3A_432 = arith.constant 0 : i32
    %dma_wait3A_433 = arith.constant 0 : i32
    %dma_wait3A_434 = arith.constant 0 : i32
    %dma_wait3A_435 = tpu.memref_slice %arg11[%dma_wait3A_432, %dma_wait3A_433, %dma_wait3A_434] : memref<2x128x128xf32, #tpu.memory_space<vmem>> -> memref<1x128x128xf32, #tpu.memory_space<vmem>>
    %dma_wait3A_436 = tpu.memref_squeeze %dma_wait3A_435 : memref<1x128x128xf32, #tpu.memory_space<vmem>> -> memref<128x128xf32, #tpu.memory_space<vmem>>
    %dma_wait3A_437 = arith.constant 0 : i32
    %dma_wait3A_438 = tpu.memref_slice %arg10[%dma_wait3A_431, %dma_wait3A_437] : memref<2x128xi32, #tpu.memory_space<vmem>> -> memref<1x128xi32, #tpu.memory_space<vmem>>
    %dma_wait3A_439 = tpu.memref_squeeze %dma_wait3A_438 : memref<1x128xi32, #tpu.memory_space<vmem>> -> memref<128xi32, #tpu.memory_space<vmem>>
    %dma_wait3A_440 = arith.constant 0 : i32
    %dma_wait3A_441 = arith.constant 0 : i32
    %dma_wait3A_442 = tpu.memref_slice %arg12[%dma_wait3A_440, %dma_wait3A_441] : memref<8192x128xf32, #tpu.memory_space<vmem_shared>> -> memref<8192x128xf32, #tpu.memory_space<vmem_shared>>
    tpu.wait_indirect_dma semaphore(%arg14 : memref<!tpu.dma_semaphore, #tpu.memory_space<semaphore_mem>>) src(%dma_wait3A_442 : memref<8192x128xf32, #tpu.memory_space<vmem_shared>>) dst(%dma_wait3A_436 : memref<128x128xf32, #tpu.memory_space<vmem>>)
    %add3A_443 = arith.constant 0 : i32
    %add3A_444 = arith.addi %mul3A_14, %add3A_443 : i32
    %dma_start3A_445 = arith.constant 0 : i32
    %dma_start3A_446 = arith.constant 0 : i32
    %dma_start3A_447 = arith.constant 0 : i32
    %dma_start3A_448 = tpu.memref_slice %arg11[%dma_start3A_445, %dma_start3A_446, %dma_start3A_447] : memref<2x128x128xf32, #tpu.memory_space<vmem>> -> memref<1x128x128xf32, #tpu.memory_space<vmem>>
    %dma_start3A_449 = tpu.memref_squeeze %dma_start3A_448 : memref<1x128x128xf32, #tpu.memory_space<vmem>> -> memref<128x128xf32, #tpu.memory_space<vmem>>
    %dma_start3A_450 = arith.constant 0 : i32
    %dma_start3A_451 = tpu.memref_slice %arg7[%add3A_11, %add3A_444, %dma_start3A_450] : memref<16x512x128xf32, #tpu.memory_space<hbm>> -> memref<1x128x128xf32, #tpu.memory_space<hbm>>
    %dma_start3A_452 = tpu.memref_squeeze %dma_start3A_451 : memref<1x128x128xf32, #tpu.memory_space<hbm>> -> memref<128x128xf32, #tpu.memory_space<hbm>>
    %dma_start3A_453 = arith.constant 0 : i32
    %dma_start3A_454 = tpu.memref_slice %arg7[%add3A_11, %add3A_444, %dma_start3A_453] : memref<16x512x128xf32, #tpu.memory_space<hbm>> -> memref<1x128x128xf32, #tpu.memory_space<hbm>>
    %dma_start3A_455 = tpu.memref_squeeze %dma_start3A_454 : memref<1x128x128xf32, #tpu.memory_space<hbm>> -> memref<128x128xf32, #tpu.memory_space<hbm>>
    %dma_start3A_456 = arith.constant 0 : i32
    %dma_start3A_457 = arith.constant 0 : i32
    %dma_start3A_458 = tpu.memref_slice %arg11[%dma_start3A_445, %dma_start3A_456, %dma_start3A_457] : memref<2x128x128xf32, #tpu.memory_space<vmem>> -> memref<1x128x128xf32, #tpu.memory_space<vmem>>
    %dma_start3A_459 = tpu.memref_squeeze %dma_start3A_458 : memref<1x128x128xf32, #tpu.memory_space<vmem>> -> memref<128x128xf32, #tpu.memory_space<vmem>>
    tpu.enqueue_dma source(%dma_start3A_459 : memref<128x128xf32, #tpu.memory_space<vmem>>) target(%dma_start3A_455 : memref<128x128xf32, #tpu.memory_space<hbm>>) target_semaphore(%arg13 : memref<!tpu.dma_semaphore, #tpu.memory_space<semaphore_mem>>)
    %dma_wait3A_460 = arith.constant 1 : i32
    %dma_wait3A_461 = arith.constant 1 : i32
    %dma_wait3A_462 = arith.constant 0 : i32
    %dma_wait3A_463 = arith.constant 0 : i32
    %dma_wait3A_464 = tpu.memref_slice %arg11[%dma_wait3A_461, %dma_wait3A_462, %dma_wait3A_463] : memref<2x128x128xf32, #tpu.memory_space<vmem>> -> memref<1x128x128xf32, #tpu.memory_space<vmem>>
    %dma_wait3A_465 = tpu.memref_squeeze %dma_wait3A_464 : memref<1x128x128xf32, #tpu.memory_space<vmem>> -> memref<128x128xf32, #tpu.memory_space<vmem>>
    %dma_wait3A_466 = arith.constant 0 : i32
    %dma_wait3A_467 = tpu.memref_slice %arg10[%dma_wait3A_460, %dma_wait3A_466] : memref<2x128xi32, #tpu.memory_space<vmem>> -> memref<1x128xi32, #tpu.memory_space<vmem>>
    %dma_wait3A_468 = tpu.memref_squeeze %dma_wait3A_467 : memref<1x128xi32, #tpu.memory_space<vmem>> -> memref<128xi32, #tpu.memory_space<vmem>>
    %dma_wait3A_469 = arith.constant 0 : i32
    %dma_wait3A_470 = arith.constant 0 : i32
    %dma_wait3A_471 = tpu.memref_slice %arg12[%dma_wait3A_469, %dma_wait3A_470] : memref<8192x128xf32, #tpu.memory_space<vmem_shared>> -> memref<8192x128xf32, #tpu.memory_space<vmem_shared>>
    tpu.wait_indirect_dma semaphore(%arg14 : memref<!tpu.dma_semaphore, #tpu.memory_space<semaphore_mem>>) src(%dma_wait3A_471 : memref<8192x128xf32, #tpu.memory_space<vmem_shared>>) dst(%dma_wait3A_465 : memref<128x128xf32, #tpu.memory_space<vmem>>)
    %add3A_472 = arith.constant 128 : i32
    %add3A_473 = arith.addi %mul3A_14, %add3A_472 : i32
    %dma_start3A_474 = arith.constant 1 : i32
    %dma_start3A_475 = arith.constant 0 : i32
    %dma_start3A_476 = arith.constant 0 : i32
    %dma_start3A_477 = tpu.memref_slice %arg11[%dma_start3A_474, %dma_start3A_475, %dma_start3A_476] : memref<2x128x128xf32, #tpu.memory_space<vmem>> -> memref<1x128x128xf32, #tpu.memory_space<vmem>>
    %dma_start3A_478 = tpu.memref_squeeze %dma_start3A_477 : memref<1x128x128xf32, #tpu.memory_space<vmem>> -> memref<128x128xf32, #tpu.memory_space<vmem>>
    %dma_start3A_479 = arith.constant 0 : i32
    %dma_start3A_480 = tpu.memref_slice %arg7[%add3A_11, %add3A_473, %dma_start3A_479] : memref<16x512x128xf32, #tpu.memory_space<hbm>> -> memref<1x128x128xf32, #tpu.memory_space<hbm>>
    %dma_start3A_481 = tpu.memref_squeeze %dma_start3A_480 : memref<1x128x128xf32, #tpu.memory_space<hbm>> -> memref<128x128xf32, #tpu.memory_space<hbm>>
    %dma_start3A_482 = arith.constant 0 : i32
    %dma_start3A_483 = tpu.memref_slice %arg7[%add3A_11, %add3A_473, %dma_start3A_482] : memref<16x512x128xf32, #tpu.memory_space<hbm>> -> memref<1x128x128xf32, #tpu.memory_space<hbm>>
    %dma_start3A_484 = tpu.memref_squeeze %dma_start3A_483 : memref<1x128x128xf32, #tpu.memory_space<hbm>> -> memref<128x128xf32, #tpu.memory_space<hbm>>
    %dma_start3A_485 = arith.constant 0 : i32
    %dma_start3A_486 = arith.constant 0 : i32
    %dma_start3A_487 = tpu.memref_slice %arg11[%dma_start3A_474, %dma_start3A_485, %dma_start3A_486] : memref<2x128x128xf32, #tpu.memory_space<vmem>> -> memref<1x128x128xf32, #tpu.memory_space<vmem>>
    %dma_start3A_488 = tpu.memref_squeeze %dma_start3A_487 : memref<1x128x128xf32, #tpu.memory_space<vmem>> -> memref<128x128xf32, #tpu.memory_space<vmem>>
    tpu.enqueue_dma source(%dma_start3A_488 : memref<128x128xf32, #tpu.memory_space<vmem>>) target(%dma_start3A_484 : memref<128x128xf32, #tpu.memory_space<hbm>>) target_semaphore(%arg13 : memref<!tpu.dma_semaphore, #tpu.memory_space<semaphore_mem>>)
    %barrier3A_489 = arith.constant 0 : index
    tpu.barrier barrier_id(%barrier3A_489)
    %mul3A_490 = arith.constant 8192 : i32
    %mul3A_491 = arith.muli %mul3A_490, %arg0 : i32
    %mul3A_492 = arith.constant 512 : i32
    %mul3A_493 = arith.muli %mul3A_492, %arg1 : i32
    %add3A_494 = arith.addi %mul3A_491, %mul3A_493 : i32
    %mul3A_495 = arith.constant 512 : i32
    %mul3A_496 = arith.muli %mul3A_495, %arg1 : i32
    %dma_start3A_497 = arith.constant 0 : i32
    %dma_start3A_498 = tpu.memref_slice %arg12[%mul3A_496, %dma_start3A_497] : memref<8192x128xf32, #tpu.memory_space<vmem_shared>> -> memref<512x128xf32, #tpu.memory_space<vmem_shared>>
    %dma_start3A_499 = arith.constant 0 : i32
    %dma_start3A_500 = tpu.memref_slice %arg2[%add3A_494, %dma_start3A_499] : memref<16384x128xf32, #tpu.memory_space<hbm>> -> memref<512x128xf32, #tpu.memory_space<hbm>>
    tpu.enqueue_dma source(%dma_start3A_500 : memref<512x128xf32, #tpu.memory_space<hbm>>) target(%dma_start3A_498 : memref<512x128xf32, #tpu.memory_space<vmem_shared>>) target_semaphore(%arg15 : memref<!tpu.dma_semaphore, #tpu.memory_space<semaphore_mem>>)
    %dma_wait3A_501 = arith.constant 0 : i32
    %dma_wait3A_502 = tpu.memref_slice %arg12[%mul3A_496, %dma_wait3A_501] : memref<8192x128xf32, #tpu.memory_space<vmem_shared>> -> memref<512x128xf32, #tpu.memory_space<vmem_shared>>
    %dma_wait3A_503 = arith.constant 0 : i32
    %dma_wait3A_504 = tpu.memref_slice %arg2[%add3A_494, %dma_wait3A_503] : memref<16384x128xf32, #tpu.memory_space<hbm>> -> memref<512x128xf32, #tpu.memory_space<hbm>>
    tpu.wait_dma2 semaphore(%arg15 : memref<!tpu.dma_semaphore, #tpu.memory_space<semaphore_mem>>) src(%dma_wait3A_504 : memref<512x128xf32, #tpu.memory_space<hbm>>) dst(%dma_wait3A_502 : memref<512x128xf32, #tpu.memory_space<vmem_shared>>)
    %barrier3A_505 = arith.constant 0 : index
    tpu.barrier barrier_id(%barrier3A_505)
    %dma_start3A_506 = arith.constant 0 : i32
    %dma_start3A_507 = arith.constant 0 : i32
    %dma_start3A_508 = tpu.memref_slice %arg12[%dma_start3A_506, %dma_start3A_507] : memref<8192x128xf32, #tpu.memory_space<vmem_shared>> -> memref<8192x128xf32, #tpu.memory_space<vmem_shared>>
    tpu.enqueue_indirect_dma source(%dma_start3A_508 : memref<8192x128xf32, #tpu.memory_space<vmem_shared>>) target(%arg9 : memref<32x128xf32, #tpu.memory_space<vmem>>) offsets(%arg8 : memref<32xi32, #tpu.memory_space<vmem>>) semaphore(%arg16 : memref<!tpu.dma_semaphore, #tpu.memory_space<semaphore_mem>>)
    %dma_wait3A_509 = arith.constant 0 : i32
    %dma_wait3A_510 = arith.constant 0 : i32
    %dma_wait3A_511 = tpu.memref_slice %arg12[%dma_wait3A_509, %dma_wait3A_510] : memref<8192x128xf32, #tpu.memory_space<vmem_shared>> -> memref<8192x128xf32, #tpu.memory_space<vmem_shared>>
    tpu.wait_indirect_dma semaphore(%arg16 : memref<!tpu.dma_semaphore, #tpu.memory_space<semaphore_mem>>) src(%dma_wait3A_511 : memref<8192x128xf32, #tpu.memory_space<vmem_shared>>) dst(%arg9 : memref<32x128xf32, #tpu.memory_space<vmem>>)
    %dma_start3A_512 = arith.constant 0 : i32
    %dma_start3A_513 = tpu.memref_slice %arg6[%add3A_11, %mul3A_16, %dma_start3A_512] : memref<16x64x128xf32, #tpu.memory_space<hbm>> -> memref<1x32x128xf32, #tpu.memory_space<hbm>>
    %dma_start3A_514 = tpu.memref_squeeze %dma_start3A_513 : memref<1x32x128xf32, #tpu.memory_space<hbm>> -> memref<32x128xf32, #tpu.memory_space<hbm>>
    %dma_start3A_515 = arith.constant 0 : i32
    %dma_start3A_516 = tpu.memref_slice %arg6[%add3A_11, %mul3A_16, %dma_start3A_515] : memref<16x64x128xf32, #tpu.memory_space<hbm>> -> memref<1x32x128xf32, #tpu.memory_space<hbm>>
    %dma_start3A_517 = tpu.memref_squeeze %dma_start3A_516 : memref<1x32x128xf32, #tpu.memory_space<hbm>> -> memref<32x128xf32, #tpu.memory_space<hbm>>
    tpu.enqueue_dma source(%arg9 : memref<32x128xf32, #tpu.memory_space<vmem>>) target(%dma_start3A_517 : memref<32x128xf32, #tpu.memory_space<hbm>>) target_semaphore(%arg13 : memref<!tpu.dma_semaphore, #tpu.memory_space<semaphore_mem>>)
    %dma_wait3A_518 = arith.constant 0 : i32
    %dma_wait3A_519 = arith.constant 0 : i32
    %dma_wait3A_520 = arith.constant 0 : i32
    %dma_wait3A_521 = tpu.memref_slice %arg11[%dma_wait3A_518, %dma_wait3A_519, %dma_wait3A_520] : memref<2x128x128xf32, #tpu.memory_space<vmem>> -> memref<1x128x128xf32, #tpu.memory_space<vmem>>
    %dma_wait3A_522 = tpu.memref_squeeze %dma_wait3A_521 : memref<1x128x128xf32, #tpu.memory_space<vmem>> -> memref<128x128xf32, #tpu.memory_space<vmem>>
    %dma_wait3A_523 = arith.constant 0 : i32
    %dma_wait3A_524 = tpu.memref_slice %arg7[%add3A_11, %add3A_444, %dma_wait3A_523] : memref<16x512x128xf32, #tpu.memory_space<hbm>> -> memref<1x128x128xf32, #tpu.memory_space<hbm>>
    %dma_wait3A_525 = tpu.memref_squeeze %dma_wait3A_524 : memref<1x128x128xf32, #tpu.memory_space<hbm>> -> memref<128x128xf32, #tpu.memory_space<hbm>>
    %dma_wait3A_526 = arith.constant 0 : i32
    %dma_wait3A_527 = tpu.memref_slice %arg7[%add3A_11, %add3A_444, %dma_wait3A_526] : memref<16x512x128xf32, #tpu.memory_space<hbm>> -> memref<1x128x128xf32, #tpu.memory_space<hbm>>
    %dma_wait3A_528 = tpu.memref_squeeze %dma_wait3A_527 : memref<1x128x128xf32, #tpu.memory_space<hbm>> -> memref<128x128xf32, #tpu.memory_space<hbm>>
    %dma_wait3A_529 = arith.constant 0 : i32
    %dma_wait3A_530 = arith.constant 0 : i32
    %dma_wait3A_531 = tpu.memref_slice %arg11[%dma_wait3A_518, %dma_wait3A_529, %dma_wait3A_530] : memref<2x128x128xf32, #tpu.memory_space<vmem>> -> memref<1x128x128xf32, #tpu.memory_space<vmem>>
    %dma_wait3A_532 = tpu.memref_squeeze %dma_wait3A_531 : memref<1x128x128xf32, #tpu.memory_space<vmem>> -> memref<128x128xf32, #tpu.memory_space<vmem>>
    tpu.wait_dma2 semaphore(%arg13 : memref<!tpu.dma_semaphore, #tpu.memory_space<semaphore_mem>>) src(%dma_wait3A_532 : memref<128x128xf32, #tpu.memory_space<vmem>>) dst(%dma_wait3A_528 : memref<128x128xf32, #tpu.memory_space<hbm>>)
    %dma_wait3A_533 = arith.constant 1 : i32
    %dma_wait3A_534 = arith.constant 0 : i32
    %dma_wait3A_535 = arith.constant 0 : i32
    %dma_wait3A_536 = tpu.memref_slice %arg11[%dma_wait3A_533, %dma_wait3A_534, %dma_wait3A_535] : memref<2x128x128xf32, #tpu.memory_space<vmem>> -> memref<1x128x128xf32, #tpu.memory_space<vmem>>
    %dma_wait3A_537 = tpu.memref_squeeze %dma_wait3A_536 : memref<1x128x128xf32, #tpu.memory_space<vmem>> -> memref<128x128xf32, #tpu.memory_space<vmem>>
    %dma_wait3A_538 = arith.constant 0 : i32
    %dma_wait3A_539 = tpu.memref_slice %arg7[%add3A_11, %add3A_473, %dma_wait3A_538] : memref<16x512x128xf32, #tpu.memory_space<hbm>> -> memref<1x128x128xf32, #tpu.memory_space<hbm>>
    %dma_wait3A_540 = tpu.memref_squeeze %dma_wait3A_539 : memref<1x128x128xf32, #tpu.memory_space<hbm>> -> memref<128x128xf32, #tpu.memory_space<hbm>>
    %dma_wait3A_541 = arith.constant 0 : i32
    %dma_wait3A_542 = tpu.memref_slice %arg7[%add3A_11, %add3A_473, %dma_wait3A_541] : memref<16x512x128xf32, #tpu.memory_space<hbm>> -> memref<1x128x128xf32, #tpu.memory_space<hbm>>
    %dma_wait3A_543 = tpu.memref_squeeze %dma_wait3A_542 : memref<1x128x128xf32, #tpu.memory_space<hbm>> -> memref<128x128xf32, #tpu.memory_space<hbm>>
    %dma_wait3A_544 = arith.constant 0 : i32
    %dma_wait3A_545 = arith.constant 0 : i32
    %dma_wait3A_546 = tpu.memref_slice %arg11[%dma_wait3A_533, %dma_wait3A_544, %dma_wait3A_545] : memref<2x128x128xf32, #tpu.memory_space<vmem>> -> memref<1x128x128xf32, #tpu.memory_space<vmem>>
    %dma_wait3A_547 = tpu.memref_squeeze %dma_wait3A_546 : memref<1x128x128xf32, #tpu.memory_space<vmem>> -> memref<128x128xf32, #tpu.memory_space<vmem>>
    tpu.wait_dma2 semaphore(%arg13 : memref<!tpu.dma_semaphore, #tpu.memory_space<semaphore_mem>>) src(%dma_wait3A_547 : memref<128x128xf32, #tpu.memory_space<vmem>>) dst(%dma_wait3A_543 : memref<128x128xf32, #tpu.memory_space<hbm>>)
    %dma_wait3A_548 = arith.constant 0 : i32
    %dma_wait3A_549 = tpu.memref_slice %arg6[%add3A_11, %mul3A_16, %dma_wait3A_548] : memref<16x64x128xf32, #tpu.memory_space<hbm>> -> memref<1x32x128xf32, #tpu.memory_space<hbm>>
    %dma_wait3A_550 = tpu.memref_squeeze %dma_wait3A_549 : memref<1x32x128xf32, #tpu.memory_space<hbm>> -> memref<32x128xf32, #tpu.memory_space<hbm>>
    %dma_wait3A_551 = arith.constant 0 : i32
    %dma_wait3A_552 = tpu.memref_slice %arg6[%add3A_11, %mul3A_16, %dma_wait3A_551] : memref<16x64x128xf32, #tpu.memory_space<hbm>> -> memref<1x32x128xf32, #tpu.memory_space<hbm>>
    %dma_wait3A_553 = tpu.memref_squeeze %dma_wait3A_552 : memref<1x32x128xf32, #tpu.memory_space<hbm>> -> memref<32x128xf32, #tpu.memory_space<hbm>>
    tpu.wait_dma2 semaphore(%arg13 : memref<!tpu.dma_semaphore, #tpu.memory_space<semaphore_mem>>) src(%arg9 : memref<32x128xf32, #tpu.memory_space<vmem>>) dst(%dma_wait3A_553 : memref<32x128xf32, #tpu.memory_space<hbm>>)
    return
  }
}

#map = affine_map<(d0, d1) -> (0, 0)>
#map1 = affine_map<(d0, d1) -> (0, 0, 0)>
#map2 = affine_map<(d0, d1) -> (0)>
module attributes {stable_mosaic.version = 14 : i64} {
  func.func @_flatten_body(%arg0: i32, %arg1: i32, %arg2: memref<16x64xi32, #tpu.memory_space<hbm>>, %arg3: memref<16x1x64xf32, #tpu.memory_space<hbm>>, %arg4: memref<16x1x64xf32, #tpu.memory_space<hbm>>, %arg5: memref<643xi32, #tpu.memory_space<hbm>>, %arg6: memref<643xi32, #tpu.memory_space<hbm>>, %arg7: memref<643xf32, #tpu.memory_space<hbm>>, %arg8: memref<643xf32, #tpu.memory_space<hbm>>, %arg9: memref<16x64xi32, #tpu.memory_space<vmem>>, %arg10: memref<16x1x64xf32, #tpu.memory_space<vmem>>, %arg11: memref<16x1x64xf32, #tpu.memory_space<vmem>>, %arg12: memref<656xi32, #tpu.memory_space<vmem>>, %arg13: memref<656xi32, #tpu.memory_space<vmem>>, %arg14: memref<656xf32, #tpu.memory_space<vmem>>, %arg15: memref<656xf32, #tpu.memory_space<vmem>>) attributes {dimension_semantics = [#tpu.dimension_semantics<core_parallel>, #tpu.dimension_semantics<subcore_parallel>], iteration_bounds = array<i64: 2, 16>, scalar_prefetch = 0 : i64, scratch_operands = 7 : i64, tpu.core_type = #tpu.core_type<sc_vector_subcore>, window_params = [{transform_indices = #map}, {transform_indices = #map1}, {transform_indices = #map1}, {transform_indices = #map2}, {transform_indices = #map2}, {transform_indices = #map2}, {transform_indices = #map2}]} {
    %mul3A = arith.constant 2 : i32
    %mul3A_0 = arith.muli %arg1, %mul3A : i32
    %add3A = arith.addi %mul3A_0, %arg0 : i32
    %eq3A = arith.constant 0 : i32
    %eq3A_1 = arith.cmpi eq, %add3A, %eq3A : i32
    %convert_element_type3A = arith.extui %eq3A_1 : i1 to i32
    %cond3A = arith.constant 0 : i32
    %cond3A_2 = arith.cmpi ne, %convert_element_type3A, %cond3A : i32
    scf.if %cond3A_2 {
      "tpu.region"() ({
        %run_scoped3A = tpu.sem_alloc : memref<!tpu.dma_semaphore, #tpu.memory_space<semaphore_mem>>
        tpu.enqueue_dma source(%arg2 : memref<16x64xi32, #tpu.memory_space<hbm>>) target(%arg9 : memref<16x64xi32, #tpu.memory_space<vmem>>) target_semaphore(%run_scoped3A : memref<!tpu.dma_semaphore, #tpu.memory_space<semaphore_mem>>)
        tpu.wait_dma2 semaphore(%run_scoped3A : memref<!tpu.dma_semaphore, #tpu.memory_space<semaphore_mem>>) src(%arg2 : memref<16x64xi32, #tpu.memory_space<hbm>>) dst(%arg9 : memref<16x64xi32, #tpu.memory_space<vmem>>)
        tpu.yield
      }) : () -> ()
      "tpu.region"() ({
        %run_scoped3A = tpu.sem_alloc : memref<!tpu.dma_semaphore, #tpu.memory_space<semaphore_mem>>
        tpu.enqueue_dma source(%arg3 : memref<16x1x64xf32, #tpu.memory_space<hbm>>) target(%arg10 : memref<16x1x64xf32, #tpu.memory_space<vmem>>) target_semaphore(%run_scoped3A : memref<!tpu.dma_semaphore, #tpu.memory_space<semaphore_mem>>)
        tpu.wait_dma2 semaphore(%run_scoped3A : memref<!tpu.dma_semaphore, #tpu.memory_space<semaphore_mem>>) src(%arg3 : memref<16x1x64xf32, #tpu.memory_space<hbm>>) dst(%arg10 : memref<16x1x64xf32, #tpu.memory_space<vmem>>)
        tpu.yield
      }) : () -> ()
      "tpu.region"() ({
        %run_scoped3A = tpu.sem_alloc : memref<!tpu.dma_semaphore, #tpu.memory_space<semaphore_mem>>
        tpu.enqueue_dma source(%arg4 : memref<16x1x64xf32, #tpu.memory_space<hbm>>) target(%arg11 : memref<16x1x64xf32, #tpu.memory_space<vmem>>) target_semaphore(%run_scoped3A : memref<!tpu.dma_semaphore, #tpu.memory_space<semaphore_mem>>)
        tpu.wait_dma2 semaphore(%run_scoped3A : memref<!tpu.dma_semaphore, #tpu.memory_space<semaphore_mem>>) src(%arg4 : memref<16x1x64xf32, #tpu.memory_space<hbm>>) dst(%arg11 : memref<16x1x64xf32, #tpu.memory_space<vmem>>)
        tpu.yield
      }) : () -> ()
      "tpu.region"() ({
        %run_scoped3A = tpu.sem_alloc : memref<!tpu.dma_semaphore, #tpu.memory_space<semaphore_mem>>
        %dma_start3A = arith.constant 0 : i32
        %dma_start3A_1062 = tpu.memref_slice %arg12[%dma_start3A] : memref<656xi32, #tpu.memory_space<vmem>> -> memref<643xi32, #tpu.memory_space<vmem>>
        %dma_start3A_1063 = arith.constant 0 : i32
        %dma_start3A_1064 = tpu.memref_slice %arg12[%dma_start3A_1063] : memref<656xi32, #tpu.memory_space<vmem>> -> memref<643xi32, #tpu.memory_space<vmem>>
        tpu.enqueue_dma source(%arg5 : memref<643xi32, #tpu.memory_space<hbm>>) target(%dma_start3A_1064 : memref<643xi32, #tpu.memory_space<vmem>>) target_semaphore(%run_scoped3A : memref<!tpu.dma_semaphore, #tpu.memory_space<semaphore_mem>>)
        %dma_wait3A = arith.constant 0 : i32
        %dma_wait3A_1065 = tpu.memref_slice %arg12[%dma_wait3A] : memref<656xi32, #tpu.memory_space<vmem>> -> memref<643xi32, #tpu.memory_space<vmem>>
        %dma_wait3A_1066 = arith.constant 0 : i32
        %dma_wait3A_1067 = tpu.memref_slice %arg12[%dma_wait3A_1066] : memref<656xi32, #tpu.memory_space<vmem>> -> memref<643xi32, #tpu.memory_space<vmem>>
        tpu.wait_dma2 semaphore(%run_scoped3A : memref<!tpu.dma_semaphore, #tpu.memory_space<semaphore_mem>>) src(%arg5 : memref<643xi32, #tpu.memory_space<hbm>>) dst(%dma_wait3A_1067 : memref<643xi32, #tpu.memory_space<vmem>>)
        tpu.yield
      }) : () -> ()
      %get3A = arith.constant 0 : index
      %get3A_3 = tpu.vector_load %arg12[%get3A] {strides = array<i32>} : memref<656xi32, #tpu.memory_space<vmem>>, vector<16xi32>,
      %shift_right_arithmetic3A = arith.constant 6 : i32
      %shift_right_arithmetic3A_4 = vector.broadcast %shift_right_arithmetic3A : i32 to vector<16xi32>
      %shift_right_arithmetic3A_5 = arith.shrsi %get3A_3, %shift_right_arithmetic3A_4 : vector<16xi32>
      %max3A = arith.constant 0 : i32
      %max3A_6 = vector.broadcast %max3A : i32 to vector<16xi32>
      %max3A_7 = arith.maxsi %shift_right_arithmetic3A_5, %max3A_6 : vector<16xi32>
      %min3A = arith.constant 15 : i32
      %min3A_8 = vector.broadcast %min3A : i32 to vector<16xi32>
      %min3A_9 = arith.minsi %max3A_7, %min3A_8 : vector<16xi32>
      %and3A = arith.constant 63 : i32
      %and3A_10 = vector.broadcast %and3A : i32 to vector<16xi32>
      %and3A_11 = arith.andi %get3A_3, %and3A_10 : vector<16xi32>
      %and3A_12 = arith.constant 0 : i32
      %and3A_13 = vector.broadcast %and3A_12 : i32 to vector<16xi32>
      %and3A_14 = arith.andi %get3A_3, %and3A_13 : vector<16xi32>
      %gather3A = tpu.vector_load_idx %arg9[%min3A_9, %and3A_11] : memref<16x64xi32, #tpu.memory_space<vmem>>[vector<16xi32>, vector<16xi32>], vector<16xi32>,
      %swap3A = arith.constant 0 : index
      %swap3A_15 = tpu.vector_load %arg13[%swap3A] {strides = array<i32>} : memref<656xi32, #tpu.memory_space<vmem>>, vector<16xi32>,
      tpu.vector_store %arg13[%swap3A], %gather3A {strides = array<i32>} : memref<656xi32, #tpu.memory_space<vmem>>, vector<16xi32>,
      %gather3A_16 = tpu.vector_load_idx %arg10[%min3A_9, %and3A_14, %and3A_11] : memref<16x1x64xf32, #tpu.memory_space<vmem>>[vector<16xi32>, vector<16xi32>, vector<16xi32>], vector<16xf32>,
      %swap3A_17 = arith.constant 0 : index
      %swap3A_18 = tpu.vector_load %arg14[%swap3A_17] {strides = array<i32>} : memref<656xf32, #tpu.memory_space<vmem>>, vector<16xf32>,
      tpu.vector_store %arg14[%swap3A_17], %gather3A_16 {strides = array<i32>} : memref<656xf32, #tpu.memory_space<vmem>>, vector<16xf32>,
      %gather3A_19 = tpu.vector_load_idx %arg11[%min3A_9, %and3A_14, %and3A_11] : memref<16x1x64xf32, #tpu.memory_space<vmem>>[vector<16xi32>, vector<16xi32>, vector<16xi32>], vector<16xf32>,
      %swap3A_20 = arith.constant 0 : index
      %swap3A_21 = tpu.vector_load %arg15[%swap3A_20] {strides = array<i32>} : memref<656xf32, #tpu.memory_space<vmem>>, vector<16xf32>,
      tpu.vector_store %arg15[%swap3A_20], %gather3A_19 {strides = array<i32>} : memref<656xf32, #tpu.memory_space<vmem>>, vector<16xf32>,
      %get3A_22 = arith.constant 16 : index
      %get3A_23 = tpu.vector_load %arg12[%get3A_22] {strides = array<i32>} : memref<656xi32, #tpu.memory_space<vmem>>, vector<16xi32>,
      %shift_right_arithmetic3A_24 = arith.constant 6 : i32
      %shift_right_arithmetic3A_25 = vector.broadcast %shift_right_arithmetic3A_24 : i32 to vector<16xi32>
      %shift_right_arithmetic3A_26 = arith.shrsi %get3A_23, %shift_right_arithmetic3A_25 : vector<16xi32>
      %max3A_27 = arith.constant 0 : i32
      %max3A_28 = vector.broadcast %max3A_27 : i32 to vector<16xi32>
      %max3A_29 = arith.maxsi %shift_right_arithmetic3A_26, %max3A_28 : vector<16xi32>
      %min3A_30 = arith.constant 15 : i32
      %min3A_31 = vector.broadcast %min3A_30 : i32 to vector<16xi32>
      %min3A_32 = arith.minsi %max3A_29, %min3A_31 : vector<16xi32>
      %and3A_33 = arith.constant 63 : i32
      %and3A_34 = vector.broadcast %and3A_33 : i32 to vector<16xi32>
      %and3A_35 = arith.andi %get3A_23, %and3A_34 : vector<16xi32>
      %and3A_36 = arith.constant 0 : i32
      %and3A_37 = vector.broadcast %and3A_36 : i32 to vector<16xi32>
      %and3A_38 = arith.andi %get3A_23, %and3A_37 : vector<16xi32>
      %gather3A_39 = tpu.vector_load_idx %arg9[%min3A_32, %and3A_35] : memref<16x64xi32, #tpu.memory_space<vmem>>[vector<16xi32>, vector<16xi32>], vector<16xi32>,
      %swap3A_40 = arith.constant 16 : index
      %swap3A_41 = tpu.vector_load %arg13[%swap3A_40] {strides = array<i32>} : memref<656xi32, #tpu.memory_space<vmem>>, vector<16xi32>,
      tpu.vector_store %arg13[%swap3A_40], %gather3A_39 {strides = array<i32>} : memref<656xi32, #tpu.memory_space<vmem>>, vector<16xi32>,
      %gather3A_42 = tpu.vector_load_idx %arg10[%min3A_32, %and3A_38, %and3A_35] : memref<16x1x64xf32, #tpu.memory_space<vmem>>[vector<16xi32>, vector<16xi32>, vector<16xi32>], vector<16xf32>,
      %swap3A_43 = arith.constant 16 : index
      %swap3A_44 = tpu.vector_load %arg14[%swap3A_43] {strides = array<i32>} : memref<656xf32, #tpu.memory_space<vmem>>, vector<16xf32>,
      tpu.vector_store %arg14[%swap3A_43], %gather3A_42 {strides = array<i32>} : memref<656xf32, #tpu.memory_space<vmem>>, vector<16xf32>,
      %gather3A_45 = tpu.vector_load_idx %arg11[%min3A_32, %and3A_38, %and3A_35] : memref<16x1x64xf32, #tpu.memory_space<vmem>>[vector<16xi32>, vector<16xi32>, vector<16xi32>], vector<16xf32>,
      %swap3A_46 = arith.constant 16 : index
      %swap3A_47 = tpu.vector_load %arg15[%swap3A_46] {strides = array<i32>} : memref<656xf32, #tpu.memory_space<vmem>>, vector<16xf32>,
      tpu.vector_store %arg15[%swap3A_46], %gather3A_45 {strides = array<i32>} : memref<656xf32, #tpu.memory_space<vmem>>, vector<16xf32>,
      %get3A_48 = arith.constant 32 : index
      %get3A_49 = tpu.vector_load %arg12[%get3A_48] {strides = array<i32>} : memref<656xi32, #tpu.memory_space<vmem>>, vector<16xi32>,
      %shift_right_arithmetic3A_50 = arith.constant 6 : i32
      %shift_right_arithmetic3A_51 = vector.broadcast %shift_right_arithmetic3A_50 : i32 to vector<16xi32>
      %shift_right_arithmetic3A_52 = arith.shrsi %get3A_49, %shift_right_arithmetic3A_51 : vector<16xi32>
      %max3A_53 = arith.constant 0 : i32
      %max3A_54 = vector.broadcast %max3A_53 : i32 to vector<16xi32>
      %max3A_55 = arith.maxsi %shift_right_arithmetic3A_52, %max3A_54 : vector<16xi32>
      %min3A_56 = arith.constant 15 : i32
      %min3A_57 = vector.broadcast %min3A_56 : i32 to vector<16xi32>
      %min3A_58 = arith.minsi %max3A_55, %min3A_57 : vector<16xi32>
      %and3A_59 = arith.constant 63 : i32
      %and3A_60 = vector.broadcast %and3A_59 : i32 to vector<16xi32>
      %and3A_61 = arith.andi %get3A_49, %and3A_60 : vector<16xi32>
      %and3A_62 = arith.constant 0 : i32
      %and3A_63 = vector.broadcast %and3A_62 : i32 to vector<16xi32>
      %and3A_64 = arith.andi %get3A_49, %and3A_63 : vector<16xi32>
      %gather3A_65 = tpu.vector_load_idx %arg9[%min3A_58, %and3A_61] : memref<16x64xi32, #tpu.memory_space<vmem>>[vector<16xi32>, vector<16xi32>], vector<16xi32>,
      %swap3A_66 = arith.constant 32 : index
      %swap3A_67 = tpu.vector_load %arg13[%swap3A_66] {strides = array<i32>} : memref<656xi32, #tpu.memory_space<vmem>>, vector<16xi32>,
      tpu.vector_store %arg13[%swap3A_66], %gather3A_65 {strides = array<i32>} : memref<656xi32, #tpu.memory_space<vmem>>, vector<16xi32>,
      %gather3A_68 = tpu.vector_load_idx %arg10[%min3A_58, %and3A_64, %and3A_61] : memref<16x1x64xf32, #tpu.memory_space<vmem>>[vector<16xi32>, vector<16xi32>, vector<16xi32>], vector<16xf32>,
      %swap3A_69 = arith.constant 32 : index
      %swap3A_70 = tpu.vector_load %arg14[%swap3A_69] {strides = array<i32>} : memref<656xf32, #tpu.memory_space<vmem>>, vector<16xf32>,
      tpu.vector_store %arg14[%swap3A_69], %gather3A_68 {strides = array<i32>} : memref<656xf32, #tpu.memory_space<vmem>>, vector<16xf32>,
      %gather3A_71 = tpu.vector_load_idx %arg11[%min3A_58, %and3A_64, %and3A_61] : memref<16x1x64xf32, #tpu.memory_space<vmem>>[vector<16xi32>, vector<16xi32>, vector<16xi32>], vector<16xf32>,
      %swap3A_72 = arith.constant 32 : index
      %swap3A_73 = tpu.vector_load %arg15[%swap3A_72] {strides = array<i32>} : memref<656xf32, #tpu.memory_space<vmem>>, vector<16xf32>,
      tpu.vector_store %arg15[%swap3A_72], %gather3A_71 {strides = array<i32>} : memref<656xf32, #tpu.memory_space<vmem>>, vector<16xf32>,
      %get3A_74 = arith.constant 48 : index
      %get3A_75 = tpu.vector_load %arg12[%get3A_74] {strides = array<i32>} : memref<656xi32, #tpu.memory_space<vmem>>, vector<16xi32>,
      %shift_right_arithmetic3A_76 = arith.constant 6 : i32
      %shift_right_arithmetic3A_77 = vector.broadcast %shift_right_arithmetic3A_76 : i32 to vector<16xi32>
      %shift_right_arithmetic3A_78 = arith.shrsi %get3A_75, %shift_right_arithmetic3A_77 : vector<16xi32>
      %max3A_79 = arith.constant 0 : i32
      %max3A_80 = vector.broadcast %max3A_79 : i32 to vector<16xi32>
      %max3A_81 = arith.maxsi %shift_right_arithmetic3A_78, %max3A_80 : vector<16xi32>
      %min3A_82 = arith.constant 15 : i32
      %min3A_83 = vector.broadcast %min3A_82 : i32 to vector<16xi32>
      %min3A_84 = arith.minsi %max3A_81, %min3A_83 : vector<16xi32>
      %and3A_85 = arith.constant 63 : i32
      %and3A_86 = vector.broadcast %and3A_85 : i32 to vector<16xi32>
      %and3A_87 = arith.andi %get3A_75, %and3A_86 : vector<16xi32>
      %and3A_88 = arith.constant 0 : i32
      %and3A_89 = vector.broadcast %and3A_88 : i32 to vector<16xi32>
      %and3A_90 = arith.andi %get3A_75, %and3A_89 : vector<16xi32>
      %gather3A_91 = tpu.vector_load_idx %arg9[%min3A_84, %and3A_87] : memref<16x64xi32, #tpu.memory_space<vmem>>[vector<16xi32>, vector<16xi32>], vector<16xi32>,
      %swap3A_92 = arith.constant 48 : index
      %swap3A_93 = tpu.vector_load %arg13[%swap3A_92] {strides = array<i32>} : memref<656xi32, #tpu.memory_space<vmem>>, vector<16xi32>,
      tpu.vector_store %arg13[%swap3A_92], %gather3A_91 {strides = array<i32>} : memref<656xi32, #tpu.memory_space<vmem>>, vector<16xi32>,
      %gather3A_94 = tpu.vector_load_idx %arg10[%min3A_84, %and3A_90, %and3A_87] : memref<16x1x64xf32, #tpu.memory_space<vmem>>[vector<16xi32>, vector<16xi32>, vector<16xi32>], vector<16xf32>,
      %swap3A_95 = arith.constant 48 : index
      %swap3A_96 = tpu.vector_load %arg14[%swap3A_95] {strides = array<i32>} : memref<656xf32, #tpu.memory_space<vmem>>, vector<16xf32>,
      tpu.vector_store %arg14[%swap3A_95], %gather3A_94 {strides = array<i32>} : memref<656xf32, #tpu.memory_space<vmem>>, vector<16xf32>,
      %gather3A_97 = tpu.vector_load_idx %arg11[%min3A_84, %and3A_90, %and3A_87] : memref<16x1x64xf32, #tpu.memory_space<vmem>>[vector<16xi32>, vector<16xi32>, vector<16xi32>], vector<16xf32>,
      %swap3A_98 = arith.constant 48 : index
      %swap3A_99 = tpu.vector_load %arg15[%swap3A_98] {strides = array<i32>} : memref<656xf32, #tpu.memory_space<vmem>>, vector<16xf32>,
      tpu.vector_store %arg15[%swap3A_98], %gather3A_97 {strides = array<i32>} : memref<656xf32, #tpu.memory_space<vmem>>, vector<16xf32>,
      %get3A_100 = arith.constant 64 : index
      %get3A_101 = tpu.vector_load %arg12[%get3A_100] {strides = array<i32>} : memref<656xi32, #tpu.memory_space<vmem>>, vector<16xi32>,
      %shift_right_arithmetic3A_102 = arith.constant 6 : i32
      %shift_right_arithmetic3A_103 = vector.broadcast %shift_right_arithmetic3A_102 : i32 to vector<16xi32>
      %shift_right_arithmetic3A_104 = arith.shrsi %get3A_101, %shift_right_arithmetic3A_103 : vector<16xi32>
      %max3A_105 = arith.constant 0 : i32
      %max3A_106 = vector.broadcast %max3A_105 : i32 to vector<16xi32>
      %max3A_107 = arith.maxsi %shift_right_arithmetic3A_104, %max3A_106 : vector<16xi32>
      %min3A_108 = arith.constant 15 : i32
      %min3A_109 = vector.broadcast %min3A_108 : i32 to vector<16xi32>
      %min3A_110 = arith.minsi %max3A_107, %min3A_109 : vector<16xi32>
      %and3A_111 = arith.constant 63 : i32
      %and3A_112 = vector.broadcast %and3A_111 : i32 to vector<16xi32>
      %and3A_113 = arith.andi %get3A_101, %and3A_112 : vector<16xi32>
      %and3A_114 = arith.constant 0 : i32
      %and3A_115 = vector.broadcast %and3A_114 : i32 to vector<16xi32>
      %and3A_116 = arith.andi %get3A_101, %and3A_115 : vector<16xi32>
      %gather3A_117 = tpu.vector_load_idx %arg9[%min3A_110, %and3A_113] : memref<16x64xi32, #tpu.memory_space<vmem>>[vector<16xi32>, vector<16xi32>], vector<16xi32>,
      %swap3A_118 = arith.constant 64 : index
      %swap3A_119 = tpu.vector_load %arg13[%swap3A_118] {strides = array<i32>} : memref<656xi32, #tpu.memory_space<vmem>>, vector<16xi32>,
      tpu.vector_store %arg13[%swap3A_118], %gather3A_117 {strides = array<i32>} : memref<656xi32, #tpu.memory_space<vmem>>, vector<16xi32>,
      %gather3A_120 = tpu.vector_load_idx %arg10[%min3A_110, %and3A_116, %and3A_113] : memref<16x1x64xf32, #tpu.memory_space<vmem>>[vector<16xi32>, vector<16xi32>, vector<16xi32>], vector<16xf32>,
      %swap3A_121 = arith.constant 64 : index
      %swap3A_122 = tpu.vector_load %arg14[%swap3A_121] {strides = array<i32>} : memref<656xf32, #tpu.memory_space<vmem>>, vector<16xf32>,
      tpu.vector_store %arg14[%swap3A_121], %gather3A_120 {strides = array<i32>} : memref<656xf32, #tpu.memory_space<vmem>>, vector<16xf32>,
      %gather3A_123 = tpu.vector_load_idx %arg11[%min3A_110, %and3A_116, %and3A_113] : memref<16x1x64xf32, #tpu.memory_space<vmem>>[vector<16xi32>, vector<16xi32>, vector<16xi32>], vector<16xf32>,
      %swap3A_124 = arith.constant 64 : index
      %swap3A_125 = tpu.vector_load %arg15[%swap3A_124] {strides = array<i32>} : memref<656xf32, #tpu.memory_space<vmem>>, vector<16xf32>,
      tpu.vector_store %arg15[%swap3A_124], %gather3A_123 {strides = array<i32>} : memref<656xf32, #tpu.memory_space<vmem>>, vector<16xf32>,
      %get3A_126 = arith.constant 80 : index
      %get3A_127 = tpu.vector_load %arg12[%get3A_126] {strides = array<i32>} : memref<656xi32, #tpu.memory_space<vmem>>, vector<16xi32>,
      %shift_right_arithmetic3A_128 = arith.constant 6 : i32
      %shift_right_arithmetic3A_129 = vector.broadcast %shift_right_arithmetic3A_128 : i32 to vector<16xi32>
      %shift_right_arithmetic3A_130 = arith.shrsi %get3A_127, %shift_right_arithmetic3A_129 : vector<16xi32>
      %max3A_131 = arith.constant 0 : i32
      %max3A_132 = vector.broadcast %max3A_131 : i32 to vector<16xi32>
      %max3A_133 = arith.maxsi %shift_right_arithmetic3A_130, %max3A_132 : vector<16xi32>
      %min3A_134 = arith.constant 15 : i32
      %min3A_135 = vector.broadcast %min3A_134 : i32 to vector<16xi32>
      %min3A_136 = arith.minsi %max3A_133, %min3A_135 : vector<16xi32>
      %and3A_137 = arith.constant 63 : i32
      %and3A_138 = vector.broadcast %and3A_137 : i32 to vector<16xi32>
      %and3A_139 = arith.andi %get3A_127, %and3A_138 : vector<16xi32>
      %and3A_140 = arith.constant 0 : i32
      %and3A_141 = vector.broadcast %and3A_140 : i32 to vector<16xi32>
      %and3A_142 = arith.andi %get3A_127, %and3A_141 : vector<16xi32>
      %gather3A_143 = tpu.vector_load_idx %arg9[%min3A_136, %and3A_139] : memref<16x64xi32, #tpu.memory_space<vmem>>[vector<16xi32>, vector<16xi32>], vector<16xi32>,
      %swap3A_144 = arith.constant 80 : index
      %swap3A_145 = tpu.vector_load %arg13[%swap3A_144] {strides = array<i32>} : memref<656xi32, #tpu.memory_space<vmem>>, vector<16xi32>,
      tpu.vector_store %arg13[%swap3A_144], %gather3A_143 {strides = array<i32>} : memref<656xi32, #tpu.memory_space<vmem>>, vector<16xi32>,
      %gather3A_146 = tpu.vector_load_idx %arg10[%min3A_136, %and3A_142, %and3A_139] : memref<16x1x64xf32, #tpu.memory_space<vmem>>[vector<16xi32>, vector<16xi32>, vector<16xi32>], vector<16xf32>,
      %swap3A_147 = arith.constant 80 : index
      %swap3A_148 = tpu.vector_load %arg14[%swap3A_147] {strides = array<i32>} : memref<656xf32, #tpu.memory_space<vmem>>, vector<16xf32>,
      tpu.vector_store %arg14[%swap3A_147], %gather3A_146 {strides = array<i32>} : memref<656xf32, #tpu.memory_space<vmem>>, vector<16xf32>,
      %gather3A_149 = tpu.vector_load_idx %arg11[%min3A_136, %and3A_142, %and3A_139] : memref<16x1x64xf32, #tpu.memory_space<vmem>>[vector<16xi32>, vector<16xi32>, vector<16xi32>], vector<16xf32>,
      %swap3A_150 = arith.constant 80 : index
      %swap3A_151 = tpu.vector_load %arg15[%swap3A_150] {strides = array<i32>} : memref<656xf32, #tpu.memory_space<vmem>>, vector<16xf32>,
      tpu.vector_store %arg15[%swap3A_150], %gather3A_149 {strides = array<i32>} : memref<656xf32, #tpu.memory_space<vmem>>, vector<16xf32>,
      %get3A_152 = arith.constant 96 : index
      %get3A_153 = tpu.vector_load %arg12[%get3A_152] {strides = array<i32>} : memref<656xi32, #tpu.memory_space<vmem>>, vector<16xi32>,
      %shift_right_arithmetic3A_154 = arith.constant 6 : i32
      %shift_right_arithmetic3A_155 = vector.broadcast %shift_right_arithmetic3A_154 : i32 to vector<16xi32>
      %shift_right_arithmetic3A_156 = arith.shrsi %get3A_153, %shift_right_arithmetic3A_155 : vector<16xi32>
      %max3A_157 = arith.constant 0 : i32
      %max3A_158 = vector.broadcast %max3A_157 : i32 to vector<16xi32>
      %max3A_159 = arith.maxsi %shift_right_arithmetic3A_156, %max3A_158 : vector<16xi32>
      %min3A_160 = arith.constant 15 : i32
      %min3A_161 = vector.broadcast %min3A_160 : i32 to vector<16xi32>
      %min3A_162 = arith.minsi %max3A_159, %min3A_161 : vector<16xi32>
      %and3A_163 = arith.constant 63 : i32
      %and3A_164 = vector.broadcast %and3A_163 : i32 to vector<16xi32>
      %and3A_165 = arith.andi %get3A_153, %and3A_164 : vector<16xi32>
      %and3A_166 = arith.constant 0 : i32
      %and3A_167 = vector.broadcast %and3A_166 : i32 to vector<16xi32>
      %and3A_168 = arith.andi %get3A_153, %and3A_167 : vector<16xi32>
      %gather3A_169 = tpu.vector_load_idx %arg9[%min3A_162, %and3A_165] : memref<16x64xi32, #tpu.memory_space<vmem>>[vector<16xi32>, vector<16xi32>], vector<16xi32>,
      %swap3A_170 = arith.constant 96 : index
      %swap3A_171 = tpu.vector_load %arg13[%swap3A_170] {strides = array<i32>} : memref<656xi32, #tpu.memory_space<vmem>>, vector<16xi32>,
      tpu.vector_store %arg13[%swap3A_170], %gather3A_169 {strides = array<i32>} : memref<656xi32, #tpu.memory_space<vmem>>, vector<16xi32>,
      %gather3A_172 = tpu.vector_load_idx %arg10[%min3A_162, %and3A_168, %and3A_165] : memref<16x1x64xf32, #tpu.memory_space<vmem>>[vector<16xi32>, vector<16xi32>, vector<16xi32>], vector<16xf32>,
      %swap3A_173 = arith.constant 96 : index
      %swap3A_174 = tpu.vector_load %arg14[%swap3A_173] {strides = array<i32>} : memref<656xf32, #tpu.memory_space<vmem>>, vector<16xf32>,
      tpu.vector_store %arg14[%swap3A_173], %gather3A_172 {strides = array<i32>} : memref<656xf32, #tpu.memory_space<vmem>>, vector<16xf32>,
      %gather3A_175 = tpu.vector_load_idx %arg11[%min3A_162, %and3A_168, %and3A_165] : memref<16x1x64xf32, #tpu.memory_space<vmem>>[vector<16xi32>, vector<16xi32>, vector<16xi32>], vector<16xf32>,
      %swap3A_176 = arith.constant 96 : index
      %swap3A_177 = tpu.vector_load %arg15[%swap3A_176] {strides = array<i32>} : memref<656xf32, #tpu.memory_space<vmem>>, vector<16xf32>,
      tpu.vector_store %arg15[%swap3A_176], %gather3A_175 {strides = array<i32>} : memref<656xf32, #tpu.memory_space<vmem>>, vector<16xf32>,
      %get3A_178 = arith.constant 112 : index
      %get3A_179 = tpu.vector_load %arg12[%get3A_178] {strides = array<i32>} : memref<656xi32, #tpu.memory_space<vmem>>, vector<16xi32>,
      %shift_right_arithmetic3A_180 = arith.constant 6 : i32
      %shift_right_arithmetic3A_181 = vector.broadcast %shift_right_arithmetic3A_180 : i32 to vector<16xi32>
      %shift_right_arithmetic3A_182 = arith.shrsi %get3A_179, %shift_right_arithmetic3A_181 : vector<16xi32>
      %max3A_183 = arith.constant 0 : i32
      %max3A_184 = vector.broadcast %max3A_183 : i32 to vector<16xi32>
      %max3A_185 = arith.maxsi %shift_right_arithmetic3A_182, %max3A_184 : vector<16xi32>
      %min3A_186 = arith.constant 15 : i32
      %min3A_187 = vector.broadcast %min3A_186 : i32 to vector<16xi32>
      %min3A_188 = arith.minsi %max3A_185, %min3A_187 : vector<16xi32>
      %and3A_189 = arith.constant 63 : i32
      %and3A_190 = vector.broadcast %and3A_189 : i32 to vector<16xi32>
      %and3A_191 = arith.andi %get3A_179, %and3A_190 : vector<16xi32>
      %and3A_192 = arith.constant 0 : i32
      %and3A_193 = vector.broadcast %and3A_192 : i32 to vector<16xi32>
      %and3A_194 = arith.andi %get3A_179, %and3A_193 : vector<16xi32>
      %gather3A_195 = tpu.vector_load_idx %arg9[%min3A_188, %and3A_191] : memref<16x64xi32, #tpu.memory_space<vmem>>[vector<16xi32>, vector<16xi32>], vector<16xi32>,
      %swap3A_196 = arith.constant 112 : index
      %swap3A_197 = tpu.vector_load %arg13[%swap3A_196] {strides = array<i32>} : memref<656xi32, #tpu.memory_space<vmem>>, vector<16xi32>,
      tpu.vector_store %arg13[%swap3A_196], %gather3A_195 {strides = array<i32>} : memref<656xi32, #tpu.memory_space<vmem>>, vector<16xi32>,
      %gather3A_198 = tpu.vector_load_idx %arg10[%min3A_188, %and3A_194, %and3A_191] : memref<16x1x64xf32, #tpu.memory_space<vmem>>[vector<16xi32>, vector<16xi32>, vector<16xi32>], vector<16xf32>,
      %swap3A_199 = arith.constant 112 : index
      %swap3A_200 = tpu.vector_load %arg14[%swap3A_199] {strides = array<i32>} : memref<656xf32, #tpu.memory_space<vmem>>, vector<16xf32>,
      tpu.vector_store %arg14[%swap3A_199], %gather3A_198 {strides = array<i32>} : memref<656xf32, #tpu.memory_space<vmem>>, vector<16xf32>,
      %gather3A_201 = tpu.vector_load_idx %arg11[%min3A_188, %and3A_194, %and3A_191] : memref<16x1x64xf32, #tpu.memory_space<vmem>>[vector<16xi32>, vector<16xi32>, vector<16xi32>], vector<16xf32>,
      %swap3A_202 = arith.constant 112 : index
      %swap3A_203 = tpu.vector_load %arg15[%swap3A_202] {strides = array<i32>} : memref<656xf32, #tpu.memory_space<vmem>>, vector<16xf32>,
      tpu.vector_store %arg15[%swap3A_202], %gather3A_201 {strides = array<i32>} : memref<656xf32, #tpu.memory_space<vmem>>, vector<16xf32>,
      %get3A_204 = arith.constant 128 : index
      %get3A_205 = tpu.vector_load %arg12[%get3A_204] {strides = array<i32>} : memref<656xi32, #tpu.memory_space<vmem>>, vector<16xi32>,
      %shift_right_arithmetic3A_206 = arith.constant 6 : i32
      %shift_right_arithmetic3A_207 = vector.broadcast %shift_right_arithmetic3A_206 : i32 to vector<16xi32>
      %shift_right_arithmetic3A_208 = arith.shrsi %get3A_205, %shift_right_arithmetic3A_207 : vector<16xi32>
      %max3A_209 = arith.constant 0 : i32
      %max3A_210 = vector.broadcast %max3A_209 : i32 to vector<16xi32>
      %max3A_211 = arith.maxsi %shift_right_arithmetic3A_208, %max3A_210 : vector<16xi32>
      %min3A_212 = arith.constant 15 : i32
      %min3A_213 = vector.broadcast %min3A_212 : i32 to vector<16xi32>
      %min3A_214 = arith.minsi %max3A_211, %min3A_213 : vector<16xi32>
      %and3A_215 = arith.constant 63 : i32
      %and3A_216 = vector.broadcast %and3A_215 : i32 to vector<16xi32>
      %and3A_217 = arith.andi %get3A_205, %and3A_216 : vector<16xi32>
      %and3A_218 = arith.constant 0 : i32
      %and3A_219 = vector.broadcast %and3A_218 : i32 to vector<16xi32>
      %and3A_220 = arith.andi %get3A_205, %and3A_219 : vector<16xi32>
      %gather3A_221 = tpu.vector_load_idx %arg9[%min3A_214, %and3A_217] : memref<16x64xi32, #tpu.memory_space<vmem>>[vector<16xi32>, vector<16xi32>], vector<16xi32>,
      %swap3A_222 = arith.constant 128 : index
      %swap3A_223 = tpu.vector_load %arg13[%swap3A_222] {strides = array<i32>} : memref<656xi32, #tpu.memory_space<vmem>>, vector<16xi32>,
      tpu.vector_store %arg13[%swap3A_222], %gather3A_221 {strides = array<i32>} : memref<656xi32, #tpu.memory_space<vmem>>, vector<16xi32>,
      %gather3A_224 = tpu.vector_load_idx %arg10[%min3A_214, %and3A_220, %and3A_217] : memref<16x1x64xf32, #tpu.memory_space<vmem>>[vector<16xi32>, vector<16xi32>, vector<16xi32>], vector<16xf32>,
      %swap3A_225 = arith.constant 128 : index
      %swap3A_226 = tpu.vector_load %arg14[%swap3A_225] {strides = array<i32>} : memref<656xf32, #tpu.memory_space<vmem>>, vector<16xf32>,
      tpu.vector_store %arg14[%swap3A_225], %gather3A_224 {strides = array<i32>} : memref<656xf32, #tpu.memory_space<vmem>>, vector<16xf32>,
      %gather3A_227 = tpu.vector_load_idx %arg11[%min3A_214, %and3A_220, %and3A_217] : memref<16x1x64xf32, #tpu.memory_space<vmem>>[vector<16xi32>, vector<16xi32>, vector<16xi32>], vector<16xf32>,
      %swap3A_228 = arith.constant 128 : index
      %swap3A_229 = tpu.vector_load %arg15[%swap3A_228] {strides = array<i32>} : memref<656xf32, #tpu.memory_space<vmem>>, vector<16xf32>,
      tpu.vector_store %arg15[%swap3A_228], %gather3A_227 {strides = array<i32>} : memref<656xf32, #tpu.memory_space<vmem>>, vector<16xf32>,
      %get3A_230 = arith.constant 144 : index
      %get3A_231 = tpu.vector_load %arg12[%get3A_230] {strides = array<i32>} : memref<656xi32, #tpu.memory_space<vmem>>, vector<16xi32>,
      %shift_right_arithmetic3A_232 = arith.constant 6 : i32
      %shift_right_arithmetic3A_233 = vector.broadcast %shift_right_arithmetic3A_232 : i32 to vector<16xi32>
      %shift_right_arithmetic3A_234 = arith.shrsi %get3A_231, %shift_right_arithmetic3A_233 : vector<16xi32>
      %max3A_235 = arith.constant 0 : i32
      %max3A_236 = vector.broadcast %max3A_235 : i32 to vector<16xi32>
      %max3A_237 = arith.maxsi %shift_right_arithmetic3A_234, %max3A_236 : vector<16xi32>
      %min3A_238 = arith.constant 15 : i32
      %min3A_239 = vector.broadcast %min3A_238 : i32 to vector<16xi32>
      %min3A_240 = arith.minsi %max3A_237, %min3A_239 : vector<16xi32>
      %and3A_241 = arith.constant 63 : i32
      %and3A_242 = vector.broadcast %and3A_241 : i32 to vector<16xi32>
      %and3A_243 = arith.andi %get3A_231, %and3A_242 : vector<16xi32>
      %and3A_244 = arith.constant 0 : i32
      %and3A_245 = vector.broadcast %and3A_244 : i32 to vector<16xi32>
      %and3A_246 = arith.andi %get3A_231, %and3A_245 : vector<16xi32>
      %gather3A_247 = tpu.vector_load_idx %arg9[%min3A_240, %and3A_243] : memref<16x64xi32, #tpu.memory_space<vmem>>[vector<16xi32>, vector<16xi32>], vector<16xi32>,
      %swap3A_248 = arith.constant 144 : index
      %swap3A_249 = tpu.vector_load %arg13[%swap3A_248] {strides = array<i32>} : memref<656xi32, #tpu.memory_space<vmem>>, vector<16xi32>,
      tpu.vector_store %arg13[%swap3A_248], %gather3A_247 {strides = array<i32>} : memref<656xi32, #tpu.memory_space<vmem>>, vector<16xi32>,
      %gather3A_250 = tpu.vector_load_idx %arg10[%min3A_240, %and3A_246, %and3A_243] : memref<16x1x64xf32, #tpu.memory_space<vmem>>[vector<16xi32>, vector<16xi32>, vector<16xi32>], vector<16xf32>,
      %swap3A_251 = arith.constant 144 : index
      %swap3A_252 = tpu.vector_load %arg14[%swap3A_251] {strides = array<i32>} : memref<656xf32, #tpu.memory_space<vmem>>, vector<16xf32>,
      tpu.vector_store %arg14[%swap3A_251], %gather3A_250 {strides = array<i32>} : memref<656xf32, #tpu.memory_space<vmem>>, vector<16xf32>,
      %gather3A_253 = tpu.vector_load_idx %arg11[%min3A_240, %and3A_246, %and3A_243] : memref<16x1x64xf32, #tpu.memory_space<vmem>>[vector<16xi32>, vector<16xi32>, vector<16xi32>], vector<16xf32>,
      %swap3A_254 = arith.constant 144 : index
      %swap3A_255 = tpu.vector_load %arg15[%swap3A_254] {strides = array<i32>} : memref<656xf32, #tpu.memory_space<vmem>>, vector<16xf32>,
      tpu.vector_store %arg15[%swap3A_254], %gather3A_253 {strides = array<i32>} : memref<656xf32, #tpu.memory_space<vmem>>, vector<16xf32>,
      %get3A_256 = arith.constant 160 : index
      %get3A_257 = tpu.vector_load %arg12[%get3A_256] {strides = array<i32>} : memref<656xi32, #tpu.memory_space<vmem>>, vector<16xi32>,
      %shift_right_arithmetic3A_258 = arith.constant 6 : i32
      %shift_right_arithmetic3A_259 = vector.broadcast %shift_right_arithmetic3A_258 : i32 to vector<16xi32>
      %shift_right_arithmetic3A_260 = arith.shrsi %get3A_257, %shift_right_arithmetic3A_259 : vector<16xi32>
      %max3A_261 = arith.constant 0 : i32
      %max3A_262 = vector.broadcast %max3A_261 : i32 to vector<16xi32>
      %max3A_263 = arith.maxsi %shift_right_arithmetic3A_260, %max3A_262 : vector<16xi32>
      %min3A_264 = arith.constant 15 : i32
      %min3A_265 = vector.broadcast %min3A_264 : i32 to vector<16xi32>
      %min3A_266 = arith.minsi %max3A_263, %min3A_265 : vector<16xi32>
      %and3A_267 = arith.constant 63 : i32
      %and3A_268 = vector.broadcast %and3A_267 : i32 to vector<16xi32>
      %and3A_269 = arith.andi %get3A_257, %and3A_268 : vector<16xi32>
      %and3A_270 = arith.constant 0 : i32
      %and3A_271 = vector.broadcast %and3A_270 : i32 to vector<16xi32>
      %and3A_272 = arith.andi %get3A_257, %and3A_271 : vector<16xi32>
      %gather3A_273 = tpu.vector_load_idx %arg9[%min3A_266, %and3A_269] : memref<16x64xi32, #tpu.memory_space<vmem>>[vector<16xi32>, vector<16xi32>], vector<16xi32>,
      %swap3A_274 = arith.constant 160 : index
      %swap3A_275 = tpu.vector_load %arg13[%swap3A_274] {strides = array<i32>} : memref<656xi32, #tpu.memory_space<vmem>>, vector<16xi32>,
      tpu.vector_store %arg13[%swap3A_274], %gather3A_273 {strides = array<i32>} : memref<656xi32, #tpu.memory_space<vmem>>, vector<16xi32>,
      %gather3A_276 = tpu.vector_load_idx %arg10[%min3A_266, %and3A_272, %and3A_269] : memref<16x1x64xf32, #tpu.memory_space<vmem>>[vector<16xi32>, vector<16xi32>, vector<16xi32>], vector<16xf32>,
      %swap3A_277 = arith.constant 160 : index
      %swap3A_278 = tpu.vector_load %arg14[%swap3A_277] {strides = array<i32>} : memref<656xf32, #tpu.memory_space<vmem>>, vector<16xf32>,
      tpu.vector_store %arg14[%swap3A_277], %gather3A_276 {strides = array<i32>} : memref<656xf32, #tpu.memory_space<vmem>>, vector<16xf32>,
      %gather3A_279 = tpu.vector_load_idx %arg11[%min3A_266, %and3A_272, %and3A_269] : memref<16x1x64xf32, #tpu.memory_space<vmem>>[vector<16xi32>, vector<16xi32>, vector<16xi32>], vector<16xf32>,
      %swap3A_280 = arith.constant 160 : index
      %swap3A_281 = tpu.vector_load %arg15[%swap3A_280] {strides = array<i32>} : memref<656xf32, #tpu.memory_space<vmem>>, vector<16xf32>,
      tpu.vector_store %arg15[%swap3A_280], %gather3A_279 {strides = array<i32>} : memref<656xf32, #tpu.memory_space<vmem>>, vector<16xf32>,
      %get3A_282 = arith.constant 176 : index
      %get3A_283 = tpu.vector_load %arg12[%get3A_282] {strides = array<i32>} : memref<656xi32, #tpu.memory_space<vmem>>, vector<16xi32>,
      %shift_right_arithmetic3A_284 = arith.constant 6 : i32
      %shift_right_arithmetic3A_285 = vector.broadcast %shift_right_arithmetic3A_284 : i32 to vector<16xi32>
      %shift_right_arithmetic3A_286 = arith.shrsi %get3A_283, %shift_right_arithmetic3A_285 : vector<16xi32>
      %max3A_287 = arith.constant 0 : i32
      %max3A_288 = vector.broadcast %max3A_287 : i32 to vector<16xi32>
      %max3A_289 = arith.maxsi %shift_right_arithmetic3A_286, %max3A_288 : vector<16xi32>
      %min3A_290 = arith.constant 15 : i32
      %min3A_291 = vector.broadcast %min3A_290 : i32 to vector<16xi32>
      %min3A_292 = arith.minsi %max3A_289, %min3A_291 : vector<16xi32>
      %and3A_293 = arith.constant 63 : i32
      %and3A_294 = vector.broadcast %and3A_293 : i32 to vector<16xi32>
      %and3A_295 = arith.andi %get3A_283, %and3A_294 : vector<16xi32>
      %and3A_296 = arith.constant 0 : i32
      %and3A_297 = vector.broadcast %and3A_296 : i32 to vector<16xi32>
      %and3A_298 = arith.andi %get3A_283, %and3A_297 : vector<16xi32>
      %gather3A_299 = tpu.vector_load_idx %arg9[%min3A_292, %and3A_295] : memref<16x64xi32, #tpu.memory_space<vmem>>[vector<16xi32>, vector<16xi32>], vector<16xi32>,
      %swap3A_300 = arith.constant 176 : index
      %swap3A_301 = tpu.vector_load %arg13[%swap3A_300] {strides = array<i32>} : memref<656xi32, #tpu.memory_space<vmem>>, vector<16xi32>,
      tpu.vector_store %arg13[%swap3A_300], %gather3A_299 {strides = array<i32>} : memref<656xi32, #tpu.memory_space<vmem>>, vector<16xi32>,
      %gather3A_302 = tpu.vector_load_idx %arg10[%min3A_292, %and3A_298, %and3A_295] : memref<16x1x64xf32, #tpu.memory_space<vmem>>[vector<16xi32>, vector<16xi32>, vector<16xi32>], vector<16xf32>,
      %swap3A_303 = arith.constant 176 : index
      %swap3A_304 = tpu.vector_load %arg14[%swap3A_303] {strides = array<i32>} : memref<656xf32, #tpu.memory_space<vmem>>, vector<16xf32>,
      tpu.vector_store %arg14[%swap3A_303], %gather3A_302 {strides = array<i32>} : memref<656xf32, #tpu.memory_space<vmem>>, vector<16xf32>,
      %gather3A_305 = tpu.vector_load_idx %arg11[%min3A_292, %and3A_298, %and3A_295] : memref<16x1x64xf32, #tpu.memory_space<vmem>>[vector<16xi32>, vector<16xi32>, vector<16xi32>], vector<16xf32>,
      %swap3A_306 = arith.constant 176 : index
      %swap3A_307 = tpu.vector_load %arg15[%swap3A_306] {strides = array<i32>} : memref<656xf32, #tpu.memory_space<vmem>>, vector<16xf32>,
      tpu.vector_store %arg15[%swap3A_306], %gather3A_305 {strides = array<i32>} : memref<656xf32, #tpu.memory_space<vmem>>, vector<16xf32>,
      %get3A_308 = arith.constant 192 : index
      %get3A_309 = tpu.vector_load %arg12[%get3A_308] {strides = array<i32>} : memref<656xi32, #tpu.memory_space<vmem>>, vector<16xi32>,
      %shift_right_arithmetic3A_310 = arith.constant 6 : i32
      %shift_right_arithmetic3A_311 = vector.broadcast %shift_right_arithmetic3A_310 : i32 to vector<16xi32>
      %shift_right_arithmetic3A_312 = arith.shrsi %get3A_309, %shift_right_arithmetic3A_311 : vector<16xi32>
      %max3A_313 = arith.constant 0 : i32
      %max3A_314 = vector.broadcast %max3A_313 : i32 to vector<16xi32>
      %max3A_315 = arith.maxsi %shift_right_arithmetic3A_312, %max3A_314 : vector<16xi32>
      %min3A_316 = arith.constant 15 : i32
      %min3A_317 = vector.broadcast %min3A_316 : i32 to vector<16xi32>
      %min3A_318 = arith.minsi %max3A_315, %min3A_317 : vector<16xi32>
      %and3A_319 = arith.constant 63 : i32
      %and3A_320 = vector.broadcast %and3A_319 : i32 to vector<16xi32>
      %and3A_321 = arith.andi %get3A_309, %and3A_320 : vector<16xi32>
      %and3A_322 = arith.constant 0 : i32
      %and3A_323 = vector.broadcast %and3A_322 : i32 to vector<16xi32>
      %and3A_324 = arith.andi %get3A_309, %and3A_323 : vector<16xi32>
      %gather3A_325 = tpu.vector_load_idx %arg9[%min3A_318, %and3A_321] : memref<16x64xi32, #tpu.memory_space<vmem>>[vector<16xi32>, vector<16xi32>], vector<16xi32>,
      %swap3A_326 = arith.constant 192 : index
      %swap3A_327 = tpu.vector_load %arg13[%swap3A_326] {strides = array<i32>} : memref<656xi32, #tpu.memory_space<vmem>>, vector<16xi32>,
      tpu.vector_store %arg13[%swap3A_326], %gather3A_325 {strides = array<i32>} : memref<656xi32, #tpu.memory_space<vmem>>, vector<16xi32>,
      %gather3A_328 = tpu.vector_load_idx %arg10[%min3A_318, %and3A_324, %and3A_321] : memref<16x1x64xf32, #tpu.memory_space<vmem>>[vector<16xi32>, vector<16xi32>, vector<16xi32>], vector<16xf32>,
      %swap3A_329 = arith.constant 192 : index
      %swap3A_330 = tpu.vector_load %arg14[%swap3A_329] {strides = array<i32>} : memref<656xf32, #tpu.memory_space<vmem>>, vector<16xf32>,
      tpu.vector_store %arg14[%swap3A_329], %gather3A_328 {strides = array<i32>} : memref<656xf32, #tpu.memory_space<vmem>>, vector<16xf32>,
      %gather3A_331 = tpu.vector_load_idx %arg11[%min3A_318, %and3A_324, %and3A_321] : memref<16x1x64xf32, #tpu.memory_space<vmem>>[vector<16xi32>, vector<16xi32>, vector<16xi32>], vector<16xf32>,
      %swap3A_332 = arith.constant 192 : index
      %swap3A_333 = tpu.vector_load %arg15[%swap3A_332] {strides = array<i32>} : memref<656xf32, #tpu.memory_space<vmem>>, vector<16xf32>,
      tpu.vector_store %arg15[%swap3A_332], %gather3A_331 {strides = array<i32>} : memref<656xf32, #tpu.memory_space<vmem>>, vector<16xf32>,
      %get3A_334 = arith.constant 208 : index
      %get3A_335 = tpu.vector_load %arg12[%get3A_334] {strides = array<i32>} : memref<656xi32, #tpu.memory_space<vmem>>, vector<16xi32>,
      %shift_right_arithmetic3A_336 = arith.constant 6 : i32
      %shift_right_arithmetic3A_337 = vector.broadcast %shift_right_arithmetic3A_336 : i32 to vector<16xi32>
      %shift_right_arithmetic3A_338 = arith.shrsi %get3A_335, %shift_right_arithmetic3A_337 : vector<16xi32>
      %max3A_339 = arith.constant 0 : i32
      %max3A_340 = vector.broadcast %max3A_339 : i32 to vector<16xi32>
      %max3A_341 = arith.maxsi %shift_right_arithmetic3A_338, %max3A_340 : vector<16xi32>
      %min3A_342 = arith.constant 15 : i32
      %min3A_343 = vector.broadcast %min3A_342 : i32 to vector<16xi32>
      %min3A_344 = arith.minsi %max3A_341, %min3A_343 : vector<16xi32>
      %and3A_345 = arith.constant 63 : i32
      %and3A_346 = vector.broadcast %and3A_345 : i32 to vector<16xi32>
      %and3A_347 = arith.andi %get3A_335, %and3A_346 : vector<16xi32>
      %and3A_348 = arith.constant 0 : i32
      %and3A_349 = vector.broadcast %and3A_348 : i32 to vector<16xi32>
      %and3A_350 = arith.andi %get3A_335, %and3A_349 : vector<16xi32>
      %gather3A_351 = tpu.vector_load_idx %arg9[%min3A_344, %and3A_347] : memref<16x64xi32, #tpu.memory_space<vmem>>[vector<16xi32>, vector<16xi32>], vector<16xi32>,
      %swap3A_352 = arith.constant 208 : index
      %swap3A_353 = tpu.vector_load %arg13[%swap3A_352] {strides = array<i32>} : memref<656xi32, #tpu.memory_space<vmem>>, vector<16xi32>,
      tpu.vector_store %arg13[%swap3A_352], %gather3A_351 {strides = array<i32>} : memref<656xi32, #tpu.memory_space<vmem>>, vector<16xi32>,
      %gather3A_354 = tpu.vector_load_idx %arg10[%min3A_344, %and3A_350, %and3A_347] : memref<16x1x64xf32, #tpu.memory_space<vmem>>[vector<16xi32>, vector<16xi32>, vector<16xi32>], vector<16xf32>,
      %swap3A_355 = arith.constant 208 : index
      %swap3A_356 = tpu.vector_load %arg14[%swap3A_355] {strides = array<i32>} : memref<656xf32, #tpu.memory_space<vmem>>, vector<16xf32>,
      tpu.vector_store %arg14[%swap3A_355], %gather3A_354 {strides = array<i32>} : memref<656xf32, #tpu.memory_space<vmem>>, vector<16xf32>,
      %gather3A_357 = tpu.vector_load_idx %arg11[%min3A_344, %and3A_350, %and3A_347] : memref<16x1x64xf32, #tpu.memory_space<vmem>>[vector<16xi32>, vector<16xi32>, vector<16xi32>], vector<16xf32>,
      %swap3A_358 = arith.constant 208 : index
      %swap3A_359 = tpu.vector_load %arg15[%swap3A_358] {strides = array<i32>} : memref<656xf32, #tpu.memory_space<vmem>>, vector<16xf32>,
      tpu.vector_store %arg15[%swap3A_358], %gather3A_357 {strides = array<i32>} : memref<656xf32, #tpu.memory_space<vmem>>, vector<16xf32>,
      %get3A_360 = arith.constant 224 : index
      %get3A_361 = tpu.vector_load %arg12[%get3A_360] {strides = array<i32>} : memref<656xi32, #tpu.memory_space<vmem>>, vector<16xi32>,
      %shift_right_arithmetic3A_362 = arith.constant 6 : i32
      %shift_right_arithmetic3A_363 = vector.broadcast %shift_right_arithmetic3A_362 : i32 to vector<16xi32>
      %shift_right_arithmetic3A_364 = arith.shrsi %get3A_361, %shift_right_arithmetic3A_363 : vector<16xi32>
      %max3A_365 = arith.constant 0 : i32
      %max3A_366 = vector.broadcast %max3A_365 : i32 to vector<16xi32>
      %max3A_367 = arith.maxsi %shift_right_arithmetic3A_364, %max3A_366 : vector<16xi32>
      %min3A_368 = arith.constant 15 : i32
      %min3A_369 = vector.broadcast %min3A_368 : i32 to vector<16xi32>
      %min3A_370 = arith.minsi %max3A_367, %min3A_369 : vector<16xi32>
      %and3A_371 = arith.constant 63 : i32
      %and3A_372 = vector.broadcast %and3A_371 : i32 to vector<16xi32>
      %and3A_373 = arith.andi %get3A_361, %and3A_372 : vector<16xi32>
      %and3A_374 = arith.constant 0 : i32
      %and3A_375 = vector.broadcast %and3A_374 : i32 to vector<16xi32>
      %and3A_376 = arith.andi %get3A_361, %and3A_375 : vector<16xi32>
      %gather3A_377 = tpu.vector_load_idx %arg9[%min3A_370, %and3A_373] : memref<16x64xi32, #tpu.memory_space<vmem>>[vector<16xi32>, vector<16xi32>], vector<16xi32>,
      %swap3A_378 = arith.constant 224 : index
      %swap3A_379 = tpu.vector_load %arg13[%swap3A_378] {strides = array<i32>} : memref<656xi32, #tpu.memory_space<vmem>>, vector<16xi32>,
      tpu.vector_store %arg13[%swap3A_378], %gather3A_377 {strides = array<i32>} : memref<656xi32, #tpu.memory_space<vmem>>, vector<16xi32>,
      %gather3A_380 = tpu.vector_load_idx %arg10[%min3A_370, %and3A_376, %and3A_373] : memref<16x1x64xf32, #tpu.memory_space<vmem>>[vector<16xi32>, vector<16xi32>, vector<16xi32>], vector<16xf32>,
      %swap3A_381 = arith.constant 224 : index
      %swap3A_382 = tpu.vector_load %arg14[%swap3A_381] {strides = array<i32>} : memref<656xf32, #tpu.memory_space<vmem>>, vector<16xf32>,
      tpu.vector_store %arg14[%swap3A_381], %gather3A_380 {strides = array<i32>} : memref<656xf32, #tpu.memory_space<vmem>>, vector<16xf32>,
      %gather3A_383 = tpu.vector_load_idx %arg11[%min3A_370, %and3A_376, %and3A_373] : memref<16x1x64xf32, #tpu.memory_space<vmem>>[vector<16xi32>, vector<16xi32>, vector<16xi32>], vector<16xf32>,
      %swap3A_384 = arith.constant 224 : index
      %swap3A_385 = tpu.vector_load %arg15[%swap3A_384] {strides = array<i32>} : memref<656xf32, #tpu.memory_space<vmem>>, vector<16xf32>,
      tpu.vector_store %arg15[%swap3A_384], %gather3A_383 {strides = array<i32>} : memref<656xf32, #tpu.memory_space<vmem>>, vector<16xf32>,
      %get3A_386 = arith.constant 240 : index
      %get3A_387 = tpu.vector_load %arg12[%get3A_386] {strides = array<i32>} : memref<656xi32, #tpu.memory_space<vmem>>, vector<16xi32>,
      %shift_right_arithmetic3A_388 = arith.constant 6 : i32
      %shift_right_arithmetic3A_389 = vector.broadcast %shift_right_arithmetic3A_388 : i32 to vector<16xi32>
      %shift_right_arithmetic3A_390 = arith.shrsi %get3A_387, %shift_right_arithmetic3A_389 : vector<16xi32>
      %max3A_391 = arith.constant 0 : i32
      %max3A_392 = vector.broadcast %max3A_391 : i32 to vector<16xi32>
      %max3A_393 = arith.maxsi %shift_right_arithmetic3A_390, %max3A_392 : vector<16xi32>
      %min3A_394 = arith.constant 15 : i32
      %min3A_395 = vector.broadcast %min3A_394 : i32 to vector<16xi32>
      %min3A_396 = arith.minsi %max3A_393, %min3A_395 : vector<16xi32>
      %and3A_397 = arith.constant 63 : i32
      %and3A_398 = vector.broadcast %and3A_397 : i32 to vector<16xi32>
      %and3A_399 = arith.andi %get3A_387, %and3A_398 : vector<16xi32>
      %and3A_400 = arith.constant 0 : i32
      %and3A_401 = vector.broadcast %and3A_400 : i32 to vector<16xi32>
      %and3A_402 = arith.andi %get3A_387, %and3A_401 : vector<16xi32>
      %gather3A_403 = tpu.vector_load_idx %arg9[%min3A_396, %and3A_399] : memref<16x64xi32, #tpu.memory_space<vmem>>[vector<16xi32>, vector<16xi32>], vector<16xi32>,
      %swap3A_404 = arith.constant 240 : index
      %swap3A_405 = tpu.vector_load %arg13[%swap3A_404] {strides = array<i32>} : memref<656xi32, #tpu.memory_space<vmem>>, vector<16xi32>,
      tpu.vector_store %arg13[%swap3A_404], %gather3A_403 {strides = array<i32>} : memref<656xi32, #tpu.memory_space<vmem>>, vector<16xi32>,
      %gather3A_406 = tpu.vector_load_idx %arg10[%min3A_396, %and3A_402, %and3A_399] : memref<16x1x64xf32, #tpu.memory_space<vmem>>[vector<16xi32>, vector<16xi32>, vector<16xi32>], vector<16xf32>,
      %swap3A_407 = arith.constant 240 : index
      %swap3A_408 = tpu.vector_load %arg14[%swap3A_407] {strides = array<i32>} : memref<656xf32, #tpu.memory_space<vmem>>, vector<16xf32>,
      tpu.vector_store %arg14[%swap3A_407], %gather3A_406 {strides = array<i32>} : memref<656xf32, #tpu.memory_space<vmem>>, vector<16xf32>,
      %gather3A_409 = tpu.vector_load_idx %arg11[%min3A_396, %and3A_402, %and3A_399] : memref<16x1x64xf32, #tpu.memory_space<vmem>>[vector<16xi32>, vector<16xi32>, vector<16xi32>], vector<16xf32>,
      %swap3A_410 = arith.constant 240 : index
      %swap3A_411 = tpu.vector_load %arg15[%swap3A_410] {strides = array<i32>} : memref<656xf32, #tpu.memory_space<vmem>>, vector<16xf32>,
      tpu.vector_store %arg15[%swap3A_410], %gather3A_409 {strides = array<i32>} : memref<656xf32, #tpu.memory_space<vmem>>, vector<16xf32>,
      %get3A_412 = arith.constant 256 : index
      %get3A_413 = tpu.vector_load %arg12[%get3A_412] {strides = array<i32>} : memref<656xi32, #tpu.memory_space<vmem>>, vector<16xi32>,
      %shift_right_arithmetic3A_414 = arith.constant 6 : i32
      %shift_right_arithmetic3A_415 = vector.broadcast %shift_right_arithmetic3A_414 : i32 to vector<16xi32>
      %shift_right_arithmetic3A_416 = arith.shrsi %get3A_413, %shift_right_arithmetic3A_415 : vector<16xi32>
      %max3A_417 = arith.constant 0 : i32
      %max3A_418 = vector.broadcast %max3A_417 : i32 to vector<16xi32>
      %max3A_419 = arith.maxsi %shift_right_arithmetic3A_416, %max3A_418 : vector<16xi32>
      %min3A_420 = arith.constant 15 : i32
      %min3A_421 = vector.broadcast %min3A_420 : i32 to vector<16xi32>
      %min3A_422 = arith.minsi %max3A_419, %min3A_421 : vector<16xi32>
      %and3A_423 = arith.constant 63 : i32
      %and3A_424 = vector.broadcast %and3A_423 : i32 to vector<16xi32>
      %and3A_425 = arith.andi %get3A_413, %and3A_424 : vector<16xi32>
      %and3A_426 = arith.constant 0 : i32
      %and3A_427 = vector.broadcast %and3A_426 : i32 to vector<16xi32>
      %and3A_428 = arith.andi %get3A_413, %and3A_427 : vector<16xi32>
      %gather3A_429 = tpu.vector_load_idx %arg9[%min3A_422, %and3A_425] : memref<16x64xi32, #tpu.memory_space<vmem>>[vector<16xi32>, vector<16xi32>], vector<16xi32>,
      %swap3A_430 = arith.constant 256 : index
      %swap3A_431 = tpu.vector_load %arg13[%swap3A_430] {strides = array<i32>} : memref<656xi32, #tpu.memory_space<vmem>>, vector<16xi32>,
      tpu.vector_store %arg13[%swap3A_430], %gather3A_429 {strides = array<i32>} : memref<656xi32, #tpu.memory_space<vmem>>, vector<16xi32>,
      %gather3A_432 = tpu.vector_load_idx %arg10[%min3A_422, %and3A_428, %and3A_425] : memref<16x1x64xf32, #tpu.memory_space<vmem>>[vector<16xi32>, vector<16xi32>, vector<16xi32>], vector<16xf32>,
      %swap3A_433 = arith.constant 256 : index
      %swap3A_434 = tpu.vector_load %arg14[%swap3A_433] {strides = array<i32>} : memref<656xf32, #tpu.memory_space<vmem>>, vector<16xf32>,
      tpu.vector_store %arg14[%swap3A_433], %gather3A_432 {strides = array<i32>} : memref<656xf32, #tpu.memory_space<vmem>>, vector<16xf32>,
      %gather3A_435 = tpu.vector_load_idx %arg11[%min3A_422, %and3A_428, %and3A_425] : memref<16x1x64xf32, #tpu.memory_space<vmem>>[vector<16xi32>, vector<16xi32>, vector<16xi32>], vector<16xf32>,
      %swap3A_436 = arith.constant 256 : index
      %swap3A_437 = tpu.vector_load %arg15[%swap3A_436] {strides = array<i32>} : memref<656xf32, #tpu.memory_space<vmem>>, vector<16xf32>,
      tpu.vector_store %arg15[%swap3A_436], %gather3A_435 {strides = array<i32>} : memref<656xf32, #tpu.memory_space<vmem>>, vector<16xf32>,
      %get3A_438 = arith.constant 272 : index
      %get3A_439 = tpu.vector_load %arg12[%get3A_438] {strides = array<i32>} : memref<656xi32, #tpu.memory_space<vmem>>, vector<16xi32>,
      %shift_right_arithmetic3A_440 = arith.constant 6 : i32
      %shift_right_arithmetic3A_441 = vector.broadcast %shift_right_arithmetic3A_440 : i32 to vector<16xi32>
      %shift_right_arithmetic3A_442 = arith.shrsi %get3A_439, %shift_right_arithmetic3A_441 : vector<16xi32>
      %max3A_443 = arith.constant 0 : i32
      %max3A_444 = vector.broadcast %max3A_443 : i32 to vector<16xi32>
      %max3A_445 = arith.maxsi %shift_right_arithmetic3A_442, %max3A_444 : vector<16xi32>
      %min3A_446 = arith.constant 15 : i32
      %min3A_447 = vector.broadcast %min3A_446 : i32 to vector<16xi32>
      %min3A_448 = arith.minsi %max3A_445, %min3A_447 : vector<16xi32>
      %and3A_449 = arith.constant 63 : i32
      %and3A_450 = vector.broadcast %and3A_449 : i32 to vector<16xi32>
      %and3A_451 = arith.andi %get3A_439, %and3A_450 : vector<16xi32>
      %and3A_452 = arith.constant 0 : i32
      %and3A_453 = vector.broadcast %and3A_452 : i32 to vector<16xi32>
      %and3A_454 = arith.andi %get3A_439, %and3A_453 : vector<16xi32>
      %gather3A_455 = tpu.vector_load_idx %arg9[%min3A_448, %and3A_451] : memref<16x64xi32, #tpu.memory_space<vmem>>[vector<16xi32>, vector<16xi32>], vector<16xi32>,
      %swap3A_456 = arith.constant 272 : index
      %swap3A_457 = tpu.vector_load %arg13[%swap3A_456] {strides = array<i32>} : memref<656xi32, #tpu.memory_space<vmem>>, vector<16xi32>,
      tpu.vector_store %arg13[%swap3A_456], %gather3A_455 {strides = array<i32>} : memref<656xi32, #tpu.memory_space<vmem>>, vector<16xi32>,
      %gather3A_458 = tpu.vector_load_idx %arg10[%min3A_448, %and3A_454, %and3A_451] : memref<16x1x64xf32, #tpu.memory_space<vmem>>[vector<16xi32>, vector<16xi32>, vector<16xi32>], vector<16xf32>,
      %swap3A_459 = arith.constant 272 : index
      %swap3A_460 = tpu.vector_load %arg14[%swap3A_459] {strides = array<i32>} : memref<656xf32, #tpu.memory_space<vmem>>, vector<16xf32>,
      tpu.vector_store %arg14[%swap3A_459], %gather3A_458 {strides = array<i32>} : memref<656xf32, #tpu.memory_space<vmem>>, vector<16xf32>,
      %gather3A_461 = tpu.vector_load_idx %arg11[%min3A_448, %and3A_454, %and3A_451] : memref<16x1x64xf32, #tpu.memory_space<vmem>>[vector<16xi32>, vector<16xi32>, vector<16xi32>], vector<16xf32>,
      %swap3A_462 = arith.constant 272 : index
      %swap3A_463 = tpu.vector_load %arg15[%swap3A_462] {strides = array<i32>} : memref<656xf32, #tpu.memory_space<vmem>>, vector<16xf32>,
      tpu.vector_store %arg15[%swap3A_462], %gather3A_461 {strides = array<i32>} : memref<656xf32, #tpu.memory_space<vmem>>, vector<16xf32>,
      %get3A_464 = arith.constant 288 : index
      %get3A_465 = tpu.vector_load %arg12[%get3A_464] {strides = array<i32>} : memref<656xi32, #tpu.memory_space<vmem>>, vector<16xi32>,
      %shift_right_arithmetic3A_466 = arith.constant 6 : i32
      %shift_right_arithmetic3A_467 = vector.broadcast %shift_right_arithmetic3A_466 : i32 to vector<16xi32>
      %shift_right_arithmetic3A_468 = arith.shrsi %get3A_465, %shift_right_arithmetic3A_467 : vector<16xi32>
      %max3A_469 = arith.constant 0 : i32
      %max3A_470 = vector.broadcast %max3A_469 : i32 to vector<16xi32>
      %max3A_471 = arith.maxsi %shift_right_arithmetic3A_468, %max3A_470 : vector<16xi32>
      %min3A_472 = arith.constant 15 : i32
      %min3A_473 = vector.broadcast %min3A_472 : i32 to vector<16xi32>
      %min3A_474 = arith.minsi %max3A_471, %min3A_473 : vector<16xi32>
      %and3A_475 = arith.constant 63 : i32
      %and3A_476 = vector.broadcast %and3A_475 : i32 to vector<16xi32>
      %and3A_477 = arith.andi %get3A_465, %and3A_476 : vector<16xi32>
      %and3A_478 = arith.constant 0 : i32
      %and3A_479 = vector.broadcast %and3A_478 : i32 to vector<16xi32>
      %and3A_480 = arith.andi %get3A_465, %and3A_479 : vector<16xi32>
      %gather3A_481 = tpu.vector_load_idx %arg9[%min3A_474, %and3A_477] : memref<16x64xi32, #tpu.memory_space<vmem>>[vector<16xi32>, vector<16xi32>], vector<16xi32>,
      %swap3A_482 = arith.constant 288 : index
      %swap3A_483 = tpu.vector_load %arg13[%swap3A_482] {strides = array<i32>} : memref<656xi32, #tpu.memory_space<vmem>>, vector<16xi32>,
      tpu.vector_store %arg13[%swap3A_482], %gather3A_481 {strides = array<i32>} : memref<656xi32, #tpu.memory_space<vmem>>, vector<16xi32>,
      %gather3A_484 = tpu.vector_load_idx %arg10[%min3A_474, %and3A_480, %and3A_477] : memref<16x1x64xf32, #tpu.memory_space<vmem>>[vector<16xi32>, vector<16xi32>, vector<16xi32>], vector<16xf32>,
      %swap3A_485 = arith.constant 288 : index
      %swap3A_486 = tpu.vector_load %arg14[%swap3A_485] {strides = array<i32>} : memref<656xf32, #tpu.memory_space<vmem>>, vector<16xf32>,
      tpu.vector_store %arg14[%swap3A_485], %gather3A_484 {strides = array<i32>} : memref<656xf32, #tpu.memory_space<vmem>>, vector<16xf32>,
      %gather3A_487 = tpu.vector_load_idx %arg11[%min3A_474, %and3A_480, %and3A_477] : memref<16x1x64xf32, #tpu.memory_space<vmem>>[vector<16xi32>, vector<16xi32>, vector<16xi32>], vector<16xf32>,
      %swap3A_488 = arith.constant 288 : index
      %swap3A_489 = tpu.vector_load %arg15[%swap3A_488] {strides = array<i32>} : memref<656xf32, #tpu.memory_space<vmem>>, vector<16xf32>,
      tpu.vector_store %arg15[%swap3A_488], %gather3A_487 {strides = array<i32>} : memref<656xf32, #tpu.memory_space<vmem>>, vector<16xf32>,
      %get3A_490 = arith.constant 304 : index
      %get3A_491 = tpu.vector_load %arg12[%get3A_490] {strides = array<i32>} : memref<656xi32, #tpu.memory_space<vmem>>, vector<16xi32>,
      %shift_right_arithmetic3A_492 = arith.constant 6 : i32
      %shift_right_arithmetic3A_493 = vector.broadcast %shift_right_arithmetic3A_492 : i32 to vector<16xi32>
      %shift_right_arithmetic3A_494 = arith.shrsi %get3A_491, %shift_right_arithmetic3A_493 : vector<16xi32>
      %max3A_495 = arith.constant 0 : i32
      %max3A_496 = vector.broadcast %max3A_495 : i32 to vector<16xi32>
      %max3A_497 = arith.maxsi %shift_right_arithmetic3A_494, %max3A_496 : vector<16xi32>
      %min3A_498 = arith.constant 15 : i32
      %min3A_499 = vector.broadcast %min3A_498 : i32 to vector<16xi32>
      %min3A_500 = arith.minsi %max3A_497, %min3A_499 : vector<16xi32>
      %and3A_501 = arith.constant 63 : i32
      %and3A_502 = vector.broadcast %and3A_501 : i32 to vector<16xi32>
      %and3A_503 = arith.andi %get3A_491, %and3A_502 : vector<16xi32>
      %and3A_504 = arith.constant 0 : i32
      %and3A_505 = vector.broadcast %and3A_504 : i32 to vector<16xi32>
      %and3A_506 = arith.andi %get3A_491, %and3A_505 : vector<16xi32>
      %gather3A_507 = tpu.vector_load_idx %arg9[%min3A_500, %and3A_503] : memref<16x64xi32, #tpu.memory_space<vmem>>[vector<16xi32>, vector<16xi32>], vector<16xi32>,
      %swap3A_508 = arith.constant 304 : index
      %swap3A_509 = tpu.vector_load %arg13[%swap3A_508] {strides = array<i32>} : memref<656xi32, #tpu.memory_space<vmem>>, vector<16xi32>,
      tpu.vector_store %arg13[%swap3A_508], %gather3A_507 {strides = array<i32>} : memref<656xi32, #tpu.memory_space<vmem>>, vector<16xi32>,
      %gather3A_510 = tpu.vector_load_idx %arg10[%min3A_500, %and3A_506, %and3A_503] : memref<16x1x64xf32, #tpu.memory_space<vmem>>[vector<16xi32>, vector<16xi32>, vector<16xi32>], vector<16xf32>,
      %swap3A_511 = arith.constant 304 : index
      %swap3A_512 = tpu.vector_load %arg14[%swap3A_511] {strides = array<i32>} : memref<656xf32, #tpu.memory_space<vmem>>, vector<16xf32>,
      tpu.vector_store %arg14[%swap3A_511], %gather3A_510 {strides = array<i32>} : memref<656xf32, #tpu.memory_space<vmem>>, vector<16xf32>,
      %gather3A_513 = tpu.vector_load_idx %arg11[%min3A_500, %and3A_506, %and3A_503] : memref<16x1x64xf32, #tpu.memory_space<vmem>>[vector<16xi32>, vector<16xi32>, vector<16xi32>], vector<16xf32>,
      %swap3A_514 = arith.constant 304 : index
      %swap3A_515 = tpu.vector_load %arg15[%swap3A_514] {strides = array<i32>} : memref<656xf32, #tpu.memory_space<vmem>>, vector<16xf32>,
      tpu.vector_store %arg15[%swap3A_514], %gather3A_513 {strides = array<i32>} : memref<656xf32, #tpu.memory_space<vmem>>, vector<16xf32>,
      %get3A_516 = arith.constant 320 : index
      %get3A_517 = tpu.vector_load %arg12[%get3A_516] {strides = array<i32>} : memref<656xi32, #tpu.memory_space<vmem>>, vector<16xi32>,
      %shift_right_arithmetic3A_518 = arith.constant 6 : i32
      %shift_right_arithmetic3A_519 = vector.broadcast %shift_right_arithmetic3A_518 : i32 to vector<16xi32>
      %shift_right_arithmetic3A_520 = arith.shrsi %get3A_517, %shift_right_arithmetic3A_519 : vector<16xi32>
      %max3A_521 = arith.constant 0 : i32
      %max3A_522 = vector.broadcast %max3A_521 : i32 to vector<16xi32>
      %max3A_523 = arith.maxsi %shift_right_arithmetic3A_520, %max3A_522 : vector<16xi32>
      %min3A_524 = arith.constant 15 : i32
      %min3A_525 = vector.broadcast %min3A_524 : i32 to vector<16xi32>
      %min3A_526 = arith.minsi %max3A_523, %min3A_525 : vector<16xi32>
      %and3A_527 = arith.constant 63 : i32
      %and3A_528 = vector.broadcast %and3A_527 : i32 to vector<16xi32>
      %and3A_529 = arith.andi %get3A_517, %and3A_528 : vector<16xi32>
      %and3A_530 = arith.constant 0 : i32
      %and3A_531 = vector.broadcast %and3A_530 : i32 to vector<16xi32>
      %and3A_532 = arith.andi %get3A_517, %and3A_531 : vector<16xi32>
      %gather3A_533 = tpu.vector_load_idx %arg9[%min3A_526, %and3A_529] : memref<16x64xi32, #tpu.memory_space<vmem>>[vector<16xi32>, vector<16xi32>], vector<16xi32>,
      %swap3A_534 = arith.constant 320 : index
      %swap3A_535 = tpu.vector_load %arg13[%swap3A_534] {strides = array<i32>} : memref<656xi32, #tpu.memory_space<vmem>>, vector<16xi32>,
      tpu.vector_store %arg13[%swap3A_534], %gather3A_533 {strides = array<i32>} : memref<656xi32, #tpu.memory_space<vmem>>, vector<16xi32>,
      %gather3A_536 = tpu.vector_load_idx %arg10[%min3A_526, %and3A_532, %and3A_529] : memref<16x1x64xf32, #tpu.memory_space<vmem>>[vector<16xi32>, vector<16xi32>, vector<16xi32>], vector<16xf32>,
      %swap3A_537 = arith.constant 320 : index
      %swap3A_538 = tpu.vector_load %arg14[%swap3A_537] {strides = array<i32>} : memref<656xf32, #tpu.memory_space<vmem>>, vector<16xf32>,
      tpu.vector_store %arg14[%swap3A_537], %gather3A_536 {strides = array<i32>} : memref<656xf32, #tpu.memory_space<vmem>>, vector<16xf32>,
      %gather3A_539 = tpu.vector_load_idx %arg11[%min3A_526, %and3A_532, %and3A_529] : memref<16x1x64xf32, #tpu.memory_space<vmem>>[vector<16xi32>, vector<16xi32>, vector<16xi32>], vector<16xf32>,
      %swap3A_540 = arith.constant 320 : index
      %swap3A_541 = tpu.vector_load %arg15[%swap3A_540] {strides = array<i32>} : memref<656xf32, #tpu.memory_space<vmem>>, vector<16xf32>,
      tpu.vector_store %arg15[%swap3A_540], %gather3A_539 {strides = array<i32>} : memref<656xf32, #tpu.memory_space<vmem>>, vector<16xf32>,
      %get3A_542 = arith.constant 336 : index
      %get3A_543 = tpu.vector_load %arg12[%get3A_542] {strides = array<i32>} : memref<656xi32, #tpu.memory_space<vmem>>, vector<16xi32>,
      %shift_right_arithmetic3A_544 = arith.constant 6 : i32
      %shift_right_arithmetic3A_545 = vector.broadcast %shift_right_arithmetic3A_544 : i32 to vector<16xi32>
      %shift_right_arithmetic3A_546 = arith.shrsi %get3A_543, %shift_right_arithmetic3A_545 : vector<16xi32>
      %max3A_547 = arith.constant 0 : i32
      %max3A_548 = vector.broadcast %max3A_547 : i32 to vector<16xi32>
      %max3A_549 = arith.maxsi %shift_right_arithmetic3A_546, %max3A_548 : vector<16xi32>
      %min3A_550 = arith.constant 15 : i32
      %min3A_551 = vector.broadcast %min3A_550 : i32 to vector<16xi32>
      %min3A_552 = arith.minsi %max3A_549, %min3A_551 : vector<16xi32>
      %and3A_553 = arith.constant 63 : i32
      %and3A_554 = vector.broadcast %and3A_553 : i32 to vector<16xi32>
      %and3A_555 = arith.andi %get3A_543, %and3A_554 : vector<16xi32>
      %and3A_556 = arith.constant 0 : i32
      %and3A_557 = vector.broadcast %and3A_556 : i32 to vector<16xi32>
      %and3A_558 = arith.andi %get3A_543, %and3A_557 : vector<16xi32>
      %gather3A_559 = tpu.vector_load_idx %arg9[%min3A_552, %and3A_555] : memref<16x64xi32, #tpu.memory_space<vmem>>[vector<16xi32>, vector<16xi32>], vector<16xi32>,
      %swap3A_560 = arith.constant 336 : index
      %swap3A_561 = tpu.vector_load %arg13[%swap3A_560] {strides = array<i32>} : memref<656xi32, #tpu.memory_space<vmem>>, vector<16xi32>,
      tpu.vector_store %arg13[%swap3A_560], %gather3A_559 {strides = array<i32>} : memref<656xi32, #tpu.memory_space<vmem>>, vector<16xi32>,
      %gather3A_562 = tpu.vector_load_idx %arg10[%min3A_552, %and3A_558, %and3A_555] : memref<16x1x64xf32, #tpu.memory_space<vmem>>[vector<16xi32>, vector<16xi32>, vector<16xi32>], vector<16xf32>,
      %swap3A_563 = arith.constant 336 : index
      %swap3A_564 = tpu.vector_load %arg14[%swap3A_563] {strides = array<i32>} : memref<656xf32, #tpu.memory_space<vmem>>, vector<16xf32>,
      tpu.vector_store %arg14[%swap3A_563], %gather3A_562 {strides = array<i32>} : memref<656xf32, #tpu.memory_space<vmem>>, vector<16xf32>,
      %gather3A_565 = tpu.vector_load_idx %arg11[%min3A_552, %and3A_558, %and3A_555] : memref<16x1x64xf32, #tpu.memory_space<vmem>>[vector<16xi32>, vector<16xi32>, vector<16xi32>], vector<16xf32>,
      %swap3A_566 = arith.constant 336 : index
      %swap3A_567 = tpu.vector_load %arg15[%swap3A_566] {strides = array<i32>} : memref<656xf32, #tpu.memory_space<vmem>>, vector<16xf32>,
      tpu.vector_store %arg15[%swap3A_566], %gather3A_565 {strides = array<i32>} : memref<656xf32, #tpu.memory_space<vmem>>, vector<16xf32>,
      %get3A_568 = arith.constant 352 : index
      %get3A_569 = tpu.vector_load %arg12[%get3A_568] {strides = array<i32>} : memref<656xi32, #tpu.memory_space<vmem>>, vector<16xi32>,
      %shift_right_arithmetic3A_570 = arith.constant 6 : i32
      %shift_right_arithmetic3A_571 = vector.broadcast %shift_right_arithmetic3A_570 : i32 to vector<16xi32>
      %shift_right_arithmetic3A_572 = arith.shrsi %get3A_569, %shift_right_arithmetic3A_571 : vector<16xi32>
      %max3A_573 = arith.constant 0 : i32
      %max3A_574 = vector.broadcast %max3A_573 : i32 to vector<16xi32>
      %max3A_575 = arith.maxsi %shift_right_arithmetic3A_572, %max3A_574 : vector<16xi32>
      %min3A_576 = arith.constant 15 : i32
      %min3A_577 = vector.broadcast %min3A_576 : i32 to vector<16xi32>
      %min3A_578 = arith.minsi %max3A_575, %min3A_577 : vector<16xi32>
      %and3A_579 = arith.constant 63 : i32
      %and3A_580 = vector.broadcast %and3A_579 : i32 to vector<16xi32>
      %and3A_581 = arith.andi %get3A_569, %and3A_580 : vector<16xi32>
      %and3A_582 = arith.constant 0 : i32
      %and3A_583 = vector.broadcast %and3A_582 : i32 to vector<16xi32>
      %and3A_584 = arith.andi %get3A_569, %and3A_583 : vector<16xi32>
      %gather3A_585 = tpu.vector_load_idx %arg9[%min3A_578, %and3A_581] : memref<16x64xi32, #tpu.memory_space<vmem>>[vector<16xi32>, vector<16xi32>], vector<16xi32>,
      %swap3A_586 = arith.constant 352 : index
      %swap3A_587 = tpu.vector_load %arg13[%swap3A_586] {strides = array<i32>} : memref<656xi32, #tpu.memory_space<vmem>>, vector<16xi32>,
      tpu.vector_store %arg13[%swap3A_586], %gather3A_585 {strides = array<i32>} : memref<656xi32, #tpu.memory_space<vmem>>, vector<16xi32>,
      %gather3A_588 = tpu.vector_load_idx %arg10[%min3A_578, %and3A_584, %and3A_581] : memref<16x1x64xf32, #tpu.memory_space<vmem>>[vector<16xi32>, vector<16xi32>, vector<16xi32>], vector<16xf32>,
      %swap3A_589 = arith.constant 352 : index
      %swap3A_590 = tpu.vector_load %arg14[%swap3A_589] {strides = array<i32>} : memref<656xf32, #tpu.memory_space<vmem>>, vector<16xf32>,
      tpu.vector_store %arg14[%swap3A_589], %gather3A_588 {strides = array<i32>} : memref<656xf32, #tpu.memory_space<vmem>>, vector<16xf32>,
      %gather3A_591 = tpu.vector_load_idx %arg11[%min3A_578, %and3A_584, %and3A_581] : memref<16x1x64xf32, #tpu.memory_space<vmem>>[vector<16xi32>, vector<16xi32>, vector<16xi32>], vector<16xf32>,
      %swap3A_592 = arith.constant 352 : index
      %swap3A_593 = tpu.vector_load %arg15[%swap3A_592] {strides = array<i32>} : memref<656xf32, #tpu.memory_space<vmem>>, vector<16xf32>,
      tpu.vector_store %arg15[%swap3A_592], %gather3A_591 {strides = array<i32>} : memref<656xf32, #tpu.memory_space<vmem>>, vector<16xf32>,
      %get3A_594 = arith.constant 368 : index
      %get3A_595 = tpu.vector_load %arg12[%get3A_594] {strides = array<i32>} : memref<656xi32, #tpu.memory_space<vmem>>, vector<16xi32>,
      %shift_right_arithmetic3A_596 = arith.constant 6 : i32
      %shift_right_arithmetic3A_597 = vector.broadcast %shift_right_arithmetic3A_596 : i32 to vector<16xi32>
      %shift_right_arithmetic3A_598 = arith.shrsi %get3A_595, %shift_right_arithmetic3A_597 : vector<16xi32>
      %max3A_599 = arith.constant 0 : i32
      %max3A_600 = vector.broadcast %max3A_599 : i32 to vector<16xi32>
      %max3A_601 = arith.maxsi %shift_right_arithmetic3A_598, %max3A_600 : vector<16xi32>
      %min3A_602 = arith.constant 15 : i32
      %min3A_603 = vector.broadcast %min3A_602 : i32 to vector<16xi32>
      %min3A_604 = arith.minsi %max3A_601, %min3A_603 : vector<16xi32>
      %and3A_605 = arith.constant 63 : i32
      %and3A_606 = vector.broadcast %and3A_605 : i32 to vector<16xi32>
      %and3A_607 = arith.andi %get3A_595, %and3A_606 : vector<16xi32>
      %and3A_608 = arith.constant 0 : i32
      %and3A_609 = vector.broadcast %and3A_608 : i32 to vector<16xi32>
      %and3A_610 = arith.andi %get3A_595, %and3A_609 : vector<16xi32>
      %gather3A_611 = tpu.vector_load_idx %arg9[%min3A_604, %and3A_607] : memref<16x64xi32, #tpu.memory_space<vmem>>[vector<16xi32>, vector<16xi32>], vector<16xi32>,
      %swap3A_612 = arith.constant 368 : index
      %swap3A_613 = tpu.vector_load %arg13[%swap3A_612] {strides = array<i32>} : memref<656xi32, #tpu.memory_space<vmem>>, vector<16xi32>,
      tpu.vector_store %arg13[%swap3A_612], %gather3A_611 {strides = array<i32>} : memref<656xi32, #tpu.memory_space<vmem>>, vector<16xi32>,
      %gather3A_614 = tpu.vector_load_idx %arg10[%min3A_604, %and3A_610, %and3A_607] : memref<16x1x64xf32, #tpu.memory_space<vmem>>[vector<16xi32>, vector<16xi32>, vector<16xi32>], vector<16xf32>,
      %swap3A_615 = arith.constant 368 : index
      %swap3A_616 = tpu.vector_load %arg14[%swap3A_615] {strides = array<i32>} : memref<656xf32, #tpu.memory_space<vmem>>, vector<16xf32>,
      tpu.vector_store %arg14[%swap3A_615], %gather3A_614 {strides = array<i32>} : memref<656xf32, #tpu.memory_space<vmem>>, vector<16xf32>,
      %gather3A_617 = tpu.vector_load_idx %arg11[%min3A_604, %and3A_610, %and3A_607] : memref<16x1x64xf32, #tpu.memory_space<vmem>>[vector<16xi32>, vector<16xi32>, vector<16xi32>], vector<16xf32>,
      %swap3A_618 = arith.constant 368 : index
      %swap3A_619 = tpu.vector_load %arg15[%swap3A_618] {strides = array<i32>} : memref<656xf32, #tpu.memory_space<vmem>>, vector<16xf32>,
      tpu.vector_store %arg15[%swap3A_618], %gather3A_617 {strides = array<i32>} : memref<656xf32, #tpu.memory_space<vmem>>, vector<16xf32>,
      %get3A_620 = arith.constant 384 : index
      %get3A_621 = tpu.vector_load %arg12[%get3A_620] {strides = array<i32>} : memref<656xi32, #tpu.memory_space<vmem>>, vector<16xi32>,
      %shift_right_arithmetic3A_622 = arith.constant 6 : i32
      %shift_right_arithmetic3A_623 = vector.broadcast %shift_right_arithmetic3A_622 : i32 to vector<16xi32>
      %shift_right_arithmetic3A_624 = arith.shrsi %get3A_621, %shift_right_arithmetic3A_623 : vector<16xi32>
      %max3A_625 = arith.constant 0 : i32
      %max3A_626 = vector.broadcast %max3A_625 : i32 to vector<16xi32>
      %max3A_627 = arith.maxsi %shift_right_arithmetic3A_624, %max3A_626 : vector<16xi32>
      %min3A_628 = arith.constant 15 : i32
      %min3A_629 = vector.broadcast %min3A_628 : i32 to vector<16xi32>
      %min3A_630 = arith.minsi %max3A_627, %min3A_629 : vector<16xi32>
      %and3A_631 = arith.constant 63 : i32
      %and3A_632 = vector.broadcast %and3A_631 : i32 to vector<16xi32>
      %and3A_633 = arith.andi %get3A_621, %and3A_632 : vector<16xi32>
      %and3A_634 = arith.constant 0 : i32
      %and3A_635 = vector.broadcast %and3A_634 : i32 to vector<16xi32>
      %and3A_636 = arith.andi %get3A_621, %and3A_635 : vector<16xi32>
      %gather3A_637 = tpu.vector_load_idx %arg9[%min3A_630, %and3A_633] : memref<16x64xi32, #tpu.memory_space<vmem>>[vector<16xi32>, vector<16xi32>], vector<16xi32>,
      %swap3A_638 = arith.constant 384 : index
      %swap3A_639 = tpu.vector_load %arg13[%swap3A_638] {strides = array<i32>} : memref<656xi32, #tpu.memory_space<vmem>>, vector<16xi32>,
      tpu.vector_store %arg13[%swap3A_638], %gather3A_637 {strides = array<i32>} : memref<656xi32, #tpu.memory_space<vmem>>, vector<16xi32>,
      %gather3A_640 = tpu.vector_load_idx %arg10[%min3A_630, %and3A_636, %and3A_633] : memref<16x1x64xf32, #tpu.memory_space<vmem>>[vector<16xi32>, vector<16xi32>, vector<16xi32>], vector<16xf32>,
      %swap3A_641 = arith.constant 384 : index
      %swap3A_642 = tpu.vector_load %arg14[%swap3A_641] {strides = array<i32>} : memref<656xf32, #tpu.memory_space<vmem>>, vector<16xf32>,
      tpu.vector_store %arg14[%swap3A_641], %gather3A_640 {strides = array<i32>} : memref<656xf32, #tpu.memory_space<vmem>>, vector<16xf32>,
      %gather3A_643 = tpu.vector_load_idx %arg11[%min3A_630, %and3A_636, %and3A_633] : memref<16x1x64xf32, #tpu.memory_space<vmem>>[vector<16xi32>, vector<16xi32>, vector<16xi32>], vector<16xf32>,
      %swap3A_644 = arith.constant 384 : index
      %swap3A_645 = tpu.vector_load %arg15[%swap3A_644] {strides = array<i32>} : memref<656xf32, #tpu.memory_space<vmem>>, vector<16xf32>,
      tpu.vector_store %arg15[%swap3A_644], %gather3A_643 {strides = array<i32>} : memref<656xf32, #tpu.memory_space<vmem>>, vector<16xf32>,
      %get3A_646 = arith.constant 400 : index
      %get3A_647 = tpu.vector_load %arg12[%get3A_646] {strides = array<i32>} : memref<656xi32, #tpu.memory_space<vmem>>, vector<16xi32>,
      %shift_right_arithmetic3A_648 = arith.constant 6 : i32
      %shift_right_arithmetic3A_649 = vector.broadcast %shift_right_arithmetic3A_648 : i32 to vector<16xi32>
      %shift_right_arithmetic3A_650 = arith.shrsi %get3A_647, %shift_right_arithmetic3A_649 : vector<16xi32>
      %max3A_651 = arith.constant 0 : i32
      %max3A_652 = vector.broadcast %max3A_651 : i32 to vector<16xi32>
      %max3A_653 = arith.maxsi %shift_right_arithmetic3A_650, %max3A_652 : vector<16xi32>
      %min3A_654 = arith.constant 15 : i32
      %min3A_655 = vector.broadcast %min3A_654 : i32 to vector<16xi32>
      %min3A_656 = arith.minsi %max3A_653, %min3A_655 : vector<16xi32>
      %and3A_657 = arith.constant 63 : i32
      %and3A_658 = vector.broadcast %and3A_657 : i32 to vector<16xi32>
      %and3A_659 = arith.andi %get3A_647, %and3A_658 : vector<16xi32>
      %and3A_660 = arith.constant 0 : i32
      %and3A_661 = vector.broadcast %and3A_660 : i32 to vector<16xi32>
      %and3A_662 = arith.andi %get3A_647, %and3A_661 : vector<16xi32>
      %gather3A_663 = tpu.vector_load_idx %arg9[%min3A_656, %and3A_659] : memref<16x64xi32, #tpu.memory_space<vmem>>[vector<16xi32>, vector<16xi32>], vector<16xi32>,
      %swap3A_664 = arith.constant 400 : index
      %swap3A_665 = tpu.vector_load %arg13[%swap3A_664] {strides = array<i32>} : memref<656xi32, #tpu.memory_space<vmem>>, vector<16xi32>,
      tpu.vector_store %arg13[%swap3A_664], %gather3A_663 {strides = array<i32>} : memref<656xi32, #tpu.memory_space<vmem>>, vector<16xi32>,
      %gather3A_666 = tpu.vector_load_idx %arg10[%min3A_656, %and3A_662, %and3A_659] : memref<16x1x64xf32, #tpu.memory_space<vmem>>[vector<16xi32>, vector<16xi32>, vector<16xi32>], vector<16xf32>,
      %swap3A_667 = arith.constant 400 : index
      %swap3A_668 = tpu.vector_load %arg14[%swap3A_667] {strides = array<i32>} : memref<656xf32, #tpu.memory_space<vmem>>, vector<16xf32>,
      tpu.vector_store %arg14[%swap3A_667], %gather3A_666 {strides = array<i32>} : memref<656xf32, #tpu.memory_space<vmem>>, vector<16xf32>,
      %gather3A_669 = tpu.vector_load_idx %arg11[%min3A_656, %and3A_662, %and3A_659] : memref<16x1x64xf32, #tpu.memory_space<vmem>>[vector<16xi32>, vector<16xi32>, vector<16xi32>], vector<16xf32>,
      %swap3A_670 = arith.constant 400 : index
      %swap3A_671 = tpu.vector_load %arg15[%swap3A_670] {strides = array<i32>} : memref<656xf32, #tpu.memory_space<vmem>>, vector<16xf32>,
      tpu.vector_store %arg15[%swap3A_670], %gather3A_669 {strides = array<i32>} : memref<656xf32, #tpu.memory_space<vmem>>, vector<16xf32>,
      %get3A_672 = arith.constant 416 : index
      %get3A_673 = tpu.vector_load %arg12[%get3A_672] {strides = array<i32>} : memref<656xi32, #tpu.memory_space<vmem>>, vector<16xi32>,
      %shift_right_arithmetic3A_674 = arith.constant 6 : i32
      %shift_right_arithmetic3A_675 = vector.broadcast %shift_right_arithmetic3A_674 : i32 to vector<16xi32>
      %shift_right_arithmetic3A_676 = arith.shrsi %get3A_673, %shift_right_arithmetic3A_675 : vector<16xi32>
      %max3A_677 = arith.constant 0 : i32
      %max3A_678 = vector.broadcast %max3A_677 : i32 to vector<16xi32>
      %max3A_679 = arith.maxsi %shift_right_arithmetic3A_676, %max3A_678 : vector<16xi32>
      %min3A_680 = arith.constant 15 : i32
      %min3A_681 = vector.broadcast %min3A_680 : i32 to vector<16xi32>
      %min3A_682 = arith.minsi %max3A_679, %min3A_681 : vector<16xi32>
      %and3A_683 = arith.constant 63 : i32
      %and3A_684 = vector.broadcast %and3A_683 : i32 to vector<16xi32>
      %and3A_685 = arith.andi %get3A_673, %and3A_684 : vector<16xi32>
      %and3A_686 = arith.constant 0 : i32
      %and3A_687 = vector.broadcast %and3A_686 : i32 to vector<16xi32>
      %and3A_688 = arith.andi %get3A_673, %and3A_687 : vector<16xi32>
      %gather3A_689 = tpu.vector_load_idx %arg9[%min3A_682, %and3A_685] : memref<16x64xi32, #tpu.memory_space<vmem>>[vector<16xi32>, vector<16xi32>], vector<16xi32>,
      %swap3A_690 = arith.constant 416 : index
      %swap3A_691 = tpu.vector_load %arg13[%swap3A_690] {strides = array<i32>} : memref<656xi32, #tpu.memory_space<vmem>>, vector<16xi32>,
      tpu.vector_store %arg13[%swap3A_690], %gather3A_689 {strides = array<i32>} : memref<656xi32, #tpu.memory_space<vmem>>, vector<16xi32>,
      %gather3A_692 = tpu.vector_load_idx %arg10[%min3A_682, %and3A_688, %and3A_685] : memref<16x1x64xf32, #tpu.memory_space<vmem>>[vector<16xi32>, vector<16xi32>, vector<16xi32>], vector<16xf32>,
      %swap3A_693 = arith.constant 416 : index
      %swap3A_694 = tpu.vector_load %arg14[%swap3A_693] {strides = array<i32>} : memref<656xf32, #tpu.memory_space<vmem>>, vector<16xf32>,
      tpu.vector_store %arg14[%swap3A_693], %gather3A_692 {strides = array<i32>} : memref<656xf32, #tpu.memory_space<vmem>>, vector<16xf32>,
      %gather3A_695 = tpu.vector_load_idx %arg11[%min3A_682, %and3A_688, %and3A_685] : memref<16x1x64xf32, #tpu.memory_space<vmem>>[vector<16xi32>, vector<16xi32>, vector<16xi32>], vector<16xf32>,
      %swap3A_696 = arith.constant 416 : index
      %swap3A_697 = tpu.vector_load %arg15[%swap3A_696] {strides = array<i32>} : memref<656xf32, #tpu.memory_space<vmem>>, vector<16xf32>,
      tpu.vector_store %arg15[%swap3A_696], %gather3A_695 {strides = array<i32>} : memref<656xf32, #tpu.memory_space<vmem>>, vector<16xf32>,
      %get3A_698 = arith.constant 432 : index
      %get3A_699 = tpu.vector_load %arg12[%get3A_698] {strides = array<i32>} : memref<656xi32, #tpu.memory_space<vmem>>, vector<16xi32>,
      %shift_right_arithmetic3A_700 = arith.constant 6 : i32
      %shift_right_arithmetic3A_701 = vector.broadcast %shift_right_arithmetic3A_700 : i32 to vector<16xi32>
      %shift_right_arithmetic3A_702 = arith.shrsi %get3A_699, %shift_right_arithmetic3A_701 : vector<16xi32>
      %max3A_703 = arith.constant 0 : i32
      %max3A_704 = vector.broadcast %max3A_703 : i32 to vector<16xi32>
      %max3A_705 = arith.maxsi %shift_right_arithmetic3A_702, %max3A_704 : vector<16xi32>
      %min3A_706 = arith.constant 15 : i32
      %min3A_707 = vector.broadcast %min3A_706 : i32 to vector<16xi32>
      %min3A_708 = arith.minsi %max3A_705, %min3A_707 : vector<16xi32>
      %and3A_709 = arith.constant 63 : i32
      %and3A_710 = vector.broadcast %and3A_709 : i32 to vector<16xi32>
      %and3A_711 = arith.andi %get3A_699, %and3A_710 : vector<16xi32>
      %and3A_712 = arith.constant 0 : i32
      %and3A_713 = vector.broadcast %and3A_712 : i32 to vector<16xi32>
      %and3A_714 = arith.andi %get3A_699, %and3A_713 : vector<16xi32>
      %gather3A_715 = tpu.vector_load_idx %arg9[%min3A_708, %and3A_711] : memref<16x64xi32, #tpu.memory_space<vmem>>[vector<16xi32>, vector<16xi32>], vector<16xi32>,
      %swap3A_716 = arith.constant 432 : index
      %swap3A_717 = tpu.vector_load %arg13[%swap3A_716] {strides = array<i32>} : memref<656xi32, #tpu.memory_space<vmem>>, vector<16xi32>,
      tpu.vector_store %arg13[%swap3A_716], %gather3A_715 {strides = array<i32>} : memref<656xi32, #tpu.memory_space<vmem>>, vector<16xi32>,
      %gather3A_718 = tpu.vector_load_idx %arg10[%min3A_708, %and3A_714, %and3A_711] : memref<16x1x64xf32, #tpu.memory_space<vmem>>[vector<16xi32>, vector<16xi32>, vector<16xi32>], vector<16xf32>,
      %swap3A_719 = arith.constant 432 : index
      %swap3A_720 = tpu.vector_load %arg14[%swap3A_719] {strides = array<i32>} : memref<656xf32, #tpu.memory_space<vmem>>, vector<16xf32>,
      tpu.vector_store %arg14[%swap3A_719], %gather3A_718 {strides = array<i32>} : memref<656xf32, #tpu.memory_space<vmem>>, vector<16xf32>,
      %gather3A_721 = tpu.vector_load_idx %arg11[%min3A_708, %and3A_714, %and3A_711] : memref<16x1x64xf32, #tpu.memory_space<vmem>>[vector<16xi32>, vector<16xi32>, vector<16xi32>], vector<16xf32>,
      %swap3A_722 = arith.constant 432 : index
      %swap3A_723 = tpu.vector_load %arg15[%swap3A_722] {strides = array<i32>} : memref<656xf32, #tpu.memory_space<vmem>>, vector<16xf32>,
      tpu.vector_store %arg15[%swap3A_722], %gather3A_721 {strides = array<i32>} : memref<656xf32, #tpu.memory_space<vmem>>, vector<16xf32>,
      %get3A_724 = arith.constant 448 : index
      %get3A_725 = tpu.vector_load %arg12[%get3A_724] {strides = array<i32>} : memref<656xi32, #tpu.memory_space<vmem>>, vector<16xi32>,
      %shift_right_arithmetic3A_726 = arith.constant 6 : i32
      %shift_right_arithmetic3A_727 = vector.broadcast %shift_right_arithmetic3A_726 : i32 to vector<16xi32>
      %shift_right_arithmetic3A_728 = arith.shrsi %get3A_725, %shift_right_arithmetic3A_727 : vector<16xi32>
      %max3A_729 = arith.constant 0 : i32
      %max3A_730 = vector.broadcast %max3A_729 : i32 to vector<16xi32>
      %max3A_731 = arith.maxsi %shift_right_arithmetic3A_728, %max3A_730 : vector<16xi32>
      %min3A_732 = arith.constant 15 : i32
      %min3A_733 = vector.broadcast %min3A_732 : i32 to vector<16xi32>
      %min3A_734 = arith.minsi %max3A_731, %min3A_733 : vector<16xi32>
      %and3A_735 = arith.constant 63 : i32
      %and3A_736 = vector.broadcast %and3A_735 : i32 to vector<16xi32>
      %and3A_737 = arith.andi %get3A_725, %and3A_736 : vector<16xi32>
      %and3A_738 = arith.constant 0 : i32
      %and3A_739 = vector.broadcast %and3A_738 : i32 to vector<16xi32>
      %and3A_740 = arith.andi %get3A_725, %and3A_739 : vector<16xi32>
      %gather3A_741 = tpu.vector_load_idx %arg9[%min3A_734, %and3A_737] : memref<16x64xi32, #tpu.memory_space<vmem>>[vector<16xi32>, vector<16xi32>], vector<16xi32>,
      %swap3A_742 = arith.constant 448 : index
      %swap3A_743 = tpu.vector_load %arg13[%swap3A_742] {strides = array<i32>} : memref<656xi32, #tpu.memory_space<vmem>>, vector<16xi32>,
      tpu.vector_store %arg13[%swap3A_742], %gather3A_741 {strides = array<i32>} : memref<656xi32, #tpu.memory_space<vmem>>, vector<16xi32>,
      %gather3A_744 = tpu.vector_load_idx %arg10[%min3A_734, %and3A_740, %and3A_737] : memref<16x1x64xf32, #tpu.memory_space<vmem>>[vector<16xi32>, vector<16xi32>, vector<16xi32>], vector<16xf32>,
      %swap3A_745 = arith.constant 448 : index
      %swap3A_746 = tpu.vector_load %arg14[%swap3A_745] {strides = array<i32>} : memref<656xf32, #tpu.memory_space<vmem>>, vector<16xf32>,
      tpu.vector_store %arg14[%swap3A_745], %gather3A_744 {strides = array<i32>} : memref<656xf32, #tpu.memory_space<vmem>>, vector<16xf32>,
      %gather3A_747 = tpu.vector_load_idx %arg11[%min3A_734, %and3A_740, %and3A_737] : memref<16x1x64xf32, #tpu.memory_space<vmem>>[vector<16xi32>, vector<16xi32>, vector<16xi32>], vector<16xf32>,
      %swap3A_748 = arith.constant 448 : index
      %swap3A_749 = tpu.vector_load %arg15[%swap3A_748] {strides = array<i32>} : memref<656xf32, #tpu.memory_space<vmem>>, vector<16xf32>,
      tpu.vector_store %arg15[%swap3A_748], %gather3A_747 {strides = array<i32>} : memref<656xf32, #tpu.memory_space<vmem>>, vector<16xf32>,
      %get3A_750 = arith.constant 464 : index
      %get3A_751 = tpu.vector_load %arg12[%get3A_750] {strides = array<i32>} : memref<656xi32, #tpu.memory_space<vmem>>, vector<16xi32>,
      %shift_right_arithmetic3A_752 = arith.constant 6 : i32
      %shift_right_arithmetic3A_753 = vector.broadcast %shift_right_arithmetic3A_752 : i32 to vector<16xi32>
      %shift_right_arithmetic3A_754 = arith.shrsi %get3A_751, %shift_right_arithmetic3A_753 : vector<16xi32>
      %max3A_755 = arith.constant 0 : i32
      %max3A_756 = vector.broadcast %max3A_755 : i32 to vector<16xi32>
      %max3A_757 = arith.maxsi %shift_right_arithmetic3A_754, %max3A_756 : vector<16xi32>
      %min3A_758 = arith.constant 15 : i32
      %min3A_759 = vector.broadcast %min3A_758 : i32 to vector<16xi32>
      %min3A_760 = arith.minsi %max3A_757, %min3A_759 : vector<16xi32>
      %and3A_761 = arith.constant 63 : i32
      %and3A_762 = vector.broadcast %and3A_761 : i32 to vector<16xi32>
      %and3A_763 = arith.andi %get3A_751, %and3A_762 : vector<16xi32>
      %and3A_764 = arith.constant 0 : i32
      %and3A_765 = vector.broadcast %and3A_764 : i32 to vector<16xi32>
      %and3A_766 = arith.andi %get3A_751, %and3A_765 : vector<16xi32>
      %gather3A_767 = tpu.vector_load_idx %arg9[%min3A_760, %and3A_763] : memref<16x64xi32, #tpu.memory_space<vmem>>[vector<16xi32>, vector<16xi32>], vector<16xi32>,
      %swap3A_768 = arith.constant 464 : index
      %swap3A_769 = tpu.vector_load %arg13[%swap3A_768] {strides = array<i32>} : memref<656xi32, #tpu.memory_space<vmem>>, vector<16xi32>,
      tpu.vector_store %arg13[%swap3A_768], %gather3A_767 {strides = array<i32>} : memref<656xi32, #tpu.memory_space<vmem>>, vector<16xi32>,
      %gather3A_770 = tpu.vector_load_idx %arg10[%min3A_760, %and3A_766, %and3A_763] : memref<16x1x64xf32, #tpu.memory_space<vmem>>[vector<16xi32>, vector<16xi32>, vector<16xi32>], vector<16xf32>,
      %swap3A_771 = arith.constant 464 : index
      %swap3A_772 = tpu.vector_load %arg14[%swap3A_771] {strides = array<i32>} : memref<656xf32, #tpu.memory_space<vmem>>, vector<16xf32>,
      tpu.vector_store %arg14[%swap3A_771], %gather3A_770 {strides = array<i32>} : memref<656xf32, #tpu.memory_space<vmem>>, vector<16xf32>,
      %gather3A_773 = tpu.vector_load_idx %arg11[%min3A_760, %and3A_766, %and3A_763] : memref<16x1x64xf32, #tpu.memory_space<vmem>>[vector<16xi32>, vector<16xi32>, vector<16xi32>], vector<16xf32>,
      %swap3A_774 = arith.constant 464 : index
      %swap3A_775 = tpu.vector_load %arg15[%swap3A_774] {strides = array<i32>} : memref<656xf32, #tpu.memory_space<vmem>>, vector<16xf32>,
      tpu.vector_store %arg15[%swap3A_774], %gather3A_773 {strides = array<i32>} : memref<656xf32, #tpu.memory_space<vmem>>, vector<16xf32>,
      %get3A_776 = arith.constant 480 : index
      %get3A_777 = tpu.vector_load %arg12[%get3A_776] {strides = array<i32>} : memref<656xi32, #tpu.memory_space<vmem>>, vector<16xi32>,
      %shift_right_arithmetic3A_778 = arith.constant 6 : i32
      %shift_right_arithmetic3A_779 = vector.broadcast %shift_right_arithmetic3A_778 : i32 to vector<16xi32>
      %shift_right_arithmetic3A_780 = arith.shrsi %get3A_777, %shift_right_arithmetic3A_779 : vector<16xi32>
      %max3A_781 = arith.constant 0 : i32
      %max3A_782 = vector.broadcast %max3A_781 : i32 to vector<16xi32>
      %max3A_783 = arith.maxsi %shift_right_arithmetic3A_780, %max3A_782 : vector<16xi32>
      %min3A_784 = arith.constant 15 : i32
      %min3A_785 = vector.broadcast %min3A_784 : i32 to vector<16xi32>
      %min3A_786 = arith.minsi %max3A_783, %min3A_785 : vector<16xi32>
      %and3A_787 = arith.constant 63 : i32
      %and3A_788 = vector.broadcast %and3A_787 : i32 to vector<16xi32>
      %and3A_789 = arith.andi %get3A_777, %and3A_788 : vector<16xi32>
      %and3A_790 = arith.constant 0 : i32
      %and3A_791 = vector.broadcast %and3A_790 : i32 to vector<16xi32>
      %and3A_792 = arith.andi %get3A_777, %and3A_791 : vector<16xi32>
      %gather3A_793 = tpu.vector_load_idx %arg9[%min3A_786, %and3A_789] : memref<16x64xi32, #tpu.memory_space<vmem>>[vector<16xi32>, vector<16xi32>], vector<16xi32>,
      %swap3A_794 = arith.constant 480 : index
      %swap3A_795 = tpu.vector_load %arg13[%swap3A_794] {strides = array<i32>} : memref<656xi32, #tpu.memory_space<vmem>>, vector<16xi32>,
      tpu.vector_store %arg13[%swap3A_794], %gather3A_793 {strides = array<i32>} : memref<656xi32, #tpu.memory_space<vmem>>, vector<16xi32>,
      %gather3A_796 = tpu.vector_load_idx %arg10[%min3A_786, %and3A_792, %and3A_789] : memref<16x1x64xf32, #tpu.memory_space<vmem>>[vector<16xi32>, vector<16xi32>, vector<16xi32>], vector<16xf32>,
      %swap3A_797 = arith.constant 480 : index
      %swap3A_798 = tpu.vector_load %arg14[%swap3A_797] {strides = array<i32>} : memref<656xf32, #tpu.memory_space<vmem>>, vector<16xf32>,
      tpu.vector_store %arg14[%swap3A_797], %gather3A_796 {strides = array<i32>} : memref<656xf32, #tpu.memory_space<vmem>>, vector<16xf32>,
      %gather3A_799 = tpu.vector_load_idx %arg11[%min3A_786, %and3A_792, %and3A_789] : memref<16x1x64xf32, #tpu.memory_space<vmem>>[vector<16xi32>, vector<16xi32>, vector<16xi32>], vector<16xf32>,
      %swap3A_800 = arith.constant 480 : index
      %swap3A_801 = tpu.vector_load %arg15[%swap3A_800] {strides = array<i32>} : memref<656xf32, #tpu.memory_space<vmem>>, vector<16xf32>,
      tpu.vector_store %arg15[%swap3A_800], %gather3A_799 {strides = array<i32>} : memref<656xf32, #tpu.memory_space<vmem>>, vector<16xf32>,
      %get3A_802 = arith.constant 496 : index
      %get3A_803 = tpu.vector_load %arg12[%get3A_802] {strides = array<i32>} : memref<656xi32, #tpu.memory_space<vmem>>, vector<16xi32>,
      %shift_right_arithmetic3A_804 = arith.constant 6 : i32
      %shift_right_arithmetic3A_805 = vector.broadcast %shift_right_arithmetic3A_804 : i32 to vector<16xi32>
      %shift_right_arithmetic3A_806 = arith.shrsi %get3A_803, %shift_right_arithmetic3A_805 : vector<16xi32>
      %max3A_807 = arith.constant 0 : i32
      %max3A_808 = vector.broadcast %max3A_807 : i32 to vector<16xi32>
      %max3A_809 = arith.maxsi %shift_right_arithmetic3A_806, %max3A_808 : vector<16xi32>
      %min3A_810 = arith.constant 15 : i32
      %min3A_811 = vector.broadcast %min3A_810 : i32 to vector<16xi32>
      %min3A_812 = arith.minsi %max3A_809, %min3A_811 : vector<16xi32>
      %and3A_813 = arith.constant 63 : i32
      %and3A_814 = vector.broadcast %and3A_813 : i32 to vector<16xi32>
      %and3A_815 = arith.andi %get3A_803, %and3A_814 : vector<16xi32>
      %and3A_816 = arith.constant 0 : i32
      %and3A_817 = vector.broadcast %and3A_816 : i32 to vector<16xi32>
      %and3A_818 = arith.andi %get3A_803, %and3A_817 : vector<16xi32>
      %gather3A_819 = tpu.vector_load_idx %arg9[%min3A_812, %and3A_815] : memref<16x64xi32, #tpu.memory_space<vmem>>[vector<16xi32>, vector<16xi32>], vector<16xi32>,
      %swap3A_820 = arith.constant 496 : index
      %swap3A_821 = tpu.vector_load %arg13[%swap3A_820] {strides = array<i32>} : memref<656xi32, #tpu.memory_space<vmem>>, vector<16xi32>,
      tpu.vector_store %arg13[%swap3A_820], %gather3A_819 {strides = array<i32>} : memref<656xi32, #tpu.memory_space<vmem>>, vector<16xi32>,
      %gather3A_822 = tpu.vector_load_idx %arg10[%min3A_812, %and3A_818, %and3A_815] : memref<16x1x64xf32, #tpu.memory_space<vmem>>[vector<16xi32>, vector<16xi32>, vector<16xi32>], vector<16xf32>,
      %swap3A_823 = arith.constant 496 : index
      %swap3A_824 = tpu.vector_load %arg14[%swap3A_823] {strides = array<i32>} : memref<656xf32, #tpu.memory_space<vmem>>, vector<16xf32>,
      tpu.vector_store %arg14[%swap3A_823], %gather3A_822 {strides = array<i32>} : memref<656xf32, #tpu.memory_space<vmem>>, vector<16xf32>,
      %gather3A_825 = tpu.vector_load_idx %arg11[%min3A_812, %and3A_818, %and3A_815] : memref<16x1x64xf32, #tpu.memory_space<vmem>>[vector<16xi32>, vector<16xi32>, vector<16xi32>], vector<16xf32>,
      %swap3A_826 = arith.constant 496 : index
      %swap3A_827 = tpu.vector_load %arg15[%swap3A_826] {strides = array<i32>} : memref<656xf32, #tpu.memory_space<vmem>>, vector<16xf32>,
      tpu.vector_store %arg15[%swap3A_826], %gather3A_825 {strides = array<i32>} : memref<656xf32, #tpu.memory_space<vmem>>, vector<16xf32>,
      %get3A_828 = arith.constant 512 : index
      %get3A_829 = tpu.vector_load %arg12[%get3A_828] {strides = array<i32>} : memref<656xi32, #tpu.memory_space<vmem>>, vector<16xi32>,
      %shift_right_arithmetic3A_830 = arith.constant 6 : i32
      %shift_right_arithmetic3A_831 = vector.broadcast %shift_right_arithmetic3A_830 : i32 to vector<16xi32>
      %shift_right_arithmetic3A_832 = arith.shrsi %get3A_829, %shift_right_arithmetic3A_831 : vector<16xi32>
      %max3A_833 = arith.constant 0 : i32
      %max3A_834 = vector.broadcast %max3A_833 : i32 to vector<16xi32>
      %max3A_835 = arith.maxsi %shift_right_arithmetic3A_832, %max3A_834 : vector<16xi32>
      %min3A_836 = arith.constant 15 : i32
      %min3A_837 = vector.broadcast %min3A_836 : i32 to vector<16xi32>
      %min3A_838 = arith.minsi %max3A_835, %min3A_837 : vector<16xi32>
      %and3A_839 = arith.constant 63 : i32
      %and3A_840 = vector.broadcast %and3A_839 : i32 to vector<16xi32>
      %and3A_841 = arith.andi %get3A_829, %and3A_840 : vector<16xi32>
      %and3A_842 = arith.constant 0 : i32
      %and3A_843 = vector.broadcast %and3A_842 : i32 to vector<16xi32>
      %and3A_844 = arith.andi %get3A_829, %and3A_843 : vector<16xi32>
      %gather3A_845 = tpu.vector_load_idx %arg9[%min3A_838, %and3A_841] : memref<16x64xi32, #tpu.memory_space<vmem>>[vector<16xi32>, vector<16xi32>], vector<16xi32>,
      %swap3A_846 = arith.constant 512 : index
      %swap3A_847 = tpu.vector_load %arg13[%swap3A_846] {strides = array<i32>} : memref<656xi32, #tpu.memory_space<vmem>>, vector<16xi32>,
      tpu.vector_store %arg13[%swap3A_846], %gather3A_845 {strides = array<i32>} : memref<656xi32, #tpu.memory_space<vmem>>, vector<16xi32>,
      %gather3A_848 = tpu.vector_load_idx %arg10[%min3A_838, %and3A_844, %and3A_841] : memref<16x1x64xf32, #tpu.memory_space<vmem>>[vector<16xi32>, vector<16xi32>, vector<16xi32>], vector<16xf32>,
      %swap3A_849 = arith.constant 512 : index
      %swap3A_850 = tpu.vector_load %arg14[%swap3A_849] {strides = array<i32>} : memref<656xf32, #tpu.memory_space<vmem>>, vector<16xf32>,
      tpu.vector_store %arg14[%swap3A_849], %gather3A_848 {strides = array<i32>} : memref<656xf32, #tpu.memory_space<vmem>>, vector<16xf32>,
      %gather3A_851 = tpu.vector_load_idx %arg11[%min3A_838, %and3A_844, %and3A_841] : memref<16x1x64xf32, #tpu.memory_space<vmem>>[vector<16xi32>, vector<16xi32>, vector<16xi32>], vector<16xf32>,
      %swap3A_852 = arith.constant 512 : index
      %swap3A_853 = tpu.vector_load %arg15[%swap3A_852] {strides = array<i32>} : memref<656xf32, #tpu.memory_space<vmem>>, vector<16xf32>,
      tpu.vector_store %arg15[%swap3A_852], %gather3A_851 {strides = array<i32>} : memref<656xf32, #tpu.memory_space<vmem>>, vector<16xf32>,
      %get3A_854 = arith.constant 528 : index
      %get3A_855 = tpu.vector_load %arg12[%get3A_854] {strides = array<i32>} : memref<656xi32, #tpu.memory_space<vmem>>, vector<16xi32>,
      %shift_right_arithmetic3A_856 = arith.constant 6 : i32
      %shift_right_arithmetic3A_857 = vector.broadcast %shift_right_arithmetic3A_856 : i32 to vector<16xi32>
      %shift_right_arithmetic3A_858 = arith.shrsi %get3A_855, %shift_right_arithmetic3A_857 : vector<16xi32>
      %max3A_859 = arith.constant 0 : i32
      %max3A_860 = vector.broadcast %max3A_859 : i32 to vector<16xi32>
      %max3A_861 = arith.maxsi %shift_right_arithmetic3A_858, %max3A_860 : vector<16xi32>
      %min3A_862 = arith.constant 15 : i32
      %min3A_863 = vector.broadcast %min3A_862 : i32 to vector<16xi32>
      %min3A_864 = arith.minsi %max3A_861, %min3A_863 : vector<16xi32>
      %and3A_865 = arith.constant 63 : i32
      %and3A_866 = vector.broadcast %and3A_865 : i32 to vector<16xi32>
      %and3A_867 = arith.andi %get3A_855, %and3A_866 : vector<16xi32>
      %and3A_868 = arith.constant 0 : i32
      %and3A_869 = vector.broadcast %and3A_868 : i32 to vector<16xi32>
      %and3A_870 = arith.andi %get3A_855, %and3A_869 : vector<16xi32>
      %gather3A_871 = tpu.vector_load_idx %arg9[%min3A_864, %and3A_867] : memref<16x64xi32, #tpu.memory_space<vmem>>[vector<16xi32>, vector<16xi32>], vector<16xi32>,
      %swap3A_872 = arith.constant 528 : index
      %swap3A_873 = tpu.vector_load %arg13[%swap3A_872] {strides = array<i32>} : memref<656xi32, #tpu.memory_space<vmem>>, vector<16xi32>,
      tpu.vector_store %arg13[%swap3A_872], %gather3A_871 {strides = array<i32>} : memref<656xi32, #tpu.memory_space<vmem>>, vector<16xi32>,
      %gather3A_874 = tpu.vector_load_idx %arg10[%min3A_864, %and3A_870, %and3A_867] : memref<16x1x64xf32, #tpu.memory_space<vmem>>[vector<16xi32>, vector<16xi32>, vector<16xi32>], vector<16xf32>,
      %swap3A_875 = arith.constant 528 : index
      %swap3A_876 = tpu.vector_load %arg14[%swap3A_875] {strides = array<i32>} : memref<656xf32, #tpu.memory_space<vmem>>, vector<16xf32>,
      tpu.vector_store %arg14[%swap3A_875], %gather3A_874 {strides = array<i32>} : memref<656xf32, #tpu.memory_space<vmem>>, vector<16xf32>,
      %gather3A_877 = tpu.vector_load_idx %arg11[%min3A_864, %and3A_870, %and3A_867] : memref<16x1x64xf32, #tpu.memory_space<vmem>>[vector<16xi32>, vector<16xi32>, vector<16xi32>], vector<16xf32>,
      %swap3A_878 = arith.constant 528 : index
      %swap3A_879 = tpu.vector_load %arg15[%swap3A_878] {strides = array<i32>} : memref<656xf32, #tpu.memory_space<vmem>>, vector<16xf32>,
      tpu.vector_store %arg15[%swap3A_878], %gather3A_877 {strides = array<i32>} : memref<656xf32, #tpu.memory_space<vmem>>, vector<16xf32>,
      %get3A_880 = arith.constant 544 : index
      %get3A_881 = tpu.vector_load %arg12[%get3A_880] {strides = array<i32>} : memref<656xi32, #tpu.memory_space<vmem>>, vector<16xi32>,
      %shift_right_arithmetic3A_882 = arith.constant 6 : i32
      %shift_right_arithmetic3A_883 = vector.broadcast %shift_right_arithmetic3A_882 : i32 to vector<16xi32>
      %shift_right_arithmetic3A_884 = arith.shrsi %get3A_881, %shift_right_arithmetic3A_883 : vector<16xi32>
      %max3A_885 = arith.constant 0 : i32
      %max3A_886 = vector.broadcast %max3A_885 : i32 to vector<16xi32>
      %max3A_887 = arith.maxsi %shift_right_arithmetic3A_884, %max3A_886 : vector<16xi32>
      %min3A_888 = arith.constant 15 : i32
      %min3A_889 = vector.broadcast %min3A_888 : i32 to vector<16xi32>
      %min3A_890 = arith.minsi %max3A_887, %min3A_889 : vector<16xi32>
      %and3A_891 = arith.constant 63 : i32
      %and3A_892 = vector.broadcast %and3A_891 : i32 to vector<16xi32>
      %and3A_893 = arith.andi %get3A_881, %and3A_892 : vector<16xi32>
      %and3A_894 = arith.constant 0 : i32
      %and3A_895 = vector.broadcast %and3A_894 : i32 to vector<16xi32>
      %and3A_896 = arith.andi %get3A_881, %and3A_895 : vector<16xi32>
      %gather3A_897 = tpu.vector_load_idx %arg9[%min3A_890, %and3A_893] : memref<16x64xi32, #tpu.memory_space<vmem>>[vector<16xi32>, vector<16xi32>], vector<16xi32>,
      %swap3A_898 = arith.constant 544 : index
      %swap3A_899 = tpu.vector_load %arg13[%swap3A_898] {strides = array<i32>} : memref<656xi32, #tpu.memory_space<vmem>>, vector<16xi32>,
      tpu.vector_store %arg13[%swap3A_898], %gather3A_897 {strides = array<i32>} : memref<656xi32, #tpu.memory_space<vmem>>, vector<16xi32>,
      %gather3A_900 = tpu.vector_load_idx %arg10[%min3A_890, %and3A_896, %and3A_893] : memref<16x1x64xf32, #tpu.memory_space<vmem>>[vector<16xi32>, vector<16xi32>, vector<16xi32>], vector<16xf32>,
      %swap3A_901 = arith.constant 544 : index
      %swap3A_902 = tpu.vector_load %arg14[%swap3A_901] {strides = array<i32>} : memref<656xf32, #tpu.memory_space<vmem>>, vector<16xf32>,
      tpu.vector_store %arg14[%swap3A_901], %gather3A_900 {strides = array<i32>} : memref<656xf32, #tpu.memory_space<vmem>>, vector<16xf32>,
      %gather3A_903 = tpu.vector_load_idx %arg11[%min3A_890, %and3A_896, %and3A_893] : memref<16x1x64xf32, #tpu.memory_space<vmem>>[vector<16xi32>, vector<16xi32>, vector<16xi32>], vector<16xf32>,
      %swap3A_904 = arith.constant 544 : index
      %swap3A_905 = tpu.vector_load %arg15[%swap3A_904] {strides = array<i32>} : memref<656xf32, #tpu.memory_space<vmem>>, vector<16xf32>,
      tpu.vector_store %arg15[%swap3A_904], %gather3A_903 {strides = array<i32>} : memref<656xf32, #tpu.memory_space<vmem>>, vector<16xf32>,
      %get3A_906 = arith.constant 560 : index
      %get3A_907 = tpu.vector_load %arg12[%get3A_906] {strides = array<i32>} : memref<656xi32, #tpu.memory_space<vmem>>, vector<16xi32>,
      %shift_right_arithmetic3A_908 = arith.constant 6 : i32
      %shift_right_arithmetic3A_909 = vector.broadcast %shift_right_arithmetic3A_908 : i32 to vector<16xi32>
      %shift_right_arithmetic3A_910 = arith.shrsi %get3A_907, %shift_right_arithmetic3A_909 : vector<16xi32>
      %max3A_911 = arith.constant 0 : i32
      %max3A_912 = vector.broadcast %max3A_911 : i32 to vector<16xi32>
      %max3A_913 = arith.maxsi %shift_right_arithmetic3A_910, %max3A_912 : vector<16xi32>
      %min3A_914 = arith.constant 15 : i32
      %min3A_915 = vector.broadcast %min3A_914 : i32 to vector<16xi32>
      %min3A_916 = arith.minsi %max3A_913, %min3A_915 : vector<16xi32>
      %and3A_917 = arith.constant 63 : i32
      %and3A_918 = vector.broadcast %and3A_917 : i32 to vector<16xi32>
      %and3A_919 = arith.andi %get3A_907, %and3A_918 : vector<16xi32>
      %and3A_920 = arith.constant 0 : i32
      %and3A_921 = vector.broadcast %and3A_920 : i32 to vector<16xi32>
      %and3A_922 = arith.andi %get3A_907, %and3A_921 : vector<16xi32>
      %gather3A_923 = tpu.vector_load_idx %arg9[%min3A_916, %and3A_919] : memref<16x64xi32, #tpu.memory_space<vmem>>[vector<16xi32>, vector<16xi32>], vector<16xi32>,
      %swap3A_924 = arith.constant 560 : index
      %swap3A_925 = tpu.vector_load %arg13[%swap3A_924] {strides = array<i32>} : memref<656xi32, #tpu.memory_space<vmem>>, vector<16xi32>,
      tpu.vector_store %arg13[%swap3A_924], %gather3A_923 {strides = array<i32>} : memref<656xi32, #tpu.memory_space<vmem>>, vector<16xi32>,
      %gather3A_926 = tpu.vector_load_idx %arg10[%min3A_916, %and3A_922, %and3A_919] : memref<16x1x64xf32, #tpu.memory_space<vmem>>[vector<16xi32>, vector<16xi32>, vector<16xi32>], vector<16xf32>,
      %swap3A_927 = arith.constant 560 : index
      %swap3A_928 = tpu.vector_load %arg14[%swap3A_927] {strides = array<i32>} : memref<656xf32, #tpu.memory_space<vmem>>, vector<16xf32>,
      tpu.vector_store %arg14[%swap3A_927], %gather3A_926 {strides = array<i32>} : memref<656xf32, #tpu.memory_space<vmem>>, vector<16xf32>,
      %gather3A_929 = tpu.vector_load_idx %arg11[%min3A_916, %and3A_922, %and3A_919] : memref<16x1x64xf32, #tpu.memory_space<vmem>>[vector<16xi32>, vector<16xi32>, vector<16xi32>], vector<16xf32>,
      %swap3A_930 = arith.constant 560 : index
      %swap3A_931 = tpu.vector_load %arg15[%swap3A_930] {strides = array<i32>} : memref<656xf32, #tpu.memory_space<vmem>>, vector<16xf32>,
      tpu.vector_store %arg15[%swap3A_930], %gather3A_929 {strides = array<i32>} : memref<656xf32, #tpu.memory_space<vmem>>, vector<16xf32>,
      %get3A_932 = arith.constant 576 : index
      %get3A_933 = tpu.vector_load %arg12[%get3A_932] {strides = array<i32>} : memref<656xi32, #tpu.memory_space<vmem>>, vector<16xi32>,
      %shift_right_arithmetic3A_934 = arith.constant 6 : i32
      %shift_right_arithmetic3A_935 = vector.broadcast %shift_right_arithmetic3A_934 : i32 to vector<16xi32>
      %shift_right_arithmetic3A_936 = arith.shrsi %get3A_933, %shift_right_arithmetic3A_935 : vector<16xi32>
      %max3A_937 = arith.constant 0 : i32
      %max3A_938 = vector.broadcast %max3A_937 : i32 to vector<16xi32>
      %max3A_939 = arith.maxsi %shift_right_arithmetic3A_936, %max3A_938 : vector<16xi32>
      %min3A_940 = arith.constant 15 : i32
      %min3A_941 = vector.broadcast %min3A_940 : i32 to vector<16xi32>
      %min3A_942 = arith.minsi %max3A_939, %min3A_941 : vector<16xi32>
      %and3A_943 = arith.constant 63 : i32
      %and3A_944 = vector.broadcast %and3A_943 : i32 to vector<16xi32>
      %and3A_945 = arith.andi %get3A_933, %and3A_944 : vector<16xi32>
      %and3A_946 = arith.constant 0 : i32
      %and3A_947 = vector.broadcast %and3A_946 : i32 to vector<16xi32>
      %and3A_948 = arith.andi %get3A_933, %and3A_947 : vector<16xi32>
      %gather3A_949 = tpu.vector_load_idx %arg9[%min3A_942, %and3A_945] : memref<16x64xi32, #tpu.memory_space<vmem>>[vector<16xi32>, vector<16xi32>], vector<16xi32>,
      %swap3A_950 = arith.constant 576 : index
      %swap3A_951 = tpu.vector_load %arg13[%swap3A_950] {strides = array<i32>} : memref<656xi32, #tpu.memory_space<vmem>>, vector<16xi32>,
      tpu.vector_store %arg13[%swap3A_950], %gather3A_949 {strides = array<i32>} : memref<656xi32, #tpu.memory_space<vmem>>, vector<16xi32>,
      %gather3A_952 = tpu.vector_load_idx %arg10[%min3A_942, %and3A_948, %and3A_945] : memref<16x1x64xf32, #tpu.memory_space<vmem>>[vector<16xi32>, vector<16xi32>, vector<16xi32>], vector<16xf32>,
      %swap3A_953 = arith.constant 576 : index
      %swap3A_954 = tpu.vector_load %arg14[%swap3A_953] {strides = array<i32>} : memref<656xf32, #tpu.memory_space<vmem>>, vector<16xf32>,
      tpu.vector_store %arg14[%swap3A_953], %gather3A_952 {strides = array<i32>} : memref<656xf32, #tpu.memory_space<vmem>>, vector<16xf32>,
      %gather3A_955 = tpu.vector_load_idx %arg11[%min3A_942, %and3A_948, %and3A_945] : memref<16x1x64xf32, #tpu.memory_space<vmem>>[vector<16xi32>, vector<16xi32>, vector<16xi32>], vector<16xf32>,
      %swap3A_956 = arith.constant 576 : index
      %swap3A_957 = tpu.vector_load %arg15[%swap3A_956] {strides = array<i32>} : memref<656xf32, #tpu.memory_space<vmem>>, vector<16xf32>,
      tpu.vector_store %arg15[%swap3A_956], %gather3A_955 {strides = array<i32>} : memref<656xf32, #tpu.memory_space<vmem>>, vector<16xf32>,
      %get3A_958 = arith.constant 592 : index
      %get3A_959 = tpu.vector_load %arg12[%get3A_958] {strides = array<i32>} : memref<656xi32, #tpu.memory_space<vmem>>, vector<16xi32>,
      %shift_right_arithmetic3A_960 = arith.constant 6 : i32
      %shift_right_arithmetic3A_961 = vector.broadcast %shift_right_arithmetic3A_960 : i32 to vector<16xi32>
      %shift_right_arithmetic3A_962 = arith.shrsi %get3A_959, %shift_right_arithmetic3A_961 : vector<16xi32>
      %max3A_963 = arith.constant 0 : i32
      %max3A_964 = vector.broadcast %max3A_963 : i32 to vector<16xi32>
      %max3A_965 = arith.maxsi %shift_right_arithmetic3A_962, %max3A_964 : vector<16xi32>
      %min3A_966 = arith.constant 15 : i32
      %min3A_967 = vector.broadcast %min3A_966 : i32 to vector<16xi32>
      %min3A_968 = arith.minsi %max3A_965, %min3A_967 : vector<16xi32>
      %and3A_969 = arith.constant 63 : i32
      %and3A_970 = vector.broadcast %and3A_969 : i32 to vector<16xi32>
      %and3A_971 = arith.andi %get3A_959, %and3A_970 : vector<16xi32>
      %and3A_972 = arith.constant 0 : i32
      %and3A_973 = vector.broadcast %and3A_972 : i32 to vector<16xi32>
      %and3A_974 = arith.andi %get3A_959, %and3A_973 : vector<16xi32>
      %gather3A_975 = tpu.vector_load_idx %arg9[%min3A_968, %and3A_971] : memref<16x64xi32, #tpu.memory_space<vmem>>[vector<16xi32>, vector<16xi32>], vector<16xi32>,
      %swap3A_976 = arith.constant 592 : index
      %swap3A_977 = tpu.vector_load %arg13[%swap3A_976] {strides = array<i32>} : memref<656xi32, #tpu.memory_space<vmem>>, vector<16xi32>,
      tpu.vector_store %arg13[%swap3A_976], %gather3A_975 {strides = array<i32>} : memref<656xi32, #tpu.memory_space<vmem>>, vector<16xi32>,
      %gather3A_978 = tpu.vector_load_idx %arg10[%min3A_968, %and3A_974, %and3A_971] : memref<16x1x64xf32, #tpu.memory_space<vmem>>[vector<16xi32>, vector<16xi32>, vector<16xi32>], vector<16xf32>,
      %swap3A_979 = arith.constant 592 : index
      %swap3A_980 = tpu.vector_load %arg14[%swap3A_979] {strides = array<i32>} : memref<656xf32, #tpu.memory_space<vmem>>, vector<16xf32>,
      tpu.vector_store %arg14[%swap3A_979], %gather3A_978 {strides = array<i32>} : memref<656xf32, #tpu.memory_space<vmem>>, vector<16xf32>,
      %gather3A_981 = tpu.vector_load_idx %arg11[%min3A_968, %and3A_974, %and3A_971] : memref<16x1x64xf32, #tpu.memory_space<vmem>>[vector<16xi32>, vector<16xi32>, vector<16xi32>], vector<16xf32>,
      %swap3A_982 = arith.constant 592 : index
      %swap3A_983 = tpu.vector_load %arg15[%swap3A_982] {strides = array<i32>} : memref<656xf32, #tpu.memory_space<vmem>>, vector<16xf32>,
      tpu.vector_store %arg15[%swap3A_982], %gather3A_981 {strides = array<i32>} : memref<656xf32, #tpu.memory_space<vmem>>, vector<16xf32>,
      %get3A_984 = arith.constant 608 : index
      %get3A_985 = tpu.vector_load %arg12[%get3A_984] {strides = array<i32>} : memref<656xi32, #tpu.memory_space<vmem>>, vector<16xi32>,
      %shift_right_arithmetic3A_986 = arith.constant 6 : i32
      %shift_right_arithmetic3A_987 = vector.broadcast %shift_right_arithmetic3A_986 : i32 to vector<16xi32>
      %shift_right_arithmetic3A_988 = arith.shrsi %get3A_985, %shift_right_arithmetic3A_987 : vector<16xi32>
      %max3A_989 = arith.constant 0 : i32
      %max3A_990 = vector.broadcast %max3A_989 : i32 to vector<16xi32>
      %max3A_991 = arith.maxsi %shift_right_arithmetic3A_988, %max3A_990 : vector<16xi32>
      %min3A_992 = arith.constant 15 : i32
      %min3A_993 = vector.broadcast %min3A_992 : i32 to vector<16xi32>
      %min3A_994 = arith.minsi %max3A_991, %min3A_993 : vector<16xi32>
      %and3A_995 = arith.constant 63 : i32
      %and3A_996 = vector.broadcast %and3A_995 : i32 to vector<16xi32>
      %and3A_997 = arith.andi %get3A_985, %and3A_996 : vector<16xi32>
      %and3A_998 = arith.constant 0 : i32
      %and3A_999 = vector.broadcast %and3A_998 : i32 to vector<16xi32>
      %and3A_1000 = arith.andi %get3A_985, %and3A_999 : vector<16xi32>
      %gather3A_1001 = tpu.vector_load_idx %arg9[%min3A_994, %and3A_997] : memref<16x64xi32, #tpu.memory_space<vmem>>[vector<16xi32>, vector<16xi32>], vector<16xi32>,
      %swap3A_1002 = arith.constant 608 : index
      %swap3A_1003 = tpu.vector_load %arg13[%swap3A_1002] {strides = array<i32>} : memref<656xi32, #tpu.memory_space<vmem>>, vector<16xi32>,
      tpu.vector_store %arg13[%swap3A_1002], %gather3A_1001 {strides = array<i32>} : memref<656xi32, #tpu.memory_space<vmem>>, vector<16xi32>,
      %gather3A_1004 = tpu.vector_load_idx %arg10[%min3A_994, %and3A_1000, %and3A_997] : memref<16x1x64xf32, #tpu.memory_space<vmem>>[vector<16xi32>, vector<16xi32>, vector<16xi32>], vector<16xf32>,
      %swap3A_1005 = arith.constant 608 : index
      %swap3A_1006 = tpu.vector_load %arg14[%swap3A_1005] {strides = array<i32>} : memref<656xf32, #tpu.memory_space<vmem>>, vector<16xf32>,
      tpu.vector_store %arg14[%swap3A_1005], %gather3A_1004 {strides = array<i32>} : memref<656xf32, #tpu.memory_space<vmem>>, vector<16xf32>,
      %gather3A_1007 = tpu.vector_load_idx %arg11[%min3A_994, %and3A_1000, %and3A_997] : memref<16x1x64xf32, #tpu.memory_space<vmem>>[vector<16xi32>, vector<16xi32>, vector<16xi32>], vector<16xf32>,
      %swap3A_1008 = arith.constant 608 : index
      %swap3A_1009 = tpu.vector_load %arg15[%swap3A_1008] {strides = array<i32>} : memref<656xf32, #tpu.memory_space<vmem>>, vector<16xf32>,
      tpu.vector_store %arg15[%swap3A_1008], %gather3A_1007 {strides = array<i32>} : memref<656xf32, #tpu.memory_space<vmem>>, vector<16xf32>,
      %get3A_1010 = arith.constant 624 : index
      %get3A_1011 = tpu.vector_load %arg12[%get3A_1010] {strides = array<i32>} : memref<656xi32, #tpu.memory_space<vmem>>, vector<16xi32>,
      %shift_right_arithmetic3A_1012 = arith.constant 6 : i32
      %shift_right_arithmetic3A_1013 = vector.broadcast %shift_right_arithmetic3A_1012 : i32 to vector<16xi32>
      %shift_right_arithmetic3A_1014 = arith.shrsi %get3A_1011, %shift_right_arithmetic3A_1013 : vector<16xi32>
      %max3A_1015 = arith.constant 0 : i32
      %max3A_1016 = vector.broadcast %max3A_1015 : i32 to vector<16xi32>
      %max3A_1017 = arith.maxsi %shift_right_arithmetic3A_1014, %max3A_1016 : vector<16xi32>
      %min3A_1018 = arith.constant 15 : i32
      %min3A_1019 = vector.broadcast %min3A_1018 : i32 to vector<16xi32>
      %min3A_1020 = arith.minsi %max3A_1017, %min3A_1019 : vector<16xi32>
      %and3A_1021 = arith.constant 63 : i32
      %and3A_1022 = vector.broadcast %and3A_1021 : i32 to vector<16xi32>
      %and3A_1023 = arith.andi %get3A_1011, %and3A_1022 : vector<16xi32>
      %and3A_1024 = arith.constant 0 : i32
      %and3A_1025 = vector.broadcast %and3A_1024 : i32 to vector<16xi32>
      %and3A_1026 = arith.andi %get3A_1011, %and3A_1025 : vector<16xi32>
      %gather3A_1027 = tpu.vector_load_idx %arg9[%min3A_1020, %and3A_1023] : memref<16x64xi32, #tpu.memory_space<vmem>>[vector<16xi32>, vector<16xi32>], vector<16xi32>,
      %swap3A_1028 = arith.constant 624 : index
      %swap3A_1029 = tpu.vector_load %arg13[%swap3A_1028] {strides = array<i32>} : memref<656xi32, #tpu.memory_space<vmem>>, vector<16xi32>,
      tpu.vector_store %arg13[%swap3A_1028], %gather3A_1027 {strides = array<i32>} : memref<656xi32, #tpu.memory_space<vmem>>, vector<16xi32>,
      %gather3A_1030 = tpu.vector_load_idx %arg10[%min3A_1020, %and3A_1026, %and3A_1023] : memref<16x1x64xf32, #tpu.memory_space<vmem>>[vector<16xi32>, vector<16xi32>, vector<16xi32>], vector<16xf32>,
      %swap3A_1031 = arith.constant 624 : index
      %swap3A_1032 = tpu.vector_load %arg14[%swap3A_1031] {strides = array<i32>} : memref<656xf32, #tpu.memory_space<vmem>>, vector<16xf32>,
      tpu.vector_store %arg14[%swap3A_1031], %gather3A_1030 {strides = array<i32>} : memref<656xf32, #tpu.memory_space<vmem>>, vector<16xf32>,
      %gather3A_1033 = tpu.vector_load_idx %arg11[%min3A_1020, %and3A_1026, %and3A_1023] : memref<16x1x64xf32, #tpu.memory_space<vmem>>[vector<16xi32>, vector<16xi32>, vector<16xi32>], vector<16xf32>,
      %swap3A_1034 = arith.constant 624 : index
      %swap3A_1035 = tpu.vector_load %arg15[%swap3A_1034] {strides = array<i32>} : memref<656xf32, #tpu.memory_space<vmem>>, vector<16xf32>,
      tpu.vector_store %arg15[%swap3A_1034], %gather3A_1033 {strides = array<i32>} : memref<656xf32, #tpu.memory_space<vmem>>, vector<16xf32>,
      %get3A_1036 = arith.constant 640 : index
      %get3A_1037 = tpu.vector_load %arg12[%get3A_1036] {strides = array<i32>} : memref<656xi32, #tpu.memory_space<vmem>>, vector<16xi32>,
      %shift_right_arithmetic3A_1038 = arith.constant 6 : i32
      %shift_right_arithmetic3A_1039 = vector.broadcast %shift_right_arithmetic3A_1038 : i32 to vector<16xi32>
      %shift_right_arithmetic3A_1040 = arith.shrsi %get3A_1037, %shift_right_arithmetic3A_1039 : vector<16xi32>
      %max3A_1041 = arith.constant 0 : i32
      %max3A_1042 = vector.broadcast %max3A_1041 : i32 to vector<16xi32>
      %max3A_1043 = arith.maxsi %shift_right_arithmetic3A_1040, %max3A_1042 : vector<16xi32>
      %min3A_1044 = arith.constant 15 : i32
      %min3A_1045 = vector.broadcast %min3A_1044 : i32 to vector<16xi32>
      %min3A_1046 = arith.minsi %max3A_1043, %min3A_1045 : vector<16xi32>
      %and3A_1047 = arith.constant 63 : i32
      %and3A_1048 = vector.broadcast %and3A_1047 : i32 to vector<16xi32>
      %and3A_1049 = arith.andi %get3A_1037, %and3A_1048 : vector<16xi32>
      %and3A_1050 = arith.constant 0 : i32
      %and3A_1051 = vector.broadcast %and3A_1050 : i32 to vector<16xi32>
      %and3A_1052 = arith.andi %get3A_1037, %and3A_1051 : vector<16xi32>
      %gather3A_1053 = tpu.vector_load_idx %arg9[%min3A_1046, %and3A_1049] : memref<16x64xi32, #tpu.memory_space<vmem>>[vector<16xi32>, vector<16xi32>], vector<16xi32>,
      %swap3A_1054 = arith.constant 640 : index
      %swap3A_1055 = tpu.vector_load %arg13[%swap3A_1054] {strides = array<i32>} : memref<656xi32, #tpu.memory_space<vmem>>, vector<16xi32>,
      tpu.vector_store %arg13[%swap3A_1054], %gather3A_1053 {strides = array<i32>} : memref<656xi32, #tpu.memory_space<vmem>>, vector<16xi32>,
      %gather3A_1056 = tpu.vector_load_idx %arg10[%min3A_1046, %and3A_1052, %and3A_1049] : memref<16x1x64xf32, #tpu.memory_space<vmem>>[vector<16xi32>, vector<16xi32>, vector<16xi32>], vector<16xf32>,
      %swap3A_1057 = arith.constant 640 : index
      %swap3A_1058 = tpu.vector_load %arg14[%swap3A_1057] {strides = array<i32>} : memref<656xf32, #tpu.memory_space<vmem>>, vector<16xf32>,
      tpu.vector_store %arg14[%swap3A_1057], %gather3A_1056 {strides = array<i32>} : memref<656xf32, #tpu.memory_space<vmem>>, vector<16xf32>,
      %gather3A_1059 = tpu.vector_load_idx %arg11[%min3A_1046, %and3A_1052, %and3A_1049] : memref<16x1x64xf32, #tpu.memory_space<vmem>>[vector<16xi32>, vector<16xi32>, vector<16xi32>], vector<16xf32>,
      %swap3A_1060 = arith.constant 640 : index
      %swap3A_1061 = tpu.vector_load %arg15[%swap3A_1060] {strides = array<i32>} : memref<656xf32, #tpu.memory_space<vmem>>, vector<16xf32>,
      tpu.vector_store %arg15[%swap3A_1060], %gather3A_1059 {strides = array<i32>} : memref<656xf32, #tpu.memory_space<vmem>>, vector<16xf32>,
      "tpu.region"() ({
        %run_scoped3A = tpu.sem_alloc : memref<!tpu.dma_semaphore, #tpu.memory_space<semaphore_mem>>
        %dma_start3A = arith.constant 0 : i32
        %dma_start3A_1062 = tpu.memref_slice %arg13[%dma_start3A] : memref<656xi32, #tpu.memory_space<vmem>> -> memref<643xi32, #tpu.memory_space<vmem>>
        %dma_start3A_1063 = arith.constant 0 : i32
        %dma_start3A_1064 = tpu.memref_slice %arg13[%dma_start3A_1063] : memref<656xi32, #tpu.memory_space<vmem>> -> memref<643xi32, #tpu.memory_space<vmem>>
        tpu.enqueue_dma source(%dma_start3A_1064 : memref<643xi32, #tpu.memory_space<vmem>>) target(%arg6 : memref<643xi32, #tpu.memory_space<hbm>>) target_semaphore(%run_scoped3A : memref<!tpu.dma_semaphore, #tpu.memory_space<semaphore_mem>>)
        %dma_wait3A = arith.constant 0 : i32
        %dma_wait3A_1065 = tpu.memref_slice %arg13[%dma_wait3A] : memref<656xi32, #tpu.memory_space<vmem>> -> memref<643xi32, #tpu.memory_space<vmem>>
        %dma_wait3A_1066 = arith.constant 0 : i32
        %dma_wait3A_1067 = tpu.memref_slice %arg13[%dma_wait3A_1066] : memref<656xi32, #tpu.memory_space<vmem>> -> memref<643xi32, #tpu.memory_space<vmem>>
        tpu.wait_dma2 semaphore(%run_scoped3A : memref<!tpu.dma_semaphore, #tpu.memory_space<semaphore_mem>>) src(%dma_wait3A_1067 : memref<643xi32, #tpu.memory_space<vmem>>) dst(%arg6 : memref<643xi32, #tpu.memory_space<hbm>>)
        tpu.yield
      }) : () -> ()
      "tpu.region"() ({
        %run_scoped3A = tpu.sem_alloc : memref<!tpu.dma_semaphore, #tpu.memory_space<semaphore_mem>>
        %dma_start3A = arith.constant 0 : i32
        %dma_start3A_1062 = tpu.memref_slice %arg14[%dma_start3A] : memref<656xf32, #tpu.memory_space<vmem>> -> memref<643xf32, #tpu.memory_space<vmem>>
        %dma_start3A_1063 = arith.constant 0 : i32
        %dma_start3A_1064 = tpu.memref_slice %arg14[%dma_start3A_1063] : memref<656xf32, #tpu.memory_space<vmem>> -> memref<643xf32, #tpu.memory_space<vmem>>
        tpu.enqueue_dma source(%dma_start3A_1064 : memref<643xf32, #tpu.memory_space<vmem>>) target(%arg7 : memref<643xf32, #tpu.memory_space<hbm>>) target_semaphore(%run_scoped3A : memref<!tpu.dma_semaphore, #tpu.memory_space<semaphore_mem>>)
        %dma_wait3A = arith.constant 0 : i32
        %dma_wait3A_1065 = tpu.memref_slice %arg14[%dma_wait3A] : memref<656xf32, #tpu.memory_space<vmem>> -> memref<643xf32, #tpu.memory_space<vmem>>
        %dma_wait3A_1066 = arith.constant 0 : i32
        %dma_wait3A_1067 = tpu.memref_slice %arg14[%dma_wait3A_1066] : memref<656xf32, #tpu.memory_space<vmem>> -> memref<643xf32, #tpu.memory_space<vmem>>
        tpu.wait_dma2 semaphore(%run_scoped3A : memref<!tpu.dma_semaphore, #tpu.memory_space<semaphore_mem>>) src(%dma_wait3A_1067 : memref<643xf32, #tpu.memory_space<vmem>>) dst(%arg7 : memref<643xf32, #tpu.memory_space<hbm>>)
        tpu.yield
      }) : () -> ()
      "tpu.region"() ({
        %run_scoped3A = tpu.sem_alloc : memref<!tpu.dma_semaphore, #tpu.memory_space<semaphore_mem>>
        %dma_start3A = arith.constant 0 : i32
        %dma_start3A_1062 = tpu.memref_slice %arg15[%dma_start3A] : memref<656xf32, #tpu.memory_space<vmem>> -> memref<643xf32, #tpu.memory_space<vmem>>
        %dma_start3A_1063 = arith.constant 0 : i32
        %dma_start3A_1064 = tpu.memref_slice %arg15[%dma_start3A_1063] : memref<656xf32, #tpu.memory_space<vmem>> -> memref<643xf32, #tpu.memory_space<vmem>>
        tpu.enqueue_dma source(%dma_start3A_1064 : memref<643xf32, #tpu.memory_space<vmem>>) target(%arg8 : memref<643xf32, #tpu.memory_space<hbm>>) target_semaphore(%run_scoped3A : memref<!tpu.dma_semaphore, #tpu.memory_space<semaphore_mem>>)
        %dma_wait3A = arith.constant 0 : i32
        %dma_wait3A_1065 = tpu.memref_slice %arg15[%dma_wait3A] : memref<656xf32, #tpu.memory_space<vmem>> -> memref<643xf32, #tpu.memory_space<vmem>>
        %dma_wait3A_1066 = arith.constant 0 : i32
        %dma_wait3A_1067 = tpu.memref_slice %arg15[%dma_wait3A_1066] : memref<656xf32, #tpu.memory_space<vmem>> -> memref<643xf32, #tpu.memory_space<vmem>>
        tpu.wait_dma2 semaphore(%run_scoped3A : memref<!tpu.dma_semaphore, #tpu.memory_space<semaphore_mem>>) src(%dma_wait3A_1067 : memref<643xf32, #tpu.memory_space<vmem>>) dst(%arg8 : memref<643xf32, #tpu.memory_space<hbm>>)
        tpu.yield
      }) : () -> ()
    } else {
    }
    return
  }
}

module attributes {stable_mosaic.version = 14 : i64} {
  func.func @_proj_body(%arg0: i32, %arg1: memref<2048x1024xf32, #tpu.memory_space<vmem>>, %arg2: memref<1024x128xf32, #tpu.memory_space<vmem>>, %arg3: memref<1x128xf32, #tpu.memory_space<vmem>>, %arg4: memref<1024x128xf32, #tpu.memory_space<vmem>>, %arg5: memref<1x128xf32, #tpu.memory_space<vmem>>, %arg6: memref<2048x128xf32, #tpu.memory_space<vmem>>, %arg7: memref<2048x128xf32, #tpu.memory_space<vmem>>) attributes {dimension_semantics = [#tpu.dimension_semantics<arbitrary>], iteration_bounds = array<i64: 8>, scalar_prefetch = 0 : i64, scratch_operands = 0 : i64, tpu.core_type = #tpu.core_type<tc>, window_params = [{transform_indices = @transform_0, window_bounds = array<i64: 2048, 1024>}, {pipeline_mode = #tpu.pipeline_mode<synchronous>, transform_indices = @transform_1, window_bounds = array<i64: 1024, 128>}, {pipeline_mode = #tpu.pipeline_mode<synchronous>, transform_indices = @transform_2, window_bounds = array<i64: 1, 128>}, {pipeline_mode = #tpu.pipeline_mode<synchronous>, transform_indices = @transform_3, window_bounds = array<i64: 1024, 128>}, {pipeline_mode = #tpu.pipeline_mode<synchronous>, transform_indices = @transform_4, window_bounds = array<i64: 1, 128>}, {transform_indices = @transform_5, window_bounds = array<i64: 2048, 128>}, {transform_indices = @transform_6, window_bounds = array<i64: 2048, 128>}]} {
    %get3A = arith.constant 0 : index
    %get3A_0 = arith.constant 0 : index
    %get3A_1 = vector.load %arg1[%get3A, %get3A_0] : memref<2048x1024xf32, #tpu.memory_space<vmem>>, vector<2048x1024xf32>
    %get3A_2 = arith.constant 0 : index
    %get3A_3 = arith.constant 0 : index
    %get3A_4 = vector.load %arg2[%get3A_2, %get3A_3] : memref<1024x128xf32, #tpu.memory_space<vmem>>, vector<1024x128xf32>
    %dot_general3A = arith.constant dense<0.000000e+00> : vector<2048x128xf32>
    %dot_general3A_5 = tpu.matmul %get3A_1, %get3A_4, %dot_general3A {dimension_numbers = #tpu.dot_dimension_numbers<[1], [0], [0], [1], [0, 0, 1, 1], [], []>, transpose_lhs_hint = false} : vector<2048x1024xf32>, vector<1024x128xf32>, vector<2048x128xf32> -> vector<2048x128xf32>
    %get3A_6 = arith.constant 0 : index
    %get3A_7 = arith.constant 0 : index
    %get3A_8 = vector.load %arg3[%get3A_6, %get3A_7] : memref<1x128xf32, #tpu.memory_space<vmem>>, vector<1x128xf32>
    %add3A = vector.broadcast %get3A_8 : vector<1x128xf32> to vector<2048x128xf32>
    %add3A_9 = arith.addf %dot_general3A_5, %add3A : vector<2048x128xf32>
    %swap3A = arith.constant 0 : index
    %swap3A_10 = arith.constant 0 : index
    %swap3A_11 = vector.load %arg6[%swap3A, %swap3A_10] : memref<2048x128xf32, #tpu.memory_space<vmem>>, vector<2048x128xf32>
    tpu.vector_store %arg6[%swap3A, %swap3A_10], %add3A_9 {strides = array<i32>} : memref<2048x128xf32, #tpu.memory_space<vmem>>, vector<2048x128xf32>,
    %get3A_12 = arith.constant 0 : index
    %get3A_13 = arith.constant 0 : index
    %get3A_14 = vector.load %arg4[%get3A_12, %get3A_13] : memref<1024x128xf32, #tpu.memory_space<vmem>>, vector<1024x128xf32>
    %dot_general3A_15 = arith.constant dense<0.000000e+00> : vector<2048x128xf32>
    %dot_general3A_16 = tpu.matmul %get3A_1, %get3A_14, %dot_general3A_15 {dimension_numbers = #tpu.dot_dimension_numbers<[1], [0], [0], [1], [0, 0, 1, 1], [], []>, transpose_lhs_hint = false} : vector<2048x1024xf32>, vector<1024x128xf32>, vector<2048x128xf32> -> vector<2048x128xf32>
    %get3A_17 = arith.constant 0 : index
    %get3A_18 = arith.constant 0 : index
    %get3A_19 = vector.load %arg5[%get3A_17, %get3A_18] : memref<1x128xf32, #tpu.memory_space<vmem>>, vector<1x128xf32>
    %add3A_20 = vector.broadcast %get3A_19 : vector<1x128xf32> to vector<2048x128xf32>
    %add3A_21 = arith.addf %dot_general3A_16, %add3A_20 : vector<2048x128xf32>
    %swap3A_22 = arith.constant 0 : index
    %swap3A_23 = arith.constant 0 : index
    %swap3A_24 = vector.load %arg7[%swap3A_22, %swap3A_23] : memref<2048x128xf32, #tpu.memory_space<vmem>>, vector<2048x128xf32>
    tpu.vector_store %arg7[%swap3A_22, %swap3A_23], %add3A_21 {strides = array<i32>} : memref<2048x128xf32, #tpu.memory_space<vmem>>, vector<2048x128xf32>,
    return
  }
  func.func @transform_0(%arg0: i32) -> (i32, i32) {
    %c0_i32 = arith.constant 0 : i32
    %c0_i32_0 = arith.constant 0 : i32
    return %arg0, %c0_i32 : i32, i32
  }
  func.func @transform_1(%arg0: i32) -> (i32, i32) {
    %c0_i32 = arith.constant 0 : i32
    %c0_i32_0 = arith.constant 0 : i32
    %c0_i32_1 = arith.constant 0 : i32
    return %c0_i32, %c0_i32_0 : i32, i32
  }
  func.func @transform_2(%arg0: i32) -> (i32, i32) {
    %c0_i32 = arith.constant 0 : i32
    %c0_i32_0 = arith.constant 0 : i32
    %c0_i32_1 = arith.constant 0 : i32
    return %c0_i32, %c0_i32_0 : i32, i32
  }
  func.func @transform_3(%arg0: i32) -> (i32, i32) {
    %c0_i32 = arith.constant 0 : i32
    %c0_i32_0 = arith.constant 0 : i32
    %c0_i32_1 = arith.constant 0 : i32
    return %c0_i32, %c0_i32_0 : i32, i32
  }
  func.func @transform_4(%arg0: i32) -> (i32, i32) {
    %c0_i32 = arith.constant 0 : i32
    %c0_i32_0 = arith.constant 0 : i32
    %c0_i32_1 = arith.constant 0 : i32
    return %c0_i32, %c0_i32_0 : i32, i32
  }
  func.func @transform_5(%arg0: i32) -> (i32, i32) {
    %c0_i32 = arith.constant 0 : i32
    %c0_i32_0 = arith.constant 0 : i32
    return %arg0, %c0_i32 : i32, i32
  }
  func.func @transform_6(%arg0: i32) -> (i32, i32) {
    %c0_i32 = arith.constant 0 : i32
    %c0_i32_0 = arith.constant 0 : i32
    return %arg0, %c0_i32 : i32, i32
  }
}

module attributes {stable_mosaic.version = 14 : i64} {
  func.func @_attn_body(%arg0: i32, %arg1: memref<16xi32, #tpu.memory_space<smem>>, %arg2: memref<16xi32, #tpu.memory_space<smem>>, %arg3: memref<16x64xi32, #tpu.memory_space<vmem>>, %arg4: memref<1x64x128xf32, #tpu.memory_space<vmem>>, %arg5: memref<1x512x128xf32, #tpu.memory_space<vmem>>, %arg6: memref<1x64x512xf32, #tpu.memory_space<vmem>>, %arg7: memref<1x1x64xf32, #tpu.memory_space<vmem>>, %arg8: memref<1x1x64xf32, #tpu.memory_space<vmem>>) attributes {dimension_semantics = [#tpu.dimension_semantics<arbitrary>], iteration_bounds = array<i64: 16>, scalar_prefetch = 0 : i64, scratch_operands = 0 : i64, tpu.core_type = #tpu.core_type<tc>, window_params = [{transform_indices = @transform_0, window_bounds = array<i64: 16>}, {transform_indices = @transform_1, window_bounds = array<i64: 16>}, {pipeline_mode = #tpu.pipeline_mode<synchronous>, transform_indices = @transform_2, window_bounds = array<i64: 16, 64>}, {transform_indices = @transform_3, window_bounds = array<i64: 1, 64, 128>}, {transform_indices = @transform_4, window_bounds = array<i64: 1, 512, 128>}, {transform_indices = @transform_5, window_bounds = array<i64: 1, 64, 512>}, {transform_indices = @transform_6, window_bounds = array<i64: 1, 1, 64>}, {transform_indices = @transform_7, window_bounds = array<i64: 1, 1, 64>}]} {
    %get3A = arith.index_cast %arg0 : i32 to index
    %get3A_0 = memref.load %arg1[%get3A] : memref<16xi32, #tpu.memory_space<smem>>
    %get3A_1 = arith.index_cast %arg0 : i32 to index
    %get3A_2 = memref.load %arg2[%get3A_1] : memref<16xi32, #tpu.memory_space<smem>>
    %get3A_3 = arith.constant 0 : index
    %get3A_4 = arith.constant 0 : index
    %get3A_5 = arith.constant 0 : index
    %get3A_6 = vector.load %arg4[%get3A_3, %get3A_4, %get3A_5] : memref<1x64x128xf32, #tpu.memory_space<vmem>>, vector<1x64x128xf32>
    %get3A_7 = vector.shape_cast %get3A_6 : vector<1x64x128xf32> to vector<64x128xf32>
    %get3A_8 = arith.constant 0 : index
    %get3A_9 = arith.constant 0 : index
    %get3A_10 = arith.constant 0 : index
    %get3A_11 = vector.load %arg5[%get3A_8, %get3A_9, %get3A_10] : memref<1x512x128xf32, #tpu.memory_space<vmem>>, vector<1x512x128xf32>
    %get3A_12 = vector.shape_cast %get3A_11 : vector<1x512x128xf32> to vector<512x128xf32>
    %dot_general3A = arith.constant dense<0.000000e+00> : vector<64x512xf32>
    %dot_general3A_13 = tpu.matmul %get3A_7, %get3A_12, %dot_general3A {dimension_numbers = #tpu.dot_dimension_numbers<[1], [1], [0], [0], [0, 0, 1, 0], [], []>, transpose_lhs_hint = false} : vector<64x128xf32>, vector<512x128xf32>, vector<64x512xf32> -> vector<64x512xf32>
    %mul3A = arith.constant 0.0883883461 : f32
    %mul3A_14 = vector.broadcast %mul3A : f32 to vector<64x512xf32>
    %mul3A_15 = arith.mulf %dot_general3A_13, %mul3A_14 : vector<64x512xf32>
    %iota3A = tpu.iota {dimensions = array<i32: 0>} : vector<64x512xi32>
    %iota3A_16 = tpu.iota {dimensions = array<i32: 1>} : vector<64x512xi32>
    %lt3A = vector.broadcast %get3A_0 : i32 to vector<64x512xi32>
    %lt3A_17 = arith.cmpi slt, %iota3A, %lt3A : vector<64x512xi32>
    %lt3A_18 = vector.broadcast %get3A_2 : i32 to vector<64x512xi32>
    %lt3A_19 = arith.cmpi slt, %iota3A_16, %lt3A_18 : vector<64x512xi32>
    %and3A = arith.andi %lt3A_17, %lt3A_19 : vector<64x512xi1>
    %jit3A = arith.constant -1.000000e+09 : f32
    %broadcast_in_dim3A = vector.broadcast %jit3A : f32 to vector<64x512xf32>
    %select_n3A = arith.select %and3A, %mul3A_15, %broadcast_in_dim3A : vector<64x512xi1>, vector<64x512xf32>
    %swap3A = arith.constant 0 : index
    %swap3A_20 = arith.constant 0 : index
    %swap3A_21 = arith.constant 0 : index
    %swap3A_22 = vector.load %arg6[%swap3A, %swap3A_20, %swap3A_21] : memref<1x64x512xf32, #tpu.memory_space<vmem>>, vector<1x64x512xf32>
    %swap3A_23 = vector.shape_cast %swap3A_22 : vector<1x64x512xf32> to vector<64x512xf32>
    %swap3A_24 = vector.shape_cast %select_n3A : vector<64x512xf32> to vector<1x64x512xf32>
    tpu.vector_store %arg6[%swap3A, %swap3A_20, %swap3A_21], %swap3A_24 {strides = array<i32>} : memref<1x64x512xf32, #tpu.memory_space<vmem>>, vector<1x64x512xf32>,
    %reduce_max3A = arith.constant dense<0xFF800000> : vector<64xf32>
    %reduce_max3A_25 = vector.multi_reduction <maximumf>, %select_n3A, %reduce_max3A [1] : vector<64x512xf32> to vector<64xf32>
    %broadcast_in_dim3A_26 = vector.shape_cast %reduce_max3A_25 : vector<64xf32> to vector<64x1xf32>
    %sub3A = vector.broadcast %broadcast_in_dim3A_26 : vector<64x1xf32> to vector<64x512xf32>
    %sub3A_27 = arith.subf %select_n3A, %sub3A : vector<64x512xf32>
    %exp3A = math.exp %sub3A_27 : vector<64x512xf32>
    %reduce_sum3A = arith.constant dense<0.000000e+00> : vector<64xf32>
    %reduce_sum3A_28 = vector.multi_reduction <add>, %exp3A, %reduce_sum3A [1] : vector<64x512xf32> to vector<64xf32>
    %broadcast_in_dim3A_29 = vector.shape_cast %reduce_sum3A_28 : vector<64xf32> to vector<64x1xf32>
    %log3A = math.log %broadcast_in_dim3A_29 : vector<64x1xf32>
    %add3A = arith.addf %log3A, %broadcast_in_dim3A_26 : vector<64x1xf32>
    %sub3A_30 = vector.broadcast %add3A : vector<64x1xf32> to vector<64x512xf32>
    %sub3A_31 = arith.subf %select_n3A, %sub3A_30 : vector<64x512xf32>
    %div3A = vector.broadcast %broadcast_in_dim3A_29 : vector<64x1xf32> to vector<64x512xf32>
    %div3A_32 = arith.divf %exp3A, %div3A : vector<64x512xf32>
    %mul3A_33 = arith.mulf %div3A_32, %sub3A_31 : vector<64x512xf32>
    %reduce_sum3A_34 = arith.constant dense<0.000000e+00> : vector<64xf32>
    %reduce_sum3A_35 = vector.multi_reduction <add>, %mul3A_33, %reduce_sum3A_34 [1] : vector<64x512xf32> to vector<64xf32>
    %neg3A = arith.constant 0.000000e+00 : f32
    %neg3A_36 = vector.broadcast %neg3A : f32 to vector<64xf32>
    %neg3A_37 = arith.subf %neg3A_36, %reduce_sum3A_35 : vector<64xf32>
    %get3A_38 = arith.index_cast %arg0 : i32 to index
    %get3A_39 = arith.constant 0 : index
    %get3A_40 = vector.load %arg3[%get3A_38, %get3A_39] : memref<16x64xi32, #tpu.memory_space<vmem>>, vector<1x64xi32>
    %iota3A_41 = tpu.iota {dimensions = array<i32: 1>} : vector<1x64xi32>
    %lt3A_42 = vector.broadcast %get3A_0 : i32 to vector<1x64xi32>
    %lt3A_43 = arith.cmpi slt, %iota3A_41, %lt3A_42 : vector<1x64xi32>
    %jit3A_44 = arith.constant 1 : i32
    %broadcast_in_dim3A_45 = vector.broadcast %jit3A_44 : i32 to vector<1x64xi32>
    %select_n3A_46 = arith.select %lt3A_43, %get3A_40, %broadcast_in_dim3A_45 : vector<1x64xi1>, vector<1x64xi32>
    %transpose3A = tpu.transpose %select_n3A_46, [1, 0] : vector<1x64xi32> -> vector<64x1xi32>
    %eq3A = vector.broadcast %transpose3A : vector<64x1xi32> to vector<64x512xi32>
    %eq3A_47 = arith.cmpi eq, %iota3A_16, %eq3A : vector<64x512xi32>
    %jit3A_48 = arith.constant 0.000000e+00 : f32
    %broadcast_in_dim3A_49 = vector.broadcast %jit3A_48 : f32 to vector<64x512xf32>
    %select_n3A_50 = arith.select %eq3A_47, %sub3A_31, %broadcast_in_dim3A_49 : vector<64x512xi1>, vector<64x512xf32>
    %reduce_sum3A_51 = arith.constant dense<0.000000e+00> : vector<64xf32>
    %reduce_sum3A_52 = vector.multi_reduction <add>, %select_n3A_50, %reduce_sum3A_51 [1] : vector<64x512xf32> to vector<64xf32>
    %reshape3A = vector.shape_cast %reduce_sum3A_52 : vector<64xf32> to vector<1x64xf32>
    %swap3A_53 = arith.constant 0 : index
    %swap3A_54 = arith.constant 0 : index
    %swap3A_55 = arith.constant 0 : index
    %swap3A_56 = vector.load %arg7[%swap3A_53, %swap3A_54, %swap3A_55] : memref<1x1x64xf32, #tpu.memory_space<vmem>>, vector<1x1x64xf32>
    %swap3A_57 = vector.shape_cast %swap3A_56 : vector<1x1x64xf32> to vector<1x64xf32>
    %swap3A_58 = vector.shape_cast %reshape3A : vector<1x64xf32> to vector<1x1x64xf32>
    tpu.vector_store %arg7[%swap3A_53, %swap3A_54, %swap3A_55], %swap3A_58 {strides = array<i32>} : memref<1x1x64xf32, #tpu.memory_space<vmem>>, vector<1x1x64xf32>,
    %reshape3A_59 = vector.shape_cast %neg3A_37 : vector<64xf32> to vector<1x64xf32>
    %swap3A_60 = arith.constant 0 : index
    %swap3A_61 = arith.constant 0 : index
    %swap3A_62 = arith.constant 0 : index
    %swap3A_63 = vector.load %arg8[%swap3A_60, %swap3A_61, %swap3A_62] : memref<1x1x64xf32, #tpu.memory_space<vmem>>, vector<1x1x64xf32>
    %swap3A_64 = vector.shape_cast %swap3A_63 : vector<1x1x64xf32> to vector<1x64xf32>
    %swap3A_65 = vector.shape_cast %reshape3A_59 : vector<1x64xf32> to vector<1x1x64xf32>
    tpu.vector_store %arg8[%swap3A_60, %swap3A_61, %swap3A_62], %swap3A_65 {strides = array<i32>} : memref<1x1x64xf32, #tpu.memory_space<vmem>>, vector<1x1x64xf32>,
    return
  }
  func.func @transform_0(%arg0: i32) -> i32 {
    %c0_i32 = arith.constant 0 : i32
    %c0_i32_0 = arith.constant 0 : i32
    return %c0_i32 : i32
  }
  func.func @transform_1(%arg0: i32) -> i32 {
    %c0_i32 = arith.constant 0 : i32
    %c0_i32_0 = arith.constant 0 : i32
    return %c0_i32 : i32
  }
  func.func @transform_2(%arg0: i32) -> (i32, i32) {
    %c0_i32 = arith.constant 0 : i32
    %c0_i32_0 = arith.constant 0 : i32
    %c0_i32_1 = arith.constant 0 : i32
    return %c0_i32, %c0_i32_0 : i32, i32
  }
  func.func @transform_3(%arg0: i32) -> (i32, i32, i32) {
    %c0_i32 = arith.constant 0 : i32
    %c0_i32_0 = arith.constant 0 : i32
    %c0_i32_1 = arith.constant 0 : i32
    return %arg0, %c0_i32, %c0_i32_0 : i32, i32, i32
  }
  func.func @transform_4(%arg0: i32) -> (i32, i32, i32) {
    %c0_i32 = arith.constant 0 : i32
    %c0_i32_0 = arith.constant 0 : i32
    %c0_i32_1 = arith.constant 0 : i32
    return %arg0, %c0_i32, %c0_i32_0 : i32, i32, i32
  }
  func.func @transform_5(%arg0: i32) -> (i32, i32, i32) {
    %c0_i32 = arith.constant 0 : i32
    %c0_i32_0 = arith.constant 0 : i32
    %c0_i32_1 = arith.constant 0 : i32
    return %arg0, %c0_i32, %c0_i32_0 : i32, i32, i32
  }
  func.func @transform_6(%arg0: i32) -> (i32, i32, i32) {
    %c0_i32 = arith.constant 0 : i32
    %c0_i32_0 = arith.constant 0 : i32
    %c0_i32_1 = arith.constant 0 : i32
    return %arg0, %c0_i32, %c0_i32_0 : i32, i32, i32
  }
  func.func @transform_7(%arg0: i32) -> (i32, i32, i32) {
    %c0_i32 = arith.constant 0 : i32
    %c0_i32_0 = arith.constant 0 : i32
    %c0_i32_1 = arith.constant 0 : i32
    return %arg0, %c0_i32, %c0_i32_0 : i32, i32, i32
  }
}

</mosaic_0001>

<sc_bundles>
// kernel: kernel.6.cloned.1.call-start
scs
__scs_entry_jumppad:
0x0: {  	(pc) =	sbr.rel $0x88, $3  }
0x1: {  	(tag) =	ssettag $0x0;
	lr =	simm.s32 $0x1  }
0x2: {  	[smem:$0x3F96] =	sst lr;
	_ =	strace $0xD0000000  }
0x3: {  	_ = 	snop  }
0x4: {  	_ = 	snop  }
0x5: {  	_ = 	snop  }
0x6: {  	_ = 	snop  }
0x7: {  	_ = 	snop  }
__scs_overlays_trampoline_lowered:
0x8: {  	[smem:$0x3FA5] =	sst s0  }
0x9: {  	[smem:$0x3FA6] =	sst s1  }
0xa: {  	[smem:$0x3FA7] =	sst s2  }
0xb: {  	[smem:$0x3FA8] =	sst s3  }
0xc: {  	[smem:$0x3FA9] =	sst s4  }
0xd: {  	[smem:$0x3FAA] =	sst s5  }
0xe: {  	[smem:$0x3FAB] =	sst s6  }
0xf: {  	[smem:$0x3FAC] =	sst s7  }
0x10: {  	[smem:$0x3FAD] =	sst s8  }
0x11: {  	[smem:$0x3FAE] =	sst s9;
	s0 =	simm.s32 @!p0 $0x0  }
0x12: {  	s1 =	sld [smem:$0x3F94];
	s0 =	simm.s32 @p0 $0x1  }
0x13: {  	[smem:$0x3FAF] =	sst s0;
	s0 =	simm.s32 @!p1 $0x0  }
0x14: {  	s2 =	sld [smem:$0x3F93];
	s0 =	simm.s32 @p1 $0x1  }
0x15: {  	[smem:$0x3FB0] =	sst s0;
	s0 =	simm.s32 @!p2 $0x0  }
0x16: {  	s3 =	sld [smem:$0x3FDB];
	s0 =	simm.s32 @p2 $0x1  }
0x17: {  	s4 =	simm.s32 $0x1BF5;
	[smem:$0x3FB2] =	sst s0  }
0x18: {  	s0 =	sld [smem:$0x3F95];
	_ =	swait.ge [sflag:s4], $0x0  }
0x19: {  	s7 =	sld [smem:$0x3F96]  }
0x1a: {  	s8 =	sadd.s32 $0xFFFFE003, lr  }
0x1b: {  	s9 =	sadd.s32 $0xFFFFFEF7, lr;
	s5 =	simm.s32 $0xFFFFFFFF;
	p2 =	slt.u32 s8, $0xFFFFF086  }
0x1c: {  	p1 =	slt.u32 s9, $0xF7A;
	s5 =	simm.s32 @!p2 $0x0  }
0x1d: {  	s5 =	simm.s32 @p1 $0x1;
	p0 =	seq.s32 s7, s2  }
0x1e: {  	s7 =	smul.u32 @!p0 $0xF7A, s2;
	p2 =	seq.s32 @!p0 s5, $0x0  }
0x1f: {  	s9 =	smul.u32 $0xF7A, s1;
	s8 =	simm.s32 @!p0 $0x1BF5;
	p2 =	por !p2, p0  }
0x20: {  	[sflag:s8] =	ssyncset.s32 @!p0 $0xFFFFF086;
	s6 =	sadd.s32 @!p0 s3, s7;
	s7 =	simm.s32 @!p0 $0x108  }
0x21: {  	s3 =	sadd.s32 s3, s9;
	s6 =	sadd.s32 @!p0 $0x88, s6;
	s7 =	simm.s32 @p2 $0x1082  }
0x22: {  	[simem:s7], [sflag:s8] =	dma.local @!p0 [hbm:s6], $0xF7A  }
0x23: {  	s9 =	sor.u32 $0xD0000000, s2;
	s6 =	simm.s32 $0x108;
	_ =	swait.ge @!p0 [sflag:s8], $0x0  }
0x24: {  	s3 =	sadd.s32 $0x88, s3;
	s6 =	simm.s32 @!p1 $0x1082;
	[sflag:s4] =	ssyncset.s32 $0xFFFFF086  }
0x25: {  	[simem:s6], [sflag:s4] =	dma.local [hbm:s3], $0xF7A  }
0x26: {  	[smem:$0x3F96] =	sst s1;
	(tag) =	ssettag s2;
	_ =	strace s9  }
0x27: {  	s1 =	sld [smem:$0x3FA6]  }
0x28: {  	s2 =	sld [smem:$0x3FA7]  }
0x29: {  	s4 =	sld [smem:$0x3FA9]  }
0x2a: {  	p0 =	seq.s32 s5, $0x0;
	s5 =	sld [smem:$0x3FAA]  }
0x2b: {  	s6 =	sld [smem:$0x3FAB]  }
0x2c: {  	s7 =	sld [smem:$0x3FAC]  }
0x2d: {  	s3 =	simm.s32 $0x108;
	s8 =	sld [smem:$0x3FAD]  }
0x2e: {  	s3 =	simm.s32 @!p0 $0x1082;
	s9 =	sld [smem:$0x3FAE]  }
0x2f: {  	lr =	sadd.s32 s0, s3;
	s0 =	sld [smem:$0x3FA5]  }
0x30: {  	s3 =	sld [smem:$0x3FA8]  }
0x31: {  	[smem:$0x3FB1] =	sst s10  }
0x32: {  	s10 =	sld [smem:$0x3FAF];
	_ =	sdelay $0x3  }
0x33: {  	p0 =	seq.s32 s10, $0x1;
	s10 =	sld [smem:$0x3FB1];
	_ =	sdelay $0x3  }
0x34: {  	[smem:$0x3FB1] =	sst s10  }
0x35: {  	s10 =	sld [smem:$0x3FB0];
	_ =	sdelay $0x3  }
0x36: {  	p1 =	seq.s32 s10, $0x1;
	s10 =	sld [smem:$0x3FB1];
	_ =	sdelay $0x3  }
0x37: {  	[smem:$0x3FB1] =	sst s10  }
0x38: {  	s10 =	sld [smem:$0x3FB2]  }
0x39: {  	_ = 	snop;
	(pc) =	sbr.ind lr, $3  }
0x3a: {  	_ = 	snop  }
0x3b: {  	_ = 	snop  }
0x3c: {  	p2 =	seq.s32 s10, $0x1;
	s10 =	sld [smem:$0x3FB1]  }
0x3d: {  	_ =	shalt  }
0x3e: {  	_ =	shalt  }
0x3f: {  	_ =	shalt  }
0x40: {  	_ =	shalt  }
0x41: {  	_ =	shalt  }
0x42: {  	_ =	shalt  }
0x43: {  	_ =	shalt  }
0x44: {  	_ =	shalt  }
0x45: {  	_ =	shalt  }
0x46: {  	_ =	shalt  }
0x47: {  	_ =	shalt  }
0x48: {  	_ =	shalt  }
0x49: {  	_ =	shalt  }
0x4a: {  	_ =	shalt  }
0x4b: {  	_ =	shalt  }
0x4c: {  	_ =	shalt  }
0x4d: {  	_ =	shalt  }
0x4e: {  	_ =	shalt  }
0x4f: {  	_ =	shalt  }
0x50: {  	_ =	shalt  }
0x51: {  	_ =	shalt  }
0x52: {  	_ =	shalt  }
0x53: {  	_ =	shalt  }
0x54: {  	_ =	shalt  }
0x55: {  	_ =	shalt  }
0x56: {  	_ =	shalt  }
0x57: {  	_ =	shalt  }
0x58: {  	_ =	shalt  }
0x59: {  	_ =	shalt  }
0x5a: {  	_ =	shalt  }
0x5b: {  	_ =	shalt  }
0x5c: {  	_ =	shalt  }
0x5d: {  	_ =	shalt  }
0x5e: {  	_ =	shalt  }
0x5f: {  	_ =	shalt  }
0x60: {  	_ =	shalt  }
0x61: {  	_ =	shalt  }
0x62: {  	_ =	shalt  }
0x63: {  	_ =	shalt  }
0x64: {  	_ =	shalt  }
0x65: {  	_ =	shalt  }
0x66: {  	_ =	shalt  }
0x67: {  	_ =	shalt  }
0x68: {  	_ =	shalt  }
0x69: {  	_ =	shalt  }
0x6a: {  	_ =	shalt  }
0x6b: {  	_ =	shalt  }
0x6c: {  	_ =	shalt  }
0x6d: {  	_ =	shalt  }
0x6e: {  	_ =	shalt  }
0x6f: {  	_ =	shalt  }
0x70: {  	_ =	shalt  }
0x71: {  	_ =	shalt  }
0x72: {  	_ =	shalt  }
0x73: {  	_ =	shalt  }
0x74: {  	_ =	shalt  }
0x75: {  	_ =	shalt  }
0x76: {  	_ =	shalt  }
0x77: {  	_ =	shalt  }
0x78: {  	_ =	shalt  }
0x79: {  	_ =	shalt  }
0x7a: {  	_ =	shalt  }
0x7b: {  	_ =	shalt  }
0x7c: {  	_ =	shalt  }
0x7d: {  	_ =	shalt  }
0x7e: {  	_ =	shalt  }
0x7f: {  	_ =	shalt  }
0x80: {  	_ =	shalt  }
0x81: {  	_ =	shalt  }
0x82: {  	_ =	shalt  }
0x83: {  	_ =	shalt  }
0x84: {  	_ =	shalt  }
0x85: {  	_ =	shalt  }
0x86: {  	_ =	shalt  }
0x87: {  	_ =	shalt  }
.Lfunc_end0:
.L_simem_size_0:
called_computation_lowered:
.L_overlay_start_0:
0x88: {  	s2 =	sld [smem:$0x3FD9]  }
0x89: {  	s3 =	sld [smem:$0x3FFE];
	_ =	sdelay $0x1  }
0x8a: {  	s1 =	srdreg.scid  }
0x8b: {  	s0 =	sand.u32 $0x1, s1  }
0x8c: {  	s14 =	sshll.u32 s0, $0xA;
	s2 =	sadd.s32 s3, s2  }
0x8d: {  	s2 =	sadd.s32 s2, s14  }
0x8e: {  	[smem:$0x3FBD] =	sst s2  }
0x8f: {  	_ = 	snop  }
0x90: {  	s2 =	sld [smem:$0x3FD0];
	_ =	sdelay $0x1  }
0x91: {  	s15 =	sld [smem:$0x3FC4]  }
0x92: {  	s5 =	simm.s32 $0xA;
	s6 =	simm.s32 $0x10;
	s4 =	sld [smem:$0x3FC2]  }
0x93: {  	[smem:s6], [sflag:s5] =	dma.local [hbm:s2], $0x1  }
0x94: {  	_ =	swait.eq [sflag:s5], $0x1  }
0x95: {  	[sflag:s5] =	ssyncset.done $0x0  }
0x96: {  	[sflag:s5] =	ssyncadd.s32 $0xFFFFFFFF  }
0x97: {  	s16 =	sld [smem:$0x14];
	(tm) =	ssettm $0x1  }
0x98: {  	s17 =	sld [smem:$0x3FFB];
	_ =	sdelay $0x3  }
0x99: {  	_ =	strace s17  }
0x9a: {  	s5 =	sld [smem:$0x3FFC];
	_ =	sdelay $0x3  }
0x9b: {  	_ =	strace s5  }
0x9c: {  	s5 =	sld [smem:$0x3FFD];
	_ =	sdelay $0x3  }
0x9d: {  	_ =	strace s5  }
0x9e: {  	_ =	strace $0x8FFFFFFF  }
0x9f: {  	s18 =	sld [smem:$0x3FDB];
	_ =	sdelay $0x1  }
0xa0: {  	s19 =	simm.s32 $_scs_section_size  }
0xa1: {  	s7 =	simm.s32 $_size__tile_overlayer_lowered;
	s8 =	simm.s32 $_tile_overlayer_lowered  }
0xa2: {  	s22 =	simm.s32 $0x1BFF;
	s21 =	sshll.u32 s8, $0x1;
	s5 =	sadd.s32 s19, s18  }
0xa3: {  	s9 =	simm.s32 $0x0;
	s20 =	sshll.u32 s7, $0x1;
	s7 =	sadd.s32 s21, s5  }
0xa4: {  	[timem:s9], [sflag:s22] =	dma.local [hbm:s7], s20  }
0xa5: {  	_ =	swait.ge [sflag:s22], s20  }
0xa6: {  	s6 =	ssub.s32 $0x0, s20;
	[sflag:s22] =	ssyncset.done $0x0  }
0xa7: {  	[sflag:s22] =	ssyncadd.s32 s6;
	_ =	sdelay $0x1  }
0xa8: {  	s23 =	simm.s32 $0x1B8B  }
0xa9: {  	_ =	swait.ge [sflag:s23], $0x1  }
0xaa: {  	[sflag:s23] =	ssyncset.done $0x0  }
0xab: {  	s25 =	simm.s32 $0x1B8E;
	s24 =	sld [smem:$0x3FFE];
	[sflag:s23] =	ssyncadd.s32 $0xFFFFFFFF  }
0xac: {  	s26 =	simm.s32 $execute0_lowered;
	[smem:$0x3FD2] =	sst s25  }
0xad: {  	s7 =	sshll.u32 s26, $0x1;
	_ =	strace $0x80000046;
	[dreg:$0x1] =	wrdreg $0xFFFFFFFF  }
0xae: {  	s28 =	simm.s32 $_size_execute0_lowered;
	s5 =	sadd.s32 s5, s7;
	[dreg:$0x0] =	wrdreg $0x0  }
0xaf: {  	s7 =	sshll.u32 s28, $0x1;
	[dreg:$0x2] =	wrdreg s5  }
0xb0: {  	[dreg:$0x3] =	wrdreg s7  }
0xb1: {  	[dreg:$0x4] =	wrdreg $0xC0  }
0xb2: {  	_ =	task [dreg:s9], $0x5FFFF  }
0xb3: {  	[dreg:$0x1] =	wrdreg $0xFFFFFFFF  }
0xb4: {  	[dreg:$0x0] =	wrdreg $0x60  }
0xb5: {  	[dreg:$0x2] =	wrdreg s24  }
0xb6: {  	[dreg:$0x3] =	wrdreg s15  }
0xb7: {  	[dreg:$0x4] =	wrdreg s4  }
0xb8: {  	[dreg:$0x5] =	wrdreg s16  }
0xb9: {  	[dreg:$0x6] =	wrdreg $0x91800  }
0xba: {  	[dreg:$0x7] =	wrdreg $0x9  }
0xbb: {  	_ =	task.clear_ibuf [dreg:s9], $0x8FFFF;
	_ =	strace $0x90000046  }
0xbc: {  	s29 =	simm.s32 $0x9;
	_ =	strace $0x80000048  }
0xbd: {  	_ =	swait.ge [sflag:s29], $0x1  }
0xbe: {  	[sflag:s29] =	ssyncadd.s32 $0xFFFFFFFF  }
0xbf: {  	_ =	strace $0x90000048  }
0xc0: {  	_ =	sfence  }
0xc1: {  	s30 =	sld [smem:$0x0];
	_ =	sdelay $0x2  }
0xc2: {  	s31 =	sshll.u32 s1, $0xD;
	s1 =	sshrl.u32 s1, $0x2  }
0xc3: {  	s3 =	sand.u32 $0x4000, s31;
	s1 =	sadd.s32 s1, s30  }
0xc4: {  	s0 =	sor.u32 s3, s0;
	s1 =	sshll.u32 s1, $0x11  }
0xc5: {  	s0 =	sor.u32 s1, s0  }
0xc6: {  	s0 =	sadd.s32 $0x8F2B, s0  }
0xc7: {  	[sflag:s0] =	ssyncadd.remote.s32 $0x1  }
0xc8: {  	_ =	sfence.sel $0xFFFF  }
0xc9: {  	[dreg:$0x0] =	wrdreg $0xFFFFFFFF;
	(pc) =	sbr.abs _section_cstart, $3  }
0xca: {  	[dreg:$0x1] =	wrdreg $0xFFFFFFFF  }
0xcb: {  	_ =	task.clear_ibuf [dreg:s9], $0x2FFFF;
	_ =	strace $0x9FFFFFFF  }
0xcc: {  	(tm) =	ssettm $0x7FFFFFFF  }
0xcd: {  	_ =	shalt  }
tec
execute0_lowered:
.L_overlay_start_1:
0x0: {  	(tag) =	ssettag $0x1  }
0x1: {  	s13 =	rddreg [dreg:$0x0]  }
0x2: {  	s6 =	rddreg [dreg:$0x1]  }
0x3: {  	s11 =	rddreg [dreg:$0x2]  }
0x4: {  	s14 =	rddreg [dreg:$0x3]  }
0x5: {  	s2 =	rddreg [dreg:$0x4];
	s3 =	srdreg.scid  }
0x6: {  	s0 =	rddreg [dreg:$0x5];
	s1 =	stileid.u32  }
0x7: {  	s16 =	sand.u32 $0x1, s3;
	s3 =	simm.s32 $0x0;
	s4 =	sshll.u32 s1, $0xD  }
0x8: {  	s10 =	sshll.u32 s1, $0x10;
	s18 =	sand.u32 $0x1, s1;
	s19 =	sshrl.u32 s1, $0x1  }
0x9: {  	s9 =	sshll.u32 s1, $0x6;
	s5 =	sshll.u32 s16, $0x11;
	[smem:$0x7FF] =	sst s3  }
0xa: {  	s7 =	sadd.s32 s10, s2;
	s12 =	sshll.u32 s16, $0xA;
	s8 =	sshll.u32 s18, $0x5  }
0xb: {  	s10 =	sshll.u32 s19, $0x7;
	s17 =	sshll.u32 s18, $0x8;
	s20 =	sshll.u32 s18, $0xB  }
0xc: {  	s4 =	sor.u32 s5, s4;
	_ =	strace $0x80000047;
	s8 =	sor.u32 s12, s8  }
0xd: {  	s12 =	sshll.u32 s16, $0xC;
	s17 =	sor.u32 $0x80, s17;
	s7 =	sshrl.u32 s7, $0x3  }
0xe: {  	s15 =	sadd.s32 s4, s13;
	s4 =	sor.u32 $0x1C03, s9;
	s8 =	sor.u32 s10, s8  }
0xf: {  	s20 =	sor.u32 s12, s20;
	s21 =	sshll.u32 s17, $0x3;
	s5 =	sadd.s32 $0x42E00, s15  }
0x10: {  	s8 =	sshrl.u32 s8, $0x3;
	s22 =	sor.u32 s10, s20;
	s23 =	sor.u32 s12, s21  }
0x11: {  	s8 =	sadd.s32 s6, s8;
	s6 =	sshrl.u32 s22, $0x3;
	s10 =	sor.u32 s10, s23  }
0x12: {  	[spmem:s7], [sflag:s4] =	dma.local [hbm:s5], $0x2000  }
0x13: {  	[tilespmem:s3], [sflag:$0x1] =	stream.linear.gather [hbm4b:s8+s3], $0x20, $0x38;
	[tilespmem:$0x19180] =	vst v63  }
0x14: {  	s9 =	sadd.s32 s11, s6;
	s24 =	sshrl.u32 s10, $0x3;
	s10 =	simm.s32 $0x1080  }
0x15: {  	[tilespmem:s10], [sflag:$0x1] =	stream.linear.gather [hbm4b:s9+s3], $0x80, $0x38;
	[tilespmem:$0x19180] =	vst v63  }
0x16: {  	s12 =	simm.s32 $0x1100;
	s6 =	simm.s32 $0x1;
	s11 =	sadd.s32 s11, s24  }
0x17: {  	[tilespmem:s12], [sflag:$0x1] =	stream.linear.gather [hbm4b:s11+s3], $0x80, $0x38;
	[tilespmem:$0x19180] =	vst v63  }
0x18: {  	_ =	swait.ge [sflag:s6], $0x20  }
0x19: {  	[sflag:s6] =	ssyncset.done $0x0  }
0x1a: {  	[sflag:s6] =	ssyncadd.s32 $0xFFFFFFE0  }
0x1b: {  	_ =	swait.ge [sflag:s6], $0x80  }
0x1c: {  	[sflag:s6] =	ssyncset.done $0x0  }
0x1d: {  	[sflag:s6] =	ssyncadd.s32 $0xFFFFFF80  }
0x1e: {  	_ =	swait.ge [sflag:s6], $0x80  }
0x1f: {  	[sflag:s6] =	ssyncset.done $0x0  }
0x20: {  	[sflag:s6] =	ssyncadd.s32 $0xFFFFFF80  }
0x21: {  	v1 =	vld [tilespmem:$0x10]  }
0x22: {  	v2 =	vld [tilespmem:$0x1130]  }
0x23: {  	v3 =	vld [tilespmem:$0x10D0]  }
0x24: {  	v4 =	vld [tilespmem:$0x10B0]  }
0x25: {  	v5 =	vld [tilespmem:$0x1090]  }
0x26: {  	v6 =	vld [tilespmem:$0x1080]  }
0x27: {  	v7 =	vld [tilespmem:$0x10A0]  }
0x28: {  	v8 =	vld [tilespmem:$0x1170]  }
0x29: {  	v9 =	vld [tilespmem:$0x10C0]  }
0x2a: {  	v10 =	vld [tilespmem:$0x1110]  }
0x2b: {  	v11 =	vld [tilespmem:$0x10E0]  }
0x2c: {  	v13 =	vld [tilespmem:$0x1100]  }
0x2d: {  	s25 =	sshll.u32 s16, $0xD;
	v56 =	vld [tilespmem:$0x1120]  }
0x2e: {  	v0 =	vmov s25;
	v59 =	vld [tilespmem:$0x0]  }
0x2f: {  	v1 =	vsub.s32 v1, v0;
	v2 =	vsub.s32 v2, v0;
	v3 =	vsub.s32 v3, v0  }
0x30: {  	v4 =	vsub.s32 v4, v0;
	v5 =	vsub.s32 v5, v0;
	v6 =	vsub.s32 v6, v0  }
0x31: {  	v7 =	vsub.s32 v7, v0;
	v8 =	vsub.s32 v8, v0;
	v9 =	vsub.s32 v9, v0  }
0x32: {  	v10 =	vsub.s32 v10, v0;
	v57 =	vsub.s32 v11, v0;
	v58 =	vsub.s32 v13, v0  }
0x33: {  	v61 =	vsub.s32 v56, v0;
	v63 =	vsub.s32 v59, v0;
	vm0 =	vgt.s32 v1, $0x0  }
0x34: {  	vm1 =	vgt.s32 v2, $0x0;
	vm13 =	vgt.s32 v3, $0x0;
	vm14 =	vgt.s32 v4, $0x0  }
0x35: {  	vm15 =	vgt.s32 v5, $0x0;
	vm4 =	vgt.s32 v6, $0x0;
	v1 =	vnsel vm0, $0x0, v1  }
0x36: {  	vm2 =	vgt.s32 v8, $0x0;
	v2 =	vnsel vm1, $0x0, v2;
	v1 =	vmin.u32 v1, $0x1FFF  }
0x37: {  	vm5 =	vgt.s32 v7, $0x0;
	v8 =	vnsel vm2, $0x0, v8;
	v2 =	vmin.u32 v2, $0x1FFF;
	[tilespmem:$0x10] =	vst v1  }
0x38: {  	vm6 =	vgt.s32 v9, $0x0;
	v4 =	vnsel vm14, $0x0, v4;
	v8 =	vmin.u32 v8, $0x1FFF;
	[tilespmem:$0x1130] =	vst v2  }
0x39: {  	vm7 =	vgt.s32 v10, $0x0;
	v3 =	vnsel vm13, $0x0, v3;
	v4 =	vmin.u32 v4, $0x1FFF;
	[tilespmem:$0x1170] =	vst v8  }
0x3a: {  	v55 =	vld [tilespmem:$0x1140];
	vm8 =	vgt.s32 v57, $0x0;
	v5 =	vnsel vm15, $0x0, v5;
	v3 =	vmin.u32 v3, $0x1FFF;
	[tilespmem:$0x10B0] =	vst v4  }
0x3b: {  	v12 =	vld [tilespmem:$0x10F0];
	vm9 =	vgt.s32 v58, $0x0;
	v5 =	vmin.u32 v5, $0x1FFF;
	v1 =	vnsel vm5, $0x0, v7;
	[tilespmem:$0x10D0] =	vst v3  }
0x3c: {  	vm11 =	vgt.s32 v61, $0x0;
	v2 =	vnsel vm6, $0x0, v9;
	[tilespmem:$0x1090] =	vst v5;
	v1 =	vmin.u32 v1, $0x1FFF  }
0x3d: {  	v60 =	vld [tilespmem:$0x1160];
	v6 =	vnsel vm4, $0x0, v6;
	[tilespmem:$0x10A0] =	vst v1;
	v1 =	vmin.u32 v2, $0x1FFF;
	v2 =	vnsel vm7, $0x0, v10  }
0x3e: {  	v11 =	vnsel vm9, $0x0, v58;
	vm13 =	vgt.s32 v63, $0x0;
	[tilespmem:$0x10C0] =	vst v1;
	v1 =	vmin.u32 v2, $0x1FFF  }
0x3f: {  	v62 =	vmin.u32 v11, $0x1FFF;
	v7 =	vsub.s32 v55, v0;
	v3 =	vmin.u32 v6, $0x1FFF;
	[tilespmem:$0x1110] =	vst v1;
	v1 =	vld [tilespmem:$0x1150]  }
0x40: {  	vm10 =	vgt.s32 v7, $0x0;
	[tilespmem:$0x1080] =	vst v3;
	v3 =	vnsel vm11, $0x0, v61;
	v2 =	vsub.s32 v12, v0  }
0x41: {  	[tilespmem:$0x1100] =	vst v62;
	v7 =	vnsel vm10, $0x0, v7;
	v3 =	vmin.u32 v3, $0x1FFF;
	vm12 =	vgt.s32 v2, $0x0  }
0x42: {  	v4 =	vsub.s32 v60, v0;
	v7 =	vmin.u32 v7, $0x1FFF;
	[tilespmem:$0x1120] =	vst v3;
	v2 =	vnsel vm12, $0x0, v2  }
0x43: {  	vm15 =	vgt.s32 v4, $0x0;
	v10 =	vnsel vm8, $0x0, v57;
	[tilespmem:$0x1140] =	vst v7;
	v2 =	vmin.u32 v2, $0x1FFF  }
0x44: {  	s26 =	sshll.u32 s16, $0x3;
	s30 =	sshll.u32 s18, $0xF;
	s18 =	sshll.u32 s18, $0x9;
	v3 =	vmin.u32 v10, $0x1FFF;
	[tilespmem:$0x10F0] =	vst v2;
	v2 =	vnsel vm13, $0x0, v63;
	v1 =	vsub.s32 v1, v0  }
0x45: {  	s28 =	ssub.s32 $0x2, s16;
	s19 =	sor.u32 s19, s26;
	s14 =	sadd.s32 s14, s18;
	[tilespmem:$0x10E0] =	vst v3;
	v3 =	vnsel vm15, $0x0, v4;
	v2 =	vmin.u32 v2, $0x1FFF;
	vm14 =	vgt.s32 v1, $0x0  }
0x46: {  	s29 =	sshll.u32 s19, $0x10;
	s17 =	sshll.u32 s17, $0x7;
	s21 =	sadd.s32 $0x82E00, s13;
	[tilespmem:$0x0] =	vst v2;
	v2 =	vmin.u32 v3, $0x1FFF;
	v1 =	vnsel vm14, $0x0, v1  }
0x47: {  	s20 =	sor.u32 s30, s29;
	s17 =	sor.u32 s29, s17;
	s13 =	simm.s32 $0x3;
	[tilespmem:$0x1160] =	vst v2;
	v1 =	vmin.u32 v1, $0x1FFF  }
0x48: {  	s18 =	sadd.s32 $0x2E00, s15;
	s15 =	simm.s32 $0x80;
	s22 =	sshrl.u32 s28, $0x1;
	[tilespmem:$0x1150] =	vst v1  }
0x49: {  	s31 =	sshrl.u32 s20, $0x3;
	s17 =	sshrl.u32 s17, $0x3;
	_ =	swait.ge [sflag:s13], $0x2000  }
0x4a: {  	s22 =	ssub.s32 s28, s22;
	s16 =	sadd.s32 s21, s31;
	[sflag:s13] =	ssyncset.done $0x0  }
0x4b: {  	s17 =	sadd.s32 s21, s17;
	s24 =	smax.u32 s22, $0x1;
	[sflag:s13] =	ssyncadd.s32 $0xFFFFE000  }
0x4c: {  	s21 =	simm.s32 $0x1180;
	p0 =	sne.s32 s24, $0x1;
	[bflag:$0x0] =	sbarrier.arrive $0xFFFF  }
0x4d: {  	[tilespmem:s21], [sflag:$0x2] =	stream.indirect.gather [spmem:s2], $0x80, s10, s15, $0xb8;
	[tilespmem:$0x19180] =	vst v63  }
.Ltmp0:
0x4e: {  	_ = 	snop;
	(pc) =	sbr.rel @!p0 .LBB2_2-.Ltmp0, $4  }
0x4f: {  	s19 =	sshll.u32 s19, $0xA;
	s23 =	simm.s32 $0x2;
	s22 =	simm.s32 $0x5180  }
0x50: {  	[tilespmem:s22], [sflag:$0x2] =	stream.indirect.gather [spmem:s2], $0x80, s12, s15, $0xb8;
	[tilespmem:$0x19180] =	vst v63  }
0x51: {  	s14 =	sadd.s32 s19, s14;
	s19 =	simm.s32 $0x20;
	_ =	swait.ge [sflag:s23], $0x4000  }
0x52: {  	s20 =	simm.s32 $0x4;
	s24 =	sadd.s32 $0xFFFFFFFF, s24;
	[sflag:s23] =	ssyncset.done $0x0  }
.LBB2_1:
0x53: {  	p0 =	sne.s32 s24, $0x1;
	s24 =	sadd.s32 $0xFFFFFFFF, s24;
	[sflag:s23] =	ssyncadd.s32 $0xFFFFC000  }
0x54: {  	[hbm4b:s16+s3] =	stream.linear.scatter [tilespmem:s21], [sflag:$0x1], $0x4000, $0x38;
	[tilespmem:$0x19180] =	vst v63  }
0x55: {  	_ =	swait.ge [sflag:s23], $0x4000  }
0x56: {  	[sflag:s23] =	ssyncset.done $0x0  }
0x57: {  	[sflag:s23] =	ssyncadd.s32 $0xFFFFC000  }
0x58: {  	[hbm4b:s17+s3] =	stream.linear.scatter [tilespmem:s22], [sflag:$0x1], $0x4000, $0x38;
	[tilespmem:$0x19180] =	vst v63  }
0x59: {  	[bflag:$0x0] =	sbarrier.arrive $0xFFFF  }
0x5a: {  	[spmem:s7], [sflag:s4] =	dma.local [hbm:s18], $0x2000  }
0x5b: {  	_ =	swait.ge [sflag:s13], $0x2000  }
0x5c: {  	[sflag:s13] =	ssyncset.done $0x0  }
0x5d: {  	[sflag:s13] =	ssyncadd.s32 $0xFFFFE000  }
0x5e: {  	[bflag:$0x0] =	sbarrier.arrive $0xFFFF  }
0x5f: {  	[tilespmem:s15], [sflag:$0x4] =	stream.indirect.gather [spmem:s2], $0x80, s3, s19, $0xb8;
	[tilespmem:$0x19180] =	vst v63  }
0x60: {  	_ =	swait.ge [sflag:s20], $0x1000  }
0x61: {  	[sflag:s20] =	ssyncset.done $0x0  }
0x62: {  	[sflag:s20] =	ssyncadd.s32 $0xFFFFF000  }
0x63: {  	[hbm4b:s14+s3] =	stream.linear.scatter [tilespmem:s15], [sflag:$0x1], $0x1000, $0x38;
	[tilespmem:$0x19180] =	vst v63  }
0x64: {  	_ =	swait.ge [sflag:s6], $0x4000  }
0x65: {  	[sflag:s6] =	ssyncset.done $0x0  }
0x66: {  	[sflag:s6] =	ssyncadd.s32 $0xFFFFC000  }
0x67: {  	_ =	swait.ge [sflag:s6], $0x4000  }
0x68: {  	[sflag:s6] =	ssyncset.done $0x0  }
0x69: {  	[sflag:s6] =	ssyncadd.s32 $0xFFFFC000  }
0x6a: {  	_ =	swait.ge [sflag:s6], $0x1000  }
0x6b: {  	[sflag:s6] =	ssyncset.done $0x0  }
0x6c: {  	[sflag:s6] =	ssyncadd.s32 $0xFFFFF000  }
0x6d: {  	[spmem:s7], [sflag:s4] =	dma.local [hbm:s5], $0x2000  }
0x6e: {  	[tilespmem:s3], [sflag:$0x1] =	stream.linear.gather [hbm4b:s8+s3], $0x20, $0x38;
	[tilespmem:$0x19180] =	vst v63  }
0x6f: {  	_ = 	snop  }
0x70: {  	[tilespmem:s10], [sflag:$0x1] =	stream.linear.gather [hbm4b:s9+s3], $0x80, $0x38;
	[tilespmem:$0x19180] =	vst v63  }
0x71: {  	_ = 	snop  }
0x72: {  	[tilespmem:s12], [sflag:$0x1] =	stream.linear.gather [hbm4b:s11+s3], $0x80, $0x38;
	[tilespmem:$0x19180] =	vst v63  }
0x73: {  	_ =	swait.ge [sflag:s6], $0x20  }
0x74: {  	[sflag:s6] =	ssyncset.done $0x0  }
0x75: {  	[sflag:s6] =	ssyncadd.s32 $0xFFFFFFE0  }
0x76: {  	_ =	swait.ge [sflag:s6], $0x80  }
0x77: {  	[sflag:s6] =	ssyncset.done $0x0  }
0x78: {  	[sflag:s6] =	ssyncadd.s32 $0xFFFFFF80  }
0x79: {  	_ =	swait.ge [sflag:s6], $0x80  }
0x7a: {  	[sflag:s6] =	ssyncset.done $0x0  }
0x7b: {  	[sflag:s6] =	ssyncadd.s32 $0xFFFFFF80  }
0x7c: {  	v1 =	vld [tilespmem:$0x10]  }
0x7d: {  	v2 =	vld [tilespmem:$0x1130]  }
0x7e: {  	v3 =	vld [tilespmem:$0x10A0]  }
0x7f: {  	v4 =	vld [tilespmem:$0x10D0]  }
0x80: {  	v5 =	vld [tilespmem:$0x10B0]  }
0x81: {  	v6 =	vld [tilespmem:$0x1090];
	v1 =	vsub.s32 v1, v0  }
0x82: {  	v7 =	vld [tilespmem:$0x1080];
	v2 =	vsub.s32 v2, v0;
	vm0 =	vgt.s32 v1, $0x0  }
0x83: {  	vm1 =	vgt.s32 v2, $0x0;
	v8 =	vld [tilespmem:$0x1170];
	v1 =	vnsel vm0, $0x0, v1  }
0x84: {  	v9 =	vld [tilespmem:$0x10C0];
	v4 =	vsub.s32 v4, v0;
	v2 =	vnsel vm1, $0x0, v2;
	v1 =	vmin.u32 v1, $0x1FFF  }
0x85: {  	v5 =	vsub.s32 v5, v0;
	vm0 =	vgt.s32 v4, $0x0;
	v10 =	vld [tilespmem:$0x10E0];
	v2 =	vmin.u32 v2, $0x1FFF;
	[tilespmem:$0x10] =	vst v1  }
0x86: {  	v1 =	vsub.s32 v6, v0;
	vm1 =	vgt.s32 v5, $0x0;
	v4 =	vnsel vm0, $0x0, v4;
	v6 =	vld [tilespmem:$0x10F0];
	[tilespmem:$0x1130] =	vst v2  }
0x87: {  	v2 =	vsub.s32 v7, v0;
	vm0 =	vgt.s32 v1, $0x0;
	v5 =	vnsel vm1, $0x0, v5;
	v7 =	vld [tilespmem:$0x1100]  }
0x88: {  	v3 =	vsub.s32 v3, v0;
	vm1 =	vgt.s32 v2, $0x0;
	v11 =	vld [tilespmem:$0x1110];
	v8 =	vsub.s32 v8, v0  }
0x89: {  	v2 =	vnsel vm1, $0x0, v2;
	vm1 =	vgt.s32 v3, $0x0;
	v12 =	vld [tilespmem:$0x1120];
	vm2 =	vgt.s32 v8, $0x0  }
0x8a: {  	v5 =	vmin.u32 v5, $0x1FFF;
	v9 =	vsub.s32 v9, v0;
	v3 =	vnsel vm1, $0x0, v3;
	v13 =	vld [tilespmem:$0x1140]  }
0x8b: {  	vm1 =	vgt.s32 v9, $0x0;
	v8 =	vnsel vm2, $0x0, v8;
	v3 =	vmin.u32 v3, $0x1FFF;
	v14 =	vld [tilespmem:$0x1150]  }
0x8c: {  	v6 =	vsub.s32 v6, v0;
	[tilespmem:$0x10A0] =	vst v3;
	v3 =	vnsel vm1, $0x0, v9;
	v9 =	vsub.s32 v10, v0;
	v10 =	vld [tilespmem:$0x1160]  }
0x8d: {  	v3 =	vmin.u32 v3, $0x1FFF;
	vm1 =	vgt.s32 v9, $0x0;
	v11 =	vsub.s32 v11, v0;
	v15 =	vld [tilespmem:$0x0]  }
0x8e: {  	[tilespmem:$0x10C0] =	vst v3;
	v3 =	vsub.s32 v7, v0;
	vm2 =	vgt.s32 v11, $0x0;
	v7 =	vmin.u32 v8, $0x1FFF  }
0x8f: {  	vm3 =	vgt.s32 v3, $0x0;
	v8 =	vnsel vm2, $0x0, v11;
	v11 =	vsub.s32 v13, v0  }
0x90: {  	v3 =	vnsel vm3, $0x0, v3;
	v8 =	vmin.u32 v8, $0x1FFF;
	vm2 =	vgt.s32 v11, $0x0  }
0x91: {  	v9 =	vnsel vm1, $0x0, v9;
	v3 =	vmin.u32 v3, $0x1FFF;
	[tilespmem:$0x1110] =	vst v8;
	v8 =	vsub.s32 v14, v0  }
0x92: {  	v1 =	vnsel vm0, $0x0, v1;
	v2 =	vmin.u32 v2, $0x1FFF;
	v12 =	vsub.s32 v12, v0;
	[tilespmem:$0x1170] =	vst v7  }
0x93: {  	v4 =	vmin.u32 v4, $0x1FFF;
	v1 =	vmin.u32 v1, $0x1FFF;
	[tilespmem:$0x10B0] =	vst v5;
	v5 =	vsub.s32 v10, v0  }
0x94: {  	vm0 =	vgt.s32 v12, $0x0;
	[tilespmem:$0x10D0] =	vst v4;
	v4 =	vnsel vm2, $0x0, v11;
	vm1 =	vgt.s32 v5, $0x0  }
0x95: {  	[tilespmem:$0x1090] =	vst v1;
	v1 =	vnsel vm0, $0x0, v12;
	v4 =	vmin.u32 v4, $0x1FFF;
	v5 =	vnsel vm1, $0x0, v5  }
0x96: {  	vm0 =	vgt.s32 v8, $0x0;
	[tilespmem:$0x1080] =	vst v2;
	v1 =	vmin.u32 v1, $0x1FFF;
	v2 =	vmin.u32 v5, $0x1FFF  }
0x97: {  	vm1 =	vgt.s32 v6, $0x0;
	v5 =	vmin.u32 v9, $0x1FFF;
	[tilespmem:$0x1140] =	vst v4;
	v4 =	vnsel vm0, $0x0, v8  }
0x98: {  	v6 =	vnsel vm1, $0x0, v6;
	[tilespmem:$0x1100] =	vst v3;
	v3 =	vmin.u32 v4, $0x1FFF;
	v4 =	vsub.s32 v15, v0  }
0x99: {  	v6 =	vmin.u32 v6, $0x1FFF;
	[tilespmem:$0x1120] =	vst v1;
	vm0 =	vgt.s32 v4, $0x0  }
0x9a: {  	[tilespmem:$0x10F0] =	vst v6;
	v1 =	vnsel vm0, $0x0, v4  }
0x9b: {  	[tilespmem:$0x10E0] =	vst v5;
	v1 =	vmin.u32 v1, $0x1FFF  }
0x9c: {  	[tilespmem:$0x0] =	vst v1  }
0x9d: {  	[tilespmem:$0x1150] =	vst v3  }
0x9e: {  	[tilespmem:$0x1160] =	vst v2  }
0x9f: {  	_ =	swait.ge [sflag:s13], $0x2000  }
0xa0: {  	[sflag:s13] =	ssyncset.done $0x0  }
0xa1: {  	[sflag:s13] =	ssyncadd.s32 $0xFFFFE000  }
0xa2: {  	[bflag:$0x0] =	sbarrier.arrive $0xFFFF  }
0xa3: {  	[tilespmem:s21], [sflag:$0x2] =	stream.indirect.gather [spmem:s2], $0x80, s10, s15, $0xb8;
	[tilespmem:$0x19180] =	vst v63  }
.Ltmp1:
0xa4: {  	_ = 	snop;
	(pc) =	sbr.rel @p0 .LBB2_1-.Ltmp1, $4  }
0xa5: {  	_ = 	snop  }
0xa6: {  	[tilespmem:s22], [sflag:$0x2] =	stream.indirect.gather [spmem:s2], $0x80, s12, s15, $0xb8;
	[tilespmem:$0x19180] =	vst v63  }
0xa7: {  	_ =	swait.ge [sflag:s23], $0x4000  }
0xa8: {  	[sflag:s23] =	ssyncset.done $0x0  }
.LBB2_2:
0xa9: {  	[sflag:s23] =	ssyncadd.s32 $0xFFFFC000  }
0xaa: {  	[hbm4b:s16+s3] =	stream.linear.scatter [tilespmem:s21], [sflag:$0x1], $0x4000, $0x38;
	[tilespmem:$0x19180] =	vst v63  }
0xab: {  	_ =	swait.ge [sflag:s23], $0x4000  }
0xac: {  	[sflag:s23] =	ssyncset.done $0x0  }
0xad: {  	[sflag:s23] =	ssyncadd.s32 $0xFFFFC000  }
0xae: {  	[hbm4b:s17+s3] =	stream.linear.scatter [tilespmem:s22], [sflag:$0x1], $0x4000, $0x38;
	[tilespmem:$0x19180] =	vst v63  }
0xaf: {  	[bflag:$0x0] =	sbarrier.arrive $0xFFFF  }
0xb0: {  	[spmem:s7], [sflag:s4] =	dma.local [hbm:s18], $0x2000  }
0xb1: {  	_ =	swait.ge [sflag:s13], $0x2000  }
0xb2: {  	[sflag:s13] =	ssyncset.done $0x0  }
0xb3: {  	[sflag:s13] =	ssyncadd.s32 $0xFFFFE000  }
0xb4: {  	[bflag:$0x0] =	sbarrier.arrive $0xFFFF  }
0xb5: {  	[tilespmem:s15], [sflag:$0x4] =	stream.indirect.gather [spmem:s2], $0x80, s3, s19, $0xb8;
	[tilespmem:$0x19180] =	vst v63  }
0xb6: {  	_ =	swait.ge [sflag:s20], $0x1000  }
0xb7: {  	[sflag:s20] =	ssyncset.done $0x0  }
0xb8: {  	[sflag:s20] =	ssyncadd.s32 $0xFFFFF000  }
0xb9: {  	[hbm4b:s14+s3] =	stream.linear.scatter [tilespmem:s15], [sflag:$0x1], $0x1000, $0x38;
	[tilespmem:$0x19180] =	vst v63  }
0xba: {  	_ =	swait.ge [sflag:s6], $0x4000  }
0xbb: {  	[sflag:s6] =	ssyncset.done $0x0  }
0xbc: {  	[sflag:s6] =	ssyncadd.s32 $0xFFFFC000  }
0xbd: {  	_ =	swait.ge [sflag:s6], $0x4000  }
0xbe: {  	[sflag:s6] =	ssyncset.done $0x0  }
0xbf: {  	[sflag:s6] =	ssyncadd.s32 $0xFFFFC000  }
0xc0: {  	_ =	swait.ge [sflag:s6], $0x1000  }
0xc1: {  	[sflag:s6] =	ssyncset.done $0x0  }
0xc2: {  	[sflag:s6] =	ssyncadd.s32 $0xFFFFF000  }
0xc3: {  	_ =	sfence.sel $0x180000  }
0xc4: {  	[bflag:$0x0] =	sbarrier.arrive $0xFFFF  }
0xc5: {  	p0 =	sne.s32 s1, $0x0;
	_ =	strace $0x90000047  }
0xc6: {  	s0 =	sadd.s32 @!p0 $0x100000, s0;
	[bflag:$0x2] =	sbarrier.arrive $0xFFFF  }
0xc7: {  	[sflag:s0] =	ssyncadd.tile.s32 @!p0 $0x1;
	_ =	shalt  }
.Lfunc_end2:
_tile_overlayer_lowered:
.L_overlay_start_2:
0xc8: {  	(tag) =	ssettag $0x2  }
0xc9: {  	s0 =	rddreg [dreg:$0x0];
	s2 =	stileid.u32  }
0xca: {  	s1 =	rddreg [dreg:$0x1];
	p0 =	sne.s32 s2, $0x0  }
0xcb: {  	s3 =	rddreg [dreg:$0x2];
	[bflag:$0x3] =	sbarrier.arrive $0xFFFF;
	s2 =	simm.s32 @!p0 $0x1C05  }
0xcc: {  	[timem:s3], [sflag:s2] =	dma.local @!p0 [hbm:s0], s1  }
0xcd: {  	s0 =	simm.s32 @!p0 $0x5  }
0xce: {  	_ =	swait.ge @!p0 [sflag:s0], s1  }
0xcf: {  	s1 =	ssub.s32 @!p0 $0x0, s1;
	[sflag:s0] =	ssyncset.done @!p0 $0x0  }
0xd0: {  	[sflag:s0] =	ssyncadd.s32 @!p0 s1  }
0xd1: {  	[bflag:$0x3] =	sbarrier.arrive $0xFFFF  }
0xd2: {  	_ =	shalt  }

// kernel: kernel.9.cloned.1.call-start
scs
__scs_entry_jumppad:
0x0: {  	(pc) =	sbr.rel $0x88, $3  }
0x1: {  	(tag) =	ssettag $0x0;
	lr =	simm.s32 $0x1  }
0x2: {  	[smem:$0x3F96] =	sst lr;
	_ =	strace $0xD0000000  }
0x3: {  	_ = 	snop  }
0x4: {  	_ = 	snop  }
0x5: {  	_ = 	snop  }
0x6: {  	_ = 	snop  }
0x7: {  	_ = 	snop  }
__scs_overlays_trampoline_lowered:
0x8: {  	[smem:$0x3FA5] =	sst s0  }
0x9: {  	[smem:$0x3FA6] =	sst s1  }
0xa: {  	[smem:$0x3FA7] =	sst s2  }
0xb: {  	[smem:$0x3FA8] =	sst s3  }
0xc: {  	[smem:$0x3FA9] =	sst s4  }
0xd: {  	[smem:$0x3FAA] =	sst s5  }
0xe: {  	[smem:$0x3FAB] =	sst s6  }
0xf: {  	[smem:$0x3FAC] =	sst s7  }
0x10: {  	[smem:$0x3FAD] =	sst s8  }
0x11: {  	[smem:$0x3FAE] =	sst s9;
	s0 =	simm.s32 @!p0 $0x0  }
0x12: {  	s1 =	sld [smem:$0x3F94];
	s0 =	simm.s32 @p0 $0x1  }
0x13: {  	[smem:$0x3FAF] =	sst s0;
	s0 =	simm.s32 @!p1 $0x0  }
0x14: {  	s2 =	sld [smem:$0x3F93];
	s0 =	simm.s32 @p1 $0x1  }
0x15: {  	[smem:$0x3FB0] =	sst s0;
	s0 =	simm.s32 @!p2 $0x0  }
0x16: {  	s3 =	sld [smem:$0x3FDB];
	s0 =	simm.s32 @p2 $0x1  }
0x17: {  	s4 =	simm.s32 $0x1BF5;
	[smem:$0x3FB2] =	sst s0  }
0x18: {  	s0 =	sld [smem:$0x3F95];
	_ =	swait.ge [sflag:s4], $0x0  }
0x19: {  	s7 =	sld [smem:$0x3F96]  }
0x1a: {  	s8 =	sadd.s32 $0xFFFFE003, lr  }
0x1b: {  	s9 =	sadd.s32 $0xFFFFFEF7, lr;
	s5 =	simm.s32 $0xFFFFFFFF;
	p2 =	slt.u32 s8, $0xFFFFF086  }
0x1c: {  	p1 =	slt.u32 s9, $0xF7A;
	s5 =	simm.s32 @!p2 $0x0  }
0x1d: {  	s5 =	simm.s32 @p1 $0x1;
	p0 =	seq.s32 s7, s2  }
0x1e: {  	s7 =	smul.u32 @!p0 $0xF7A, s2;
	p2 =	seq.s32 @!p0 s5, $0x0  }
0x1f: {  	s9 =	smul.u32 $0xF7A, s1;
	s8 =	simm.s32 @!p0 $0x1BF5;
	p2 =	por !p2, p0  }
0x20: {  	[sflag:s8] =	ssyncset.s32 @!p0 $0xFFFFF086;
	s6 =	sadd.s32 @!p0 s3, s7;
	s7 =	simm.s32 @!p0 $0x108  }
0x21: {  	s3 =	sadd.s32 s3, s9;
	s6 =	sadd.s32 @!p0 $0x88, s6;
	s7 =	simm.s32 @p2 $0x1082  }
0x22: {  	[simem:s7], [sflag:s8] =	dma.local @!p0 [hbm:s6], $0xF7A  }
0x23: {  	s9 =	sor.u32 $0xD0000000, s2;
	s6 =	simm.s32 $0x108;
	_ =	swait.ge @!p0 [sflag:s8], $0x0  }
0x24: {  	s3 =	sadd.s32 $0x88, s3;
	s6 =	simm.s32 @!p1 $0x1082;
	[sflag:s4] =	ssyncset.s32 $0xFFFFF086  }
0x25: {  	[simem:s6], [sflag:s4] =	dma.local [hbm:s3], $0xF7A  }
0x26: {  	[smem:$0x3F96] =	sst s1;
	(tag) =	ssettag s2;
	_ =	strace s9  }
0x27: {  	s1 =	sld [smem:$0x3FA6]  }
0x28: {  	s2 =	sld [smem:$0x3FA7]  }
0x29: {  	s4 =	sld [smem:$0x3FA9]  }
0x2a: {  	p0 =	seq.s32 s5, $0x0;
	s5 =	sld [smem:$0x3FAA]  }
0x2b: {  	s6 =	sld [smem:$0x3FAB]  }
0x2c: {  	s7 =	sld [smem:$0x3FAC]  }
0x2d: {  	s3 =	simm.s32 $0x108;
	s8 =	sld [smem:$0x3FAD]  }
0x2e: {  	s3 =	simm.s32 @!p0 $0x1082;
	s9 =	sld [smem:$0x3FAE]  }
0x2f: {  	lr =	sadd.s32 s0, s3;
	s0 =	sld [smem:$0x3FA5]  }
0x30: {  	s3 =	sld [smem:$0x3FA8]  }
0x31: {  	[smem:$0x3FB1] =	sst s10  }
0x32: {  	s10 =	sld [smem:$0x3FAF];
	_ =	sdelay $0x3  }
0x33: {  	p0 =	seq.s32 s10, $0x1;
	s10 =	sld [smem:$0x3FB1];
	_ =	sdelay $0x3  }
0x34: {  	[smem:$0x3FB1] =	sst s10  }
0x35: {  	s10 =	sld [smem:$0x3FB0];
	_ =	sdelay $0x3  }
0x36: {  	p1 =	seq.s32 s10, $0x1;
	s10 =	sld [smem:$0x3FB1];
	_ =	sdelay $0x3  }
0x37: {  	[smem:$0x3FB1] =	sst s10  }
0x38: {  	s10 =	sld [smem:$0x3FB2]  }
0x39: {  	_ = 	snop;
	(pc) =	sbr.ind lr, $3  }
0x3a: {  	_ = 	snop  }
0x3b: {  	_ = 	snop  }
0x3c: {  	p2 =	seq.s32 s10, $0x1;
	s10 =	sld [smem:$0x3FB1]  }
0x3d: {  	_ =	shalt  }
0x3e: {  	_ =	shalt  }
0x3f: {  	_ =	shalt  }
0x40: {  	_ =	shalt  }
0x41: {  	_ =	shalt  }
0x42: {  	_ =	shalt  }
0x43: {  	_ =	shalt  }
0x44: {  	_ =	shalt  }
0x45: {  	_ =	shalt  }
0x46: {  	_ =	shalt  }
0x47: {  	_ =	shalt  }
0x48: {  	_ =	shalt  }
0x49: {  	_ =	shalt  }
0x4a: {  	_ =	shalt  }
0x4b: {  	_ =	shalt  }
0x4c: {  	_ =	shalt  }
0x4d: {  	_ =	shalt  }
0x4e: {  	_ =	shalt  }
0x4f: {  	_ =	shalt  }
0x50: {  	_ =	shalt  }
0x51: {  	_ =	shalt  }
0x52: {  	_ =	shalt  }
0x53: {  	_ =	shalt  }
0x54: {  	_ =	shalt  }
0x55: {  	_ =	shalt  }
0x56: {  	_ =	shalt  }
0x57: {  	_ =	shalt  }
0x58: {  	_ =	shalt  }
0x59: {  	_ =	shalt  }
0x5a: {  	_ =	shalt  }
0x5b: {  	_ =	shalt  }
0x5c: {  	_ =	shalt  }
0x5d: {  	_ =	shalt  }
0x5e: {  	_ =	shalt  }
0x5f: {  	_ =	shalt  }
0x60: {  	_ =	shalt  }
0x61: {  	_ =	shalt  }
0x62: {  	_ =	shalt  }
0x63: {  	_ =	shalt  }
0x64: {  	_ =	shalt  }
0x65: {  	_ =	shalt  }
0x66: {  	_ =	shalt  }
0x67: {  	_ =	shalt  }
0x68: {  	_ =	shalt  }
0x69: {  	_ =	shalt  }
0x6a: {  	_ =	shalt  }
0x6b: {  	_ =	shalt  }
0x6c: {  	_ =	shalt  }
0x6d: {  	_ =	shalt  }
0x6e: {  	_ =	shalt  }
0x6f: {  	_ =	shalt  }
0x70: {  	_ =	shalt  }
0x71: {  	_ =	shalt  }
0x72: {  	_ =	shalt  }
0x73: {  	_ =	shalt  }
0x74: {  	_ =	shalt  }
0x75: {  	_ =	shalt  }
0x76: {  	_ =	shalt  }
0x77: {  	_ =	shalt  }
0x78: {  	_ =	shalt  }
0x79: {  	_ =	shalt  }
0x7a: {  	_ =	shalt  }
0x7b: {  	_ =	shalt  }
0x7c: {  	_ =	shalt  }
0x7d: {  	_ =	shalt  }
0x7e: {  	_ =	shalt  }
0x7f: {  	_ =	shalt  }
0x80: {  	_ =	shalt  }
0x81: {  	_ =	shalt  }
0x82: {  	_ =	shalt  }
0x83: {  	_ =	shalt  }
0x84: {  	_ =	shalt  }
0x85: {  	_ =	shalt  }
0x86: {  	_ =	shalt  }
0x87: {  	_ =	shalt  }
.Lfunc_end0:
.L_simem_size_0:
called_computation.1_lowered:
.L_overlay_start_0:
0x88: {  	s2 =	sld [smem:$0x3FD9]  }
0x89: {  	s3 =	sld [smem:$0x3FFE];
	_ =	sdelay $0x1  }
0x8a: {  	s1 =	srdreg.scid  }
0x8b: {  	s0 =	sand.u32 $0x1, s1  }
0x8c: {  	s14 =	sshll.u32 s0, $0xA;
	s2 =	sadd.s32 s3, s2  }
0x8d: {  	s2 =	sadd.s32 s2, s14  }
0x8e: {  	[smem:$0x3FBD] =	sst s2  }
0x8f: {  	_ = 	snop  }
0x90: {  	s2 =	sld [smem:$0x3FD0];
	_ =	sdelay $0x1  }
0x91: {  	s15 =	sld [smem:$0x3FC0]  }
0x92: {  	s5 =	simm.s32 $0xA;
	s6 =	simm.s32 $0x10;
	s4 =	sld [smem:$0x3FBF]  }
0x93: {  	[smem:s6], [sflag:s5] =	dma.local [hbm:s2], $0x1  }
0x94: {  	_ =	swait.eq [sflag:s5], $0x1  }
0x95: {  	s16 =	sld [smem:$0x10];
	[sflag:s5] =	ssyncset.done $0x0  }
0x96: {  	s17 =	sld [smem:$0x12];
	[sflag:s5] =	ssyncadd.s32 $0xFFFFFFFF  }
0x97: {  	s18 =	sld [smem:$0x13];
	(tm) =	ssettm $0x1  }
0x98: {  	s7 =	sld [smem:$0x3FFB];
	_ =	sdelay $0x3  }
0x99: {  	_ =	strace s7  }
0x9a: {  	s7 =	sld [smem:$0x3FFC];
	_ =	sdelay $0x3  }
0x9b: {  	_ =	strace s7  }
0x9c: {  	s7 =	sld [smem:$0x3FFD];
	_ =	sdelay $0x3  }
0x9d: {  	_ =	strace s7  }
0x9e: {  	_ =	strace $0x8FFFFFFF  }
0x9f: {  	s19 =	sld [smem:$0x3FDB];
	_ =	sdelay $0x1  }
0xa0: {  	s8 =	simm.s32 $_scs_section_size  }
0xa1: {  	s9 =	simm.s32 $_size__tile_overlayer_lowered;
	s10 =	simm.s32 $_tile_overlayer_lowered  }
0xa2: {  	s22 =	simm.s32 $0x1BFF;
	s21 =	sshll.u32 s10, $0x1;
	s7 =	sadd.s32 s8, s19  }
0xa3: {  	s11 =	simm.s32 $0x0;
	s20 =	sshll.u32 s9, $0x1;
	s9 =	sadd.s32 s21, s7  }
0xa4: {  	[timem:s11], [sflag:s22] =	dma.local [hbm:s9], s20  }
0xa5: {  	_ =	swait.ge [sflag:s22], s20  }
0xa6: {  	s8 =	ssub.s32 $0x0, s20;
	[sflag:s22] =	ssyncset.done $0x0  }
0xa7: {  	[sflag:s22] =	ssyncadd.s32 s8;
	_ =	sdelay $0x1  }
0xa8: {  	s23 =	simm.s32 $0x1B8B  }
0xa9: {  	_ =	swait.ge [sflag:s23], $0x1  }
0xaa: {  	[sflag:s23] =	ssyncset.done $0x0  }
0xab: {  	s25 =	simm.s32 $0x1B8E;
	s24 =	sld [smem:$0x3FFE];
	[sflag:s23] =	ssyncadd.s32 $0xFFFFFFFF  }
0xac: {  	s26 =	simm.s32 $execute0_lowered;
	[smem:$0x3FD2] =	sst s25  }
0xad: {  	s9 =	sshll.u32 s26, $0x1;
	_ =	strace $0x80000049;
	[dreg:$0x1] =	wrdreg $0xFFFFFFFF  }
0xae: {  	s28 =	simm.s32 $_size_execute0_lowered;
	s7 =	sadd.s32 s7, s9;
	[dreg:$0x0] =	wrdreg $0x0  }
0xaf: {  	s9 =	sshll.u32 s28, $0x1;
	[dreg:$0x2] =	wrdreg s7  }
0xb0: {  	[dreg:$0x3] =	wrdreg s9  }
0xb1: {  	[dreg:$0x4] =	wrdreg $0xC0  }
0xb2: {  	_ =	task [dreg:s11], $0x5FFFF  }
0xb3: {  	[dreg:$0x1] =	wrdreg $0xFFFFFFFF  }
0xb4: {  	[dreg:$0x0] =	wrdreg $0x60  }
0xb5: {  	[dreg:$0x2] =	wrdreg s15  }
0xb6: {  	[dreg:$0x3] =	wrdreg s24  }
0xb7: {  	[dreg:$0x4] =	wrdreg s4  }
0xb8: {  	[dreg:$0x5] =	wrdreg s16  }
0xb9: {  	[dreg:$0x6] =	wrdreg s17  }
0xba: {  	[dreg:$0x7] =	wrdreg s18  }
0xbb: {  	[dreg:$0x8] =	wrdreg $0x9  }
0xbc: {  	_ =	task.clear_ibuf [dreg:s11], $0x9FFFF;
	_ =	strace $0x90000049  }
0xbd: {  	s29 =	simm.s32 $0x9;
	_ =	strace $0x8000004B  }
0xbe: {  	_ =	swait.ge [sflag:s29], $0x1  }
0xbf: {  	[sflag:s29] =	ssyncadd.s32 $0xFFFFFFFF  }
0xc0: {  	_ =	strace $0x9000004B  }
0xc1: {  	_ =	sfence  }
0xc2: {  	s30 =	sld [smem:$0x0];
	_ =	sdelay $0x2  }
0xc3: {  	s31 =	sshll.u32 s1, $0xD;
	s1 =	sshrl.u32 s1, $0x2  }
0xc4: {  	s3 =	sand.u32 $0x4000, s31;
	s1 =	sadd.s32 s1, s30  }
0xc5: {  	s0 =	sor.u32 s3, s0;
	s1 =	sshll.u32 s1, $0x11  }
0xc6: {  	s0 =	sor.u32 s1, s0  }
0xc7: {  	s0 =	sadd.s32 $0x8F2B, s0  }
0xc8: {  	[sflag:s0] =	ssyncadd.remote.s32 $0x1  }
0xc9: {  	_ =	sfence.sel $0xFFFF  }
0xca: {  	[dreg:$0x0] =	wrdreg $0xFFFFFFFF;
	(pc) =	sbr.abs _section_cstart, $3  }
0xcb: {  	[dreg:$0x1] =	wrdreg $0xFFFFFFFF  }
0xcc: {  	_ =	task.clear_ibuf [dreg:s11], $0x2FFFF;
	_ =	strace $0x9FFFFFFF  }
0xcd: {  	(tm) =	ssettm $0x7FFFFFFF  }
tec
execute0_lowered:
.L_overlay_start_1:
0x0: {  	(tag) =	ssettag $0x1  }
0x1: {  	s2 =	srdreg.scid  }
0x2: {  	s7 =	sand.u32 $0x1, s2;
	s2 =	stileid.u32  }
0x3: {  	s0 =	rddreg [dreg:$0x0];
	s9 =	sshll.u32 s2, $0x1;
	s10 =	ssub.s32 $0x0, s7  }
0x4: {  	s8 =	rddreg [dreg:$0x1];
	p0 =	sne.s32 s9, s10  }
.Ltmp0:
0x5: {  	s1 =	rddreg [dreg:$0x2];
	(pc) =	sbr.rel @p0 .LBB2_3-.Ltmp0, $4  }
0x6: {  	s3 =	rddreg [dreg:$0x3]  }
0x7: {  	s5 =	rddreg [dreg:$0x4]  }
0x8: {  	s6 =	rddreg [dreg:$0x5]  }
0x9: {  	s4 =	rddreg [dreg:$0x6];
	_ =	strace $0x8000004A  }
0xa: {  	s9 =	ssub.s32 $0x2, s7;
	s7 =	sadd.s32 $0x2E00, s8  }
0xb: {  	s8 =	sadd.s32 $0x3000, s8;
	s11 =	simm.s32 $0x1;
	s12 =	simm.s32 $0x800  }
0xc: {  	s13 =	simm.s32 $0x1000;
	s14 =	simm.s32 $0x1800;
	s10 =	sshrl.u32 s9, $0x1  }
0xd: {  	s15 =	simm.s32 $0x1B00;
	s16 =	simm.s32 $0x1E00;
	s9 =	ssub.s32 s9, s10  }
0xe: {  	s17 =	simm.s32 $0x2100;
	s10 =	simm.s32 $0x0;
	s9 =	smax.u32 s9, $0x1  }
.LBB2_2:
0xf: {  	[tilespmem:s10], [sflag:$0x1] =	stream.linear.gather [hbm4b:s0+s10], $0x800, $0x38;
	[tilespmem:$0x2400] =	vst v63  }
0x10: {  	_ =	swait.ge [sflag:s11], $0x800  }
0x11: {  	[sflag:s11] =	ssyncset.done $0x0  }
0x12: {  	[sflag:s11] =	ssyncadd.s32 $0xFFFFF800  }
0x13: {  	[tilespmem:s12], [sflag:$0x1] =	stream.linear.gather [hbm4b:s7+s10], $0x800, $0x38;
	[tilespmem:$0x2400] =	vst v63  }
0x14: {  	_ =	swait.ge [sflag:s11], $0x800  }
0x15: {  	[sflag:s11] =	ssyncset.done $0x0  }
0x16: {  	[sflag:s11] =	ssyncadd.s32 $0xFFFFF800  }
0x17: {  	[tilespmem:s13], [sflag:$0x1] =	stream.linear.gather [hbm4b:s8+s10], $0x800, $0x38;
	[tilespmem:$0x2400] =	vst v63  }
0x18: {  	_ =	swait.ge [sflag:s11], $0x800  }
0x19: {  	[sflag:s11] =	ssyncset.done $0x0  }
0x1a: {  	[sflag:s11] =	ssyncadd.s32 $0xFFFFF800  }
0x1b: {  	[tilespmem:s14], [sflag:$0x1] =	stream.linear.gather [hbm4b:s1+s10], $0x283, $0x38;
	[tilespmem:$0x2400] =	vst v63  }
0x1c: {  	_ =	swait.ge [sflag:s11], $0x283  }
0x1d: {  	[sflag:s11] =	ssyncset.done $0x0  }
0x1e: {  	[sflag:s11] =	ssyncadd.s32 $0xFFFFFD7D  }
0x1f: {  	v0 =	vld [tilespmem:$0x1800];
	_ =	sdelay $0x4  }
0x20: {  	v1 =	vshra.s32 v0, $0x6  }
0x21: {  	vm0 =	vgt.s32 v1, $0x0  }
0x22: {  	v1 =	vnsel vm0, $0x0, v1  }
0x23: {  	v1 =	vmin.u32 v1, $0xF  }
0x24: {  	v0 =	vand.u32 $0x3F, v0;
	v1 =	vshll.u32 v1, $0x7  }
0x25: {  	v0 =	vor.u32 v0, v1;
	_ =	sdelay $0x4  }
0x26: {  	v1 =	vld.idx.msk [tilespmem:v0+s10+$0x0], $0xffff;
	_ =	sdelay $0x2  }
0x27: {  	v2 =	vld [tilespmem:$0x1810];
	_ =	sdelay $0x1  }
0x28: {  	[tilespmem:$0x1B00] =	vst v1  }
0x29: {  	v1 =	vld.idx.msk [tilespmem:v0+s12+$0x0], $0xffff;
	_ =	sdelay $0x1  }
0x2a: {  	v3 =	vshra.s32 v2, $0x6  }
0x2b: {  	vm12 =	vgt.s32 v3, $0x0  }
0x2c: {  	v3 =	vnsel vm12, $0x0, v3  }
0x2d: {  	v62 =	vmin.u32 v3, $0xF;
	[tilespmem:$0x1E00] =	vst v1  }
0x2e: {  	v2 =	vand.u32 $0x3F, v2;
	v1 =	vshll.u32 v62, $0x7;
	v0 =	vld.idx.msk [tilespmem:v0+s13+$0x0], $0xffff  }
0x2f: {  	v1 =	vor.u32 v2, v1;
	_ =	sdelay $0x3  }
0x30: {  	[tilespmem:$0x2100] =	vst v0  }
0x31: {  	v0 =	vld.idx.msk [tilespmem:v1+s10+$0x0], $0xffff;
	_ =	sdelay $0x2  }
0x32: {  	v63 =	vld [tilespmem:$0x1820];
	_ =	sdelay $0x1  }
0x33: {  	[tilespmem:$0x1B10] =	vst v0  }
0x34: {  	v0 =	vld.idx.msk [tilespmem:v1+s12+$0x0], $0xffff;
	_ =	sdelay $0x1  }
0x35: {  	v6 =	vshra.s32 v63, $0x6  }
0x36: {  	vm13 =	vgt.s32 v6, $0x0  }
0x37: {  	v3 =	vnsel vm13, $0x0, v6  }
0x38: {  	v7 =	vmin.u32 v3, $0xF;
	[tilespmem:$0x1E10] =	vst v0  }
0x39: {  	v2 =	vand.u32 $0x3F, v63;
	v0 =	vshll.u32 v7, $0x7;
	v1 =	vld.idx.msk [tilespmem:v1+s13+$0x0], $0xffff  }
0x3a: {  	v0 =	vor.u32 v2, v0;
	_ =	sdelay $0x3  }
0x3b: {  	[tilespmem:$0x2110] =	vst v1  }
0x3c: {  	v1 =	vld.idx.msk [tilespmem:v0+s10+$0x0], $0xffff;
	_ =	sdelay $0x2  }
0x3d: {  	v8 =	vld [tilespmem:$0x1830];
	_ =	sdelay $0x1  }
0x3e: {  	[tilespmem:$0x1B20] =	vst v1  }
0x3f: {  	v1 =	vld.idx.msk [tilespmem:v0+s12+$0x0], $0xffff;
	_ =	sdelay $0x1  }
0x40: {  	v9 =	vshra.s32 v8, $0x6  }
0x41: {  	vm14 =	vgt.s32 v9, $0x0  }
0x42: {  	v3 =	vnsel vm14, $0x0, v9  }
0x43: {  	v10 =	vmin.u32 v3, $0xF;
	[tilespmem:$0x1E20] =	vst v1  }
0x44: {  	v2 =	vand.u32 $0x3F, v8;
	v1 =	vshll.u32 v10, $0x7;
	v0 =	vld.idx.msk [tilespmem:v0+s13+$0x0], $0xffff  }
0x45: {  	v1 =	vor.u32 v2, v1;
	_ =	sdelay $0x3  }
0x46: {  	[tilespmem:$0x2120] =	vst v0  }
0x47: {  	v0 =	vld.idx.msk [tilespmem:v1+s10+$0x0], $0xffff;
	_ =	sdelay $0x2  }
0x48: {  	v11 =	vld [tilespmem:$0x1840];
	_ =	sdelay $0x1  }
0x49: {  	[tilespmem:$0x1B30] =	vst v0  }
0x4a: {  	v0 =	vld.idx.msk [tilespmem:v1+s12+$0x0], $0xffff;
	_ =	sdelay $0x1  }
0x4b: {  	v12 =	vshra.s32 v11, $0x6  }
0x4c: {  	vm15 =	vgt.s32 v12, $0x0  }
0x4d: {  	v3 =	vnsel vm15, $0x0, v12  }
0x4e: {  	v13 =	vmin.u32 v3, $0xF;
	[tilespmem:$0x1E30] =	vst v0  }
0x4f: {  	v2 =	vand.u32 $0x3F, v11;
	v0 =	vshll.u32 v13, $0x7;
	v1 =	vld.idx.msk [tilespmem:v1+s13+$0x0], $0xffff  }
0x50: {  	v0 =	vor.u32 v2, v0;
	_ =	sdelay $0x3  }
0x51: {  	[tilespmem:$0x2130] =	vst v1  }
0x52: {  	v1 =	vld.idx.msk [tilespmem:v0+s10+$0x0], $0xffff;
	_ =	sdelay $0x2  }
0x53: {  	v14 =	vld [tilespmem:$0x1850];
	_ =	sdelay $0x1  }
0x54: {  	[tilespmem:$0x1B40] =	vst v1  }
0x55: {  	v1 =	vld.idx.msk [tilespmem:v0+s12+$0x0], $0xffff;
	_ =	sdelay $0x1  }
0x56: {  	v15 =	vshra.s32 v14, $0x6  }
0x57: {  	vm4 =	vgt.s32 v15, $0x0  }
0x58: {  	v3 =	vnsel vm4, $0x0, v15  }
0x59: {  	v16 =	vmin.u32 v3, $0xF;
	[tilespmem:$0x1E40] =	vst v1  }
0x5a: {  	v2 =	vand.u32 $0x3F, v14;
	v1 =	vshll.u32 v16, $0x7;
	v0 =	vld.idx.msk [tilespmem:v0+s13+$0x0], $0xffff  }
0x5b: {  	v1 =	vor.u32 v2, v1;
	_ =	sdelay $0x3  }
0x5c: {  	[tilespmem:$0x2140] =	vst v0  }
0x5d: {  	v0 =	vld.idx.msk [tilespmem:v1+s10+$0x0], $0xffff;
	_ =	sdelay $0x2  }
0x5e: {  	v17 =	vld [tilespmem:$0x1860];
	_ =	sdelay $0x1  }
0x5f: {  	[tilespmem:$0x1B50] =	vst v0  }
0x60: {  	v0 =	vld.idx.msk [tilespmem:v1+s12+$0x0], $0xffff;
	_ =	sdelay $0x1  }
0x61: {  	v18 =	vshra.s32 v17, $0x6  }
0x62: {  	vm5 =	vgt.s32 v18, $0x0  }
0x63: {  	v3 =	vnsel vm5, $0x0, v18  }
0x64: {  	v19 =	vmin.u32 v3, $0xF;
	[tilespmem:$0x1E50] =	vst v0  }
0x65: {  	v2 =	vand.u32 $0x3F, v17;
	v0 =	vshll.u32 v19, $0x7;
	v1 =	vld.idx.msk [tilespmem:v1+s13+$0x0], $0xffff  }
0x66: {  	v0 =	vor.u32 v2, v0;
	_ =	sdelay $0x3  }
0x67: {  	[tilespmem:$0x2150] =	vst v1  }
0x68: {  	v1 =	vld.idx.msk [tilespmem:v0+s10+$0x0], $0xffff;
	_ =	sdelay $0x2  }
0x69: {  	v20 =	vld [tilespmem:$0x1870];
	_ =	sdelay $0x1  }
0x6a: {  	[tilespmem:$0x1B60] =	vst v1  }
0x6b: {  	v1 =	vld.idx.msk [tilespmem:v0+s12+$0x0], $0xffff;
	_ =	sdelay $0x1  }
0x6c: {  	v21 =	vshra.s32 v20, $0x6  }
0x6d: {  	vm6 =	vgt.s32 v21, $0x0  }
0x6e: {  	v3 =	vnsel vm6, $0x0, v21  }
0x6f: {  	v22 =	vmin.u32 v3, $0xF;
	[tilespmem:$0x1E60] =	vst v1  }
0x70: {  	v2 =	vand.u32 $0x3F, v20;
	v1 =	vshll.u32 v22, $0x7;
	v0 =	vld.idx.msk [tilespmem:v0+s13+$0x0], $0xffff  }
0x71: {  	v1 =	vor.u32 v2, v1;
	_ =	sdelay $0x3  }
0x72: {  	[tilespmem:$0x2160] =	vst v0  }
0x73: {  	v0 =	vld.idx.msk [tilespmem:v1+s10+$0x0], $0xffff;
	_ =	sdelay $0x2  }
0x74: {  	v23 =	vld [tilespmem:$0x1880];
	_ =	sdelay $0x1  }
0x75: {  	[tilespmem:$0x1B70] =	vst v0  }
0x76: {  	v0 =	vld.idx.msk [tilespmem:v1+s12+$0x0], $0xffff;
	_ =	sdelay $0x1  }
0x77: {  	v24 =	vshra.s32 v23, $0x6  }
0x78: {  	vm7 =	vgt.s32 v24, $0x0  }
0x79: {  	v3 =	vnsel vm7, $0x0, v24  }
0x7a: {  	v25 =	vmin.u32 v3, $0xF;
	[tilespmem:$0x1E70] =	vst v0  }
0x7b: {  	v2 =	vand.u32 $0x3F, v23;
	v0 =	vshll.u32 v25, $0x7;
	v1 =	vld.idx.msk [tilespmem:v1+s13+$0x0], $0xffff  }
0x7c: {  	v0 =	vor.u32 v2, v0;
	_ =	sdelay $0x3  }
0x7d: {  	[tilespmem:$0x2170] =	vst v1  }
0x7e: {  	v1 =	vld.idx.msk [tilespmem:v0+s10+$0x0], $0xffff;
	_ =	sdelay $0x2  }
0x7f: {  	v26 =	vld [tilespmem:$0x1890];
	_ =	sdelay $0x1  }
0x80: {  	[tilespmem:$0x1B80] =	vst v1  }
0x81: {  	v1 =	vld.idx.msk [tilespmem:v0+s12+$0x0], $0xffff;
	_ =	sdelay $0x1  }
0x82: {  	v27 =	vshra.s32 v26, $0x6  }
0x83: {  	vm8 =	vgt.s32 v27, $0x0  }
0x84: {  	v3 =	vnsel vm8, $0x0, v27  }
0x85: {  	v28 =	vmin.u32 v3, $0xF;
	[tilespmem:$0x1E80] =	vst v1  }
0x86: {  	v2 =	vand.u32 $0x3F, v26;
	v1 =	vshll.u32 v28, $0x7;
	v0 =	vld.idx.msk [tilespmem:v0+s13+$0x0], $0xffff  }
0x87: {  	v1 =	vor.u32 v2, v1;
	_ =	sdelay $0x3  }
0x88: {  	[tilespmem:$0x2180] =	vst v0  }
0x89: {  	v0 =	vld.idx.msk [tilespmem:v1+s10+$0x0], $0xffff;
	_ =	sdelay $0x2  }
0x8a: {  	v29 =	vld [tilespmem:$0x18A0];
	_ =	sdelay $0x1  }
0x8b: {  	[tilespmem:$0x1B90] =	vst v0  }
0x8c: {  	v0 =	vld.idx.msk [tilespmem:v1+s12+$0x0], $0xffff;
	_ =	sdelay $0x1  }
0x8d: {  	v30 =	vshra.s32 v29, $0x6  }
0x8e: {  	vm9 =	vgt.s32 v30, $0x0  }
0x8f: {  	v3 =	vnsel vm9, $0x0, v30  }
0x90: {  	v31 =	vmin.u32 v3, $0xF;
	[tilespmem:$0x1E90] =	vst v0  }
0x91: {  	v2 =	vand.u32 $0x3F, v29;
	v0 =	vshll.u32 v31, $0x7;
	v1 =	vld.idx.msk [tilespmem:v1+s13+$0x0], $0xffff  }
0x92: {  	v0 =	vor.u32 v2, v0;
	_ =	sdelay $0x3  }
0x93: {  	[tilespmem:$0x2190] =	vst v1  }
0x94: {  	v1 =	vld.idx.msk [tilespmem:v0+s10+$0x0], $0xffff;
	_ =	sdelay $0x2  }
0x95: {  	v32 =	vld [tilespmem:$0x18B0];
	_ =	sdelay $0x1  }
0x96: {  	[tilespmem:$0x1BA0] =	vst v1  }
0x97: {  	v1 =	vld.idx.msk [tilespmem:v0+s12+$0x0], $0xffff;
	_ =	sdelay $0x1  }
0x98: {  	v33 =	vshra.s32 v32, $0x6  }
0x99: {  	vm10 =	vgt.s32 v33, $0x0  }
0x9a: {  	v3 =	vnsel vm10, $0x0, v33  }
0x9b: {  	v34 =	vmin.u32 v3, $0xF;
	[tilespmem:$0x1EA0] =	vst v1  }
0x9c: {  	v2 =	vand.u32 $0x3F, v32;
	v1 =	vshll.u32 v34, $0x7;
	v0 =	vld.idx.msk [tilespmem:v0+s13+$0x0], $0xffff  }
0x9d: {  	v1 =	vor.u32 v2, v1;
	_ =	sdelay $0x3  }
0x9e: {  	[tilespmem:$0x21A0] =	vst v0  }
0x9f: {  	v0 =	vld.idx.msk [tilespmem:v1+s10+$0x0], $0xffff;
	_ =	sdelay $0x2  }
0xa0: {  	v35 =	vld [tilespmem:$0x18C0];
	_ =	sdelay $0x1  }
0xa1: {  	[tilespmem:$0x1BB0] =	vst v0  }
0xa2: {  	v0 =	vld.idx.msk [tilespmem:v1+s12+$0x0], $0xffff;
	_ =	sdelay $0x1  }
0xa3: {  	v36 =	vshra.s32 v35, $0x6  }
0xa4: {  	vm11 =	vgt.s32 v36, $0x0  }
0xa5: {  	v3 =	vnsel vm11, $0x0, v36  }
0xa6: {  	v37 =	vmin.u32 v3, $0xF;
	[tilespmem:$0x1EB0] =	vst v0  }
0xa7: {  	v2 =	vand.u32 $0x3F, v35;
	v0 =	vshll.u32 v37, $0x7;
	v1 =	vld.idx.msk [tilespmem:v1+s13+$0x0], $0xffff  }
0xa8: {  	v0 =	vor.u32 v2, v0;
	_ =	sdelay $0x3  }
0xa9: {  	[tilespmem:$0x21B0] =	vst v1  }
0xaa: {  	v1 =	vld.idx.msk [tilespmem:v0+s10+$0x0], $0xffff;
	_ =	sdelay $0x2  }
0xab: {  	v38 =	vld [tilespmem:$0x18D0];
	_ =	sdelay $0x1  }
0xac: {  	[tilespmem:$0x1BC0] =	vst v1  }
0xad: {  	v1 =	vld.idx.msk [tilespmem:v0+s12+$0x0], $0xffff;
	_ =	sdelay $0x1  }
0xae: {  	v39 =	vshra.s32 v38, $0x6  }
0xaf: {  	vm12 =	vgt.s32 v39, $0x0  }
0xb0: {  	v3 =	vnsel vm12, $0x0, v39  }
0xb1: {  	v40 =	vmin.u32 v3, $0xF;
	[tilespmem:$0x1EC0] =	vst v1  }
0xb2: {  	v2 =	vand.u32 $0x3F, v38;
	v1 =	vshll.u32 v40, $0x7;
	v0 =	vld.idx.msk [tilespmem:v0+s13+$0x0], $0xffff  }
0xb3: {  	v1 =	vor.u32 v2, v1;
	_ =	sdelay $0x3  }
0xb4: {  	[tilespmem:$0x21C0] =	vst v0  }
0xb5: {  	v0 =	vld.idx.msk [tilespmem:v1+s10+$0x0], $0xffff;
	_ =	sdelay $0x2  }
0xb6: {  	v41 =	vld [tilespmem:$0x18E0];
	_ =	sdelay $0x1  }
0xb7: {  	[tilespmem:$0x1BD0] =	vst v0  }
0xb8: {  	v0 =	vld.idx.msk [tilespmem:v1+s12+$0x0], $0xffff;
	_ =	sdelay $0x1  }
0xb9: {  	v42 =	vshra.s32 v41, $0x6  }
0xba: {  	vm13 =	vgt.s32 v42, $0x0  }
0xbb: {  	v3 =	vnsel vm13, $0x0, v42  }
0xbc: {  	v43 =	vmin.u32 v3, $0xF;
	[tilespmem:$0x1ED0] =	vst v0  }
0xbd: {  	v2 =	vand.u32 $0x3F, v41;
	v0 =	vshll.u32 v43, $0x7;
	v1 =	vld.idx.msk [tilespmem:v1+s13+$0x0], $0xffff  }
0xbe: {  	v0 =	vor.u32 v2, v0;
	_ =	sdelay $0x3  }
0xbf: {  	[tilespmem:$0x21D0] =	vst v1  }
0xc0: {  	v1 =	vld.idx.msk [tilespmem:v0+s10+$0x0], $0xffff;
	_ =	sdelay $0x2  }
0xc1: {  	v44 =	vld [tilespmem:$0x18F0];
	_ =	sdelay $0x1  }
0xc2: {  	[tilespmem:$0x1BE0] =	vst v1  }
0xc3: {  	v1 =	vld.idx.msk [tilespmem:v0+s12+$0x0], $0xffff;
	_ =	sdelay $0x1  }
0xc4: {  	v45 =	vshra.s32 v44, $0x6  }
0xc5: {  	vm14 =	vgt.s32 v45, $0x0  }
0xc6: {  	v3 =	vnsel vm14, $0x0, v45  }
0xc7: {  	v46 =	vmin.u32 v3, $0xF;
	[tilespmem:$0x1EE0] =	vst v1  }
0xc8: {  	v2 =	vand.u32 $0x3F, v44;
	v1 =	vshll.u32 v46, $0x7;
	v0 =	vld.idx.msk [tilespmem:v0+s13+$0x0], $0xffff  }
0xc9: {  	v1 =	vor.u32 v2, v1;
	_ =	sdelay $0x3  }
0xca: {  	[tilespmem:$0x21E0] =	vst v0  }
0xcb: {  	v0 =	vld.idx.msk [tilespmem:v1+s10+$0x0], $0xffff;
	_ =	sdelay $0x2  }
0xcc: {  	v47 =	vld [tilespmem:$0x1900];
	_ =	sdelay $0x1  }
0xcd: {  	[tilespmem:$0x1BF0] =	vst v0  }
0xce: {  	v0 =	vld.idx.msk [tilespmem:v1+s12+$0x0], $0xffff;
	_ =	sdelay $0x1  }
0xcf: {  	v48 =	vshra.s32 v47, $0x6  }
0xd0: {  	vm15 =	vgt.s32 v48, $0x0  }
0xd1: {  	v3 =	vnsel vm15, $0x0, v48  }
0xd2: {  	v49 =	vmin.u32 v3, $0xF;
	[tilespmem:$0x1EF0] =	vst v0  }
0xd3: {  	v2 =	vand.u32 $0x3F, v47;
	v0 =	vshll.u32 v49, $0x7;
	v1 =	vld.idx.msk [tilespmem:v1+s13+$0x0], $0xffff  }
0xd4: {  	v0 =	vor.u32 v2, v0;
	_ =	sdelay $0x3  }
0xd5: {  	[tilespmem:$0x21F0] =	vst v1  }
0xd6: {  	v1 =	vld.idx.msk [tilespmem:v0+s10+$0x0], $0xffff;
	_ =	sdelay $0x2  }
0xd7: {  	v50 =	vld [tilespmem:$0x1910];
	_ =	sdelay $0x1  }
0xd8: {  	[tilespmem:$0x1C00] =	vst v1  }
0xd9: {  	v1 =	vld.idx.msk [tilespmem:v0+s12+$0x0], $0xffff;
	_ =	sdelay $0x1  }
0xda: {  	v51 =	vshra.s32 v50, $0x6  }
0xdb: {  	vm4 =	vgt.s32 v51, $0x0  }
0xdc: {  	v3 =	vnsel vm4, $0x0, v51  }
0xdd: {  	v52 =	vmin.u32 v3, $0xF;
	[tilespmem:$0x1F00] =	vst v1  }
0xde: {  	v2 =	vand.u32 $0x3F, v50;
	v1 =	vshll.u32 v52, $0x7;
	v0 =	vld.idx.msk [tilespmem:v0+s13+$0x0], $0xffff  }
0xdf: {  	v1 =	vor.u32 v2, v1;
	_ =	sdelay $0x3  }
0xe0: {  	[tilespmem:$0x2200] =	vst v0  }
0xe1: {  	v0 =	vld.idx.msk [tilespmem:v1+s10+$0x0], $0xffff;
	_ =	sdelay $0x2  }
0xe2: {  	v53 =	vld [tilespmem:$0x1920];
	_ =	sdelay $0x1  }
0xe3: {  	[tilespmem:$0x1C10] =	vst v0  }
0xe4: {  	v0 =	vld.idx.msk [tilespmem:v1+s12+$0x0], $0xffff;
	_ =	sdelay $0x1  }
0xe5: {  	v54 =	vshra.s32 v53, $0x6  }
0xe6: {  	vm5 =	vgt.s32 v54, $0x0  }
0xe7: {  	v3 =	vnsel vm5, $0x0, v54  }
0xe8: {  	v55 =	vmin.u32 v3, $0xF;
	[tilespmem:$0x1F10] =	vst v0  }
0xe9: {  	v2 =	vand.u32 $0x3F, v53;
	v0 =	vshll.u32 v55, $0x7;
	v1 =	vld.idx.msk [tilespmem:v1+s13+$0x0], $0xffff  }
0xea: {  	v0 =	vor.u32 v2, v0;
	_ =	sdelay $0x3  }
0xeb: {  	[tilespmem:$0x2210] =	vst v1  }
0xec: {  	v1 =	vld.idx.msk [tilespmem:v0+s10+$0x0], $0xffff;
	_ =	sdelay $0x2  }
0xed: {  	v56 =	vld [tilespmem:$0x1930];
	_ =	sdelay $0x1  }
0xee: {  	[tilespmem:$0x1C20] =	vst v1  }
0xef: {  	v1 =	vld.idx.msk [tilespmem:v0+s12+$0x0], $0xffff;
	_ =	sdelay $0x1  }
0xf0: {  	v57 =	vshra.s32 v56, $0x6  }
0xf1: {  	vm6 =	vgt.s32 v57, $0x0  }
0xf2: {  	v3 =	vnsel vm6, $0x0, v57  }
0xf3: {  	v58 =	vmin.u32 v3, $0xF;
	[tilespmem:$0x1F20] =	vst v1  }
0xf4: {  	v2 =	vand.u32 $0x3F, v56;
	v1 =	vshll.u32 v58, $0x7;
	v0 =	vld.idx.msk [tilespmem:v0+s13+$0x0], $0xffff  }
0xf5: {  	v1 =	vor.u32 v2, v1;
	_ =	sdelay $0x3  }
0xf6: {  	[tilespmem:$0x2220] =	vst v0  }
0xf7: {  	v0 =	vld.idx.msk [tilespmem:v1+s10+$0x0], $0xffff;
	_ =	sdelay $0x2  }
0xf8: {  	v59 =	vld [tilespmem:$0x1940];
	_ =	sdelay $0x1  }
0xf9: {  	[tilespmem:$0x1C30] =	vst v0  }
0xfa: {  	v0 =	vld.idx.msk [tilespmem:v1+s12+$0x0], $0xffff;
	_ =	sdelay $0x1  }
0xfb: {  	v60 =	vshra.s32 v59, $0x6  }
0xfc: {  	vm7 =	vgt.s32 v60, $0x0  }
0xfd: {  	v3 =	vnsel vm7, $0x0, v60  }
0xfe: {  	v61 =	vmin.u32 v3, $0xF;
	[tilespmem:$0x1F30] =	vst v0  }
0xff: {  	v2 =	vand.u32 $0x3F, v59;
	v0 =	vshll.u32 v61, $0x7;
	v1 =	vld.idx.msk [tilespmem:v1+s13+$0x0], $0xffff  }
0x100: {  	v0 =	vor.u32 v2, v0;
	_ =	sdelay $0x3  }
0x101: {  	[tilespmem:$0x2230] =	vst v1  }
0x102: {  	v1 =	vld.idx.msk [tilespmem:v0+s10+$0x0], $0xffff;
	_ =	sdelay $0x2  }
0x103: {  	v62 =	vld [tilespmem:$0x1950];
	_ =	sdelay $0x1  }
0x104: {  	[tilespmem:$0x1C40] =	vst v1  }
0x105: {  	v1 =	vld.idx.msk [tilespmem:v0+s12+$0x0], $0xffff;
	_ =	sdelay $0x1  }
0x106: {  	v63 =	vshra.s32 v62, $0x6  }
0x107: {  	vm8 =	vgt.s32 v63, $0x0  }
0x108: {  	v3 =	vnsel vm8, $0x0, v63  }
0x109: {  	v6 =	vmin.u32 v3, $0xF;
	[tilespmem:$0x1F40] =	vst v1  }
0x10a: {  	v2 =	vand.u32 $0x3F, v62;
	v1 =	vshll.u32 v6, $0x7;
	v0 =	vld.idx.msk [tilespmem:v0+s13+$0x0], $0xffff  }
0x10b: {  	v1 =	vor.u32 v2, v1;
	_ =	sdelay $0x3  }
0x10c: {  	[tilespmem:$0x2240] =	vst v0  }
0x10d: {  	v0 =	vld.idx.msk [tilespmem:v1+s10+$0x0], $0xffff;
	_ =	sdelay $0x2  }
0x10e: {  	v7 =	vld [tilespmem:$0x1960];
	_ =	sdelay $0x1  }
0x10f: {  	[tilespmem:$0x1C50] =	vst v0  }
0x110: {  	v0 =	vld.idx.msk [tilespmem:v1+s12+$0x0], $0xffff;
	_ =	sdelay $0x1  }
0x111: {  	v8 =	vshra.s32 v7, $0x6  }
0x112: {  	vm9 =	vgt.s32 v8, $0x0  }
0x113: {  	v3 =	vnsel vm9, $0x0, v8  }
0x114: {  	v9 =	vmin.u32 v3, $0xF;
	[tilespmem:$0x1F50] =	vst v0  }
0x115: {  	v2 =	vand.u32 $0x3F, v7;
	v0 =	vshll.u32 v9, $0x7;
	v1 =	vld.idx.msk [tilespmem:v1+s13+$0x0], $0xffff  }
0x116: {  	v0 =	vor.u32 v2, v0;
	_ =	sdelay $0x3  }
0x117: {  	[tilespmem:$0x2250] =	vst v1  }
0x118: {  	v1 =	vld.idx.msk [tilespmem:v0+s10+$0x0], $0xffff;
	_ =	sdelay $0x2  }
0x119: {  	v10 =	vld [tilespmem:$0x1970];
	_ =	sdelay $0x1  }
0x11a: {  	[tilespmem:$0x1C60] =	vst v1  }
0x11b: {  	v1 =	vld.idx.msk [tilespmem:v0+s12+$0x0], $0xffff;
	_ =	sdelay $0x1  }
0x11c: {  	v11 =	vshra.s32 v10, $0x6  }
0x11d: {  	vm10 =	vgt.s32 v11, $0x0  }
0x11e: {  	v3 =	vnsel vm10, $0x0, v11  }
0x11f: {  	v12 =	vmin.u32 v3, $0xF;
	[tilespmem:$0x1F60] =	vst v1  }
0x120: {  	v2 =	vand.u32 $0x3F, v10;
	v1 =	vshll.u32 v12, $0x7;
	v0 =	vld.idx.msk [tilespmem:v0+s13+$0x0], $0xffff  }
0x121: {  	v1 =	vor.u32 v2, v1;
	_ =	sdelay $0x3  }
0x122: {  	[tilespmem:$0x2260] =	vst v0  }
0x123: {  	v0 =	vld.idx.msk [tilespmem:v1+s10+$0x0], $0xffff;
	_ =	sdelay $0x2  }
0x124: {  	v13 =	vld [tilespmem:$0x1980];
	_ =	sdelay $0x1  }
0x125: {  	[tilespmem:$0x1C70] =	vst v0  }
0x126: {  	v0 =	vld.idx.msk [tilespmem:v1+s12+$0x0], $0xffff;
	_ =	sdelay $0x1  }
0x127: {  	v14 =	vshra.s32 v13, $0x6  }
0x128: {  	vm11 =	vgt.s32 v14, $0x0  }
0x129: {  	v3 =	vnsel vm11, $0x0, v14  }
0x12a: {  	v15 =	vmin.u32 v3, $0xF;
	[tilespmem:$0x1F70] =	vst v0  }
0x12b: {  	v2 =	vand.u32 $0x3F, v13;
	v0 =	vshll.u32 v15, $0x7;
	v1 =	vld.idx.msk [tilespmem:v1+s13+$0x0], $0xffff  }
0x12c: {  	v0 =	vor.u32 v2, v0;
	_ =	sdelay $0x3  }
0x12d: {  	[tilespmem:$0x2270] =	vst v1  }
0x12e: {  	v1 =	vld.idx.msk [tilespmem:v0+s10+$0x0], $0xffff;
	_ =	sdelay $0x2  }
0x12f: {  	v16 =	vld [tilespmem:$0x1990];
	_ =	sdelay $0x1  }
0x130: {  	[tilespmem:$0x1C80] =	vst v1  }
0x131: {  	v1 =	vld.idx.msk [tilespmem:v0+s12+$0x0], $0xffff;
	_ =	sdelay $0x1  }
0x132: {  	v17 =	vshra.s32 v16, $0x6  }
0x133: {  	vm12 =	vgt.s32 v17, $0x0  }
0x134: {  	v3 =	vnsel vm12, $0x0, v17  }
0x135: {  	v18 =	vmin.u32 v3, $0xF;
	[tilespmem:$0x1F80] =	vst v1  }
0x136: {  	v2 =	vand.u32 $0x3F, v16;
	v1 =	vshll.u32 v18, $0x7;
	v0 =	vld.idx.msk [tilespmem:v0+s13+$0x0], $0xffff  }
0x137: {  	v1 =	vor.u32 v2, v1;
	_ =	sdelay $0x3  }
0x138: {  	[tilespmem:$0x2280] =	vst v0  }
0x139: {  	v0 =	vld.idx.msk [tilespmem:v1+s10+$0x0], $0xffff;
	_ =	sdelay $0x2  }
0x13a: {  	v19 =	vld [tilespmem:$0x19A0];
	_ =	sdelay $0x1  }
0x13b: {  	[tilespmem:$0x1C90] =	vst v0  }
0x13c: {  	v0 =	vld.idx.msk [tilespmem:v1+s12+$0x0], $0xffff;
	_ =	sdelay $0x1  }
0x13d: {  	v20 =	vshra.s32 v19, $0x6  }
0x13e: {  	vm13 =	vgt.s32 v20, $0x0  }
0x13f: {  	v3 =	vnsel vm13, $0x0, v20  }
0x140: {  	v21 =	vmin.u32 v3, $0xF;
	[tilespmem:$0x1F90] =	vst v0  }
0x141: {  	v2 =	vand.u32 $0x3F, v19;
	v0 =	vshll.u32 v21, $0x7;
	v1 =	vld.idx.msk [tilespmem:v1+s13+$0x0], $0xffff  }
0x142: {  	v0 =	vor.u32 v2, v0;
	_ =	sdelay $0x3  }
0x143: {  	[tilespmem:$0x2290] =	vst v1  }
0x144: {  	v1 =	vld.idx.msk [tilespmem:v0+s10+$0x0], $0xffff;
	_ =	sdelay $0x2  }
0x145: {  	v22 =	vld [tilespmem:$0x19B0];
	_ =	sdelay $0x1  }
0x146: {  	[tilespmem:$0x1CA0] =	vst v1  }
0x147: {  	v1 =	vld.idx.msk [tilespmem:v0+s12+$0x0], $0xffff;
	_ =	sdelay $0x1  }
0x148: {  	v23 =	vshra.s32 v22, $0x6  }
0x149: {  	vm14 =	vgt.s32 v23, $0x0  }
0x14a: {  	v3 =	vnsel vm14, $0x0, v23  }
0x14b: {  	v24 =	vmin.u32 v3, $0xF;
	[tilespmem:$0x1FA0] =	vst v1  }
0x14c: {  	v2 =	vand.u32 $0x3F, v22;
	v1 =	vshll.u32 v24, $0x7;
	v0 =	vld.idx.msk [tilespmem:v0+s13+$0x0], $0xffff  }
0x14d: {  	v1 =	vor.u32 v2, v1;
	_ =	sdelay $0x3  }
0x14e: {  	[tilespmem:$0x22A0] =	vst v0  }
0x14f: {  	v0 =	vld.idx.msk [tilespmem:v1+s10+$0x0], $0xffff;
	_ =	sdelay $0x2  }
0x150: {  	v25 =	vld [tilespmem:$0x19C0];
	_ =	sdelay $0x1  }
0x151: {  	[tilespmem:$0x1CB0] =	vst v0  }
0x152: {  	v0 =	vld.idx.msk [tilespmem:v1+s12+$0x0], $0xffff;
	_ =	sdelay $0x1  }
0x153: {  	v26 =	vshra.s32 v25, $0x6  }
0x154: {  	vm15 =	vgt.s32 v26, $0x0  }
0x155: {  	v3 =	vnsel vm15, $0x0, v26  }
0x156: {  	v27 =	vmin.u32 v3, $0xF;
	[tilespmem:$0x1FB0] =	vst v0  }
0x157: {  	v2 =	vand.u32 $0x3F, v25;
	v0 =	vshll.u32 v27, $0x7;
	v1 =	vld.idx.msk [tilespmem:v1+s13+$0x0], $0xffff  }
0x158: {  	v0 =	vor.u32 v2, v0;
	_ =	sdelay $0x3  }
0x159: {  	[tilespmem:$0x22B0] =	vst v1  }
0x15a: {  	v1 =	vld.idx.msk [tilespmem:v0+s10+$0x0], $0xffff;
	_ =	sdelay $0x2  }
0x15b: {  	v28 =	vld [tilespmem:$0x19D0];
	_ =	sdelay $0x1  }
0x15c: {  	[tilespmem:$0x1CC0] =	vst v1  }
0x15d: {  	v1 =	vld.idx.msk [tilespmem:v0+s12+$0x0], $0xffff;
	_ =	sdelay $0x1  }
0x15e: {  	v29 =	vshra.s32 v28, $0x6  }
0x15f: {  	vm4 =	vgt.s32 v29, $0x0  }
0x160: {  	v3 =	vnsel vm4, $0x0, v29  }
0x161: {  	v30 =	vmin.u32 v3, $0xF;
	[tilespmem:$0x1FC0] =	vst v1  }
0x162: {  	v2 =	vand.u32 $0x3F, v28;
	v1 =	vshll.u32 v30, $0x7;
	v0 =	vld.idx.msk [tilespmem:v0+s13+$0x0], $0xffff  }
0x163: {  	v1 =	vor.u32 v2, v1;
	_ =	sdelay $0x3  }
0x164: {  	[tilespmem:$0x22C0] =	vst v0  }
0x165: {  	v0 =	vld.idx.msk [tilespmem:v1+s10+$0x0], $0xffff;
	_ =	sdelay $0x2  }
0x166: {  	v31 =	vld [tilespmem:$0x19E0];
	_ =	sdelay $0x1  }
0x167: {  	[tilespmem:$0x1CD0] =	vst v0  }
0x168: {  	v0 =	vld.idx.msk [tilespmem:v1+s12+$0x0], $0xffff;
	_ =	sdelay $0x1  }
0x169: {  	v32 =	vshra.s32 v31, $0x6  }
0x16a: {  	vm5 =	vgt.s32 v32, $0x0  }
0x16b: {  	v3 =	vnsel vm5, $0x0, v32  }
0x16c: {  	v33 =	vmin.u32 v3, $0xF;
	[tilespmem:$0x1FD0] =	vst v0  }
0x16d: {  	v2 =	vand.u32 $0x3F, v31;
	v0 =	vshll.u32 v33, $0x7;
	v1 =	vld.idx.msk [tilespmem:v1+s13+$0x0], $0xffff  }
0x16e: {  	v0 =	vor.u32 v2, v0;
	_ =	sdelay $0x3  }
0x16f: {  	[tilespmem:$0x22D0] =	vst v1  }
0x170: {  	v1 =	vld.idx.msk [tilespmem:v0+s10+$0x0], $0xffff;
	_ =	sdelay $0x2  }
0x171: {  	v34 =	vld [tilespmem:$0x19F0];
	_ =	sdelay $0x1  }
0x172: {  	[tilespmem:$0x1CE0] =	vst v1  }
0x173: {  	v1 =	vld.idx.msk [tilespmem:v0+s12+$0x0], $0xffff;
	_ =	sdelay $0x1  }
0x174: {  	v35 =	vshra.s32 v34, $0x6  }
0x175: {  	vm6 =	vgt.s32 v35, $0x0  }
0x176: {  	v3 =	vnsel vm6, $0x0, v35  }
0x177: {  	v36 =	vmin.u32 v3, $0xF;
	[tilespmem:$0x1FE0] =	vst v1  }
0x178: {  	v2 =	vand.u32 $0x3F, v34;
	v1 =	vshll.u32 v36, $0x7;
	v0 =	vld.idx.msk [tilespmem:v0+s13+$0x0], $0xffff  }
0x179: {  	v1 =	vor.u32 v2, v1;
	_ =	sdelay $0x3  }
0x17a: {  	[tilespmem:$0x22E0] =	vst v0  }
0x17b: {  	v0 =	vld.idx.msk [tilespmem:v1+s10+$0x0], $0xffff;
	_ =	sdelay $0x2  }
0x17c: {  	v37 =	vld [tilespmem:$0x1A00];
	_ =	sdelay $0x1  }
0x17d: {  	[tilespmem:$0x1CF0] =	vst v0  }
0x17e: {  	v0 =	vld.idx.msk [tilespmem:v1+s12+$0x0], $0xffff;
	_ =	sdelay $0x1  }
0x17f: {  	v38 =	vshra.s32 v37, $0x6  }
0x180: {  	vm7 =	vgt.s32 v38, $0x0  }
0x181: {  	v3 =	vnsel vm7, $0x0, v38  }
0x182: {  	v39 =	vmin.u32 v3, $0xF;
	[tilespmem:$0x1FF0] =	vst v0  }
0x183: {  	v2 =	vand.u32 $0x3F, v37;
	v0 =	vshll.u32 v39, $0x7;
	v1 =	vld.idx.msk [tilespmem:v1+s13+$0x0], $0xffff  }
0x184: {  	v0 =	vor.u32 v2, v0;
	_ =	sdelay $0x3  }
0x185: {  	[tilespmem:$0x22F0] =	vst v1  }
0x186: {  	v1 =	vld.idx.msk [tilespmem:v0+s10+$0x0], $0xffff;
	_ =	sdelay $0x2  }
0x187: {  	v40 =	vld [tilespmem:$0x1A10];
	_ =	sdelay $0x1  }
0x188: {  	[tilespmem:$0x1D00] =	vst v1  }
0x189: {  	v1 =	vld.idx.msk [tilespmem:v0+s12+$0x0], $0xffff;
	_ =	sdelay $0x1  }
0x18a: {  	v41 =	vshra.s32 v40, $0x6  }
0x18b: {  	vm8 =	vgt.s32 v41, $0x0  }
0x18c: {  	v3 =	vnsel vm8, $0x0, v41  }
0x18d: {  	v42 =	vmin.u32 v3, $0xF;
	[tilespmem:$0x2000] =	vst v1  }
0x18e: {  	v2 =	vand.u32 $0x3F, v40;
	v1 =	vshll.u32 v42, $0x7;
	v0 =	vld.idx.msk [tilespmem:v0+s13+$0x0], $0xffff  }
0x18f: {  	v1 =	vor.u32 v2, v1;
	_ =	sdelay $0x3  }
0x190: {  	[tilespmem:$0x2300] =	vst v0  }
0x191: {  	v0 =	vld.idx.msk [tilespmem:v1+s10+$0x0], $0xffff;
	_ =	sdelay $0x2  }
0x192: {  	v43 =	vld [tilespmem:$0x1A20];
	_ =	sdelay $0x1  }
0x193: {  	[tilespmem:$0x1D10] =	vst v0  }
0x194: {  	v0 =	vld.idx.msk [tilespmem:v1+s12+$0x0], $0xffff;
	_ =	sdelay $0x1  }
0x195: {  	v44 =	vshra.s32 v43, $0x6  }
0x196: {  	vm9 =	vgt.s32 v44, $0x0  }
0x197: {  	v3 =	vnsel vm9, $0x0, v44  }
0x198: {  	v45 =	vmin.u32 v3, $0xF;
	[tilespmem:$0x2010] =	vst v0  }
0x199: {  	v2 =	vand.u32 $0x3F, v43;
	v0 =	vshll.u32 v45, $0x7;
	v1 =	vld.idx.msk [tilespmem:v1+s13+$0x0], $0xffff  }
0x19a: {  	v0 =	vor.u32 v2, v0;
	_ =	sdelay $0x3  }
0x19b: {  	[tilespmem:$0x2310] =	vst v1  }
0x19c: {  	v1 =	vld.idx.msk [tilespmem:v0+s10+$0x0], $0xffff;
	_ =	sdelay $0x2  }
0x19d: {  	v46 =	vld [tilespmem:$0x1A30];
	_ =	sdelay $0x1  }
0x19e: {  	[tilespmem:$0x1D20] =	vst v1  }
0x19f: {  	v1 =	vld.idx.msk [tilespmem:v0+s12+$0x0], $0xffff;
	_ =	sdelay $0x1  }
0x1a0: {  	v47 =	vshra.s32 v46, $0x6  }
0x1a1: {  	vm10 =	vgt.s32 v47, $0x0  }
0x1a2: {  	v3 =	vnsel vm10, $0x0, v47  }
0x1a3: {  	v48 =	vmin.u32 v3, $0xF;
	[tilespmem:$0x2020] =	vst v1  }
0x1a4: {  	v2 =	vand.u32 $0x3F, v46;
	v1 =	vshll.u32 v48, $0x7;
	v0 =	vld.idx.msk [tilespmem:v0+s13+$0x0], $0xffff  }
0x1a5: {  	v1 =	vor.u32 v2, v1;
	_ =	sdelay $0x3  }
0x1a6: {  	[tilespmem:$0x2320] =	vst v0  }
0x1a7: {  	v0 =	vld.idx.msk [tilespmem:v1+s10+$0x0], $0xffff;
	_ =	sdelay $0x2  }
0x1a8: {  	v49 =	vld [tilespmem:$0x1A40];
	_ =	sdelay $0x1  }
0x1a9: {  	[tilespmem:$0x1D30] =	vst v0  }
0x1aa: {  	v0 =	vld.idx.msk [tilespmem:v1+s12+$0x0], $0xffff;
	_ =	sdelay $0x1  }
0x1ab: {  	v50 =	vshra.s32 v49, $0x6  }
0x1ac: {  	vm11 =	vgt.s32 v50, $0x0  }
0x1ad: {  	v3 =	vnsel vm11, $0x0, v50  }
0x1ae: {  	v51 =	vmin.u32 v3, $0xF;
	[tilespmem:$0x2030] =	vst v0  }
0x1af: {  	v2 =	vand.u32 $0x3F, v49;
	v0 =	vshll.u32 v51, $0x7;
	v1 =	vld.idx.msk [tilespmem:v1+s13+$0x0], $0xffff  }
0x1b0: {  	v0 =	vor.u32 v2, v0;
	_ =	sdelay $0x3  }
0x1b1: {  	[tilespmem:$0x2330] =	vst v1  }
0x1b2: {  	v1 =	vld.idx.msk [tilespmem:v0+s10+$0x0], $0xffff;
	_ =	sdelay $0x2  }
0x1b3: {  	v52 =	vld [tilespmem:$0x1A50];
	_ =	sdelay $0x1  }
0x1b4: {  	[tilespmem:$0x1D40] =	vst v1  }
0x1b5: {  	v1 =	vld.idx.msk [tilespmem:v0+s12+$0x0], $0xffff;
	_ =	sdelay $0x1  }
0x1b6: {  	v53 =	vshra.s32 v52, $0x6  }
0x1b7: {  	vm12 =	vgt.s32 v53, $0x0  }
0x1b8: {  	v3 =	vnsel vm12, $0x0, v53  }
0x1b9: {  	v54 =	vmin.u32 v3, $0xF;
	[tilespmem:$0x2040] =	vst v1  }
0x1ba: {  	v2 =	vand.u32 $0x3F, v52;
	v1 =	vshll.u32 v54, $0x7;
	v0 =	vld.idx.msk [tilespmem:v0+s13+$0x0], $0xffff  }
0x1bb: {  	v1 =	vor.u32 v2, v1;
	_ =	sdelay $0x3  }
0x1bc: {  	[tilespmem:$0x2340] =	vst v0  }
0x1bd: {  	v0 =	vld.idx.msk [tilespmem:v1+s10+$0x0], $0xffff;
	_ =	sdelay $0x2  }
0x1be: {  	v55 =	vld [tilespmem:$0x1A60];
	_ =	sdelay $0x1  }
0x1bf: {  	[tilespmem:$0x1D50] =	vst v0  }
0x1c0: {  	v0 =	vld.idx.msk [tilespmem:v1+s12+$0x0], $0xffff;
	_ =	sdelay $0x1  }
0x1c1: {  	v56 =	vshra.s32 v55, $0x6  }
0x1c2: {  	vm13 =	vgt.s32 v56, $0x0  }
0x1c3: {  	v3 =	vnsel vm13, $0x0, v56  }
0x1c4: {  	v57 =	vmin.u32 v3, $0xF;
	[tilespmem:$0x2050] =	vst v0  }
0x1c5: {  	v2 =	vand.u32 $0x3F, v55;
	v0 =	vshll.u32 v57, $0x7;
	v1 =	vld.idx.msk [tilespmem:v1+s13+$0x0], $0xffff  }
0x1c6: {  	v0 =	vor.u32 v2, v0;
	_ =	sdelay $0x3  }
0x1c7: {  	[tilespmem:$0x2350] =	vst v1  }
0x1c8: {  	v1 =	vld.idx.msk [tilespmem:v0+s10+$0x0], $0xffff;
	_ =	sdelay $0x2  }
0x1c9: {  	v58 =	vld [tilespmem:$0x1A70];
	_ =	sdelay $0x1  }
0x1ca: {  	[tilespmem:$0x1D60] =	vst v1  }
0x1cb: {  	v1 =	vld.idx.msk [tilespmem:v0+s12+$0x0], $0xffff;
	_ =	sdelay $0x1  }
0x1cc: {  	v59 =	vshra.s32 v58, $0x6  }
0x1cd: {  	vm14 =	vgt.s32 v59, $0x0  }
0x1ce: {  	v3 =	vnsel vm14, $0x0, v59  }
0x1cf: {  	v60 =	vmin.u32 v3, $0xF;
	[tilespmem:$0x2060] =	vst v1  }
0x1d0: {  	v2 =	vand.u32 $0x3F, v58;
	v1 =	vshll.u32 v60, $0x7;
	v0 =	vld.idx.msk [tilespmem:v0+s13+$0x0], $0xffff  }
0x1d1: {  	v1 =	vor.u32 v2, v1;
	_ =	sdelay $0x3  }
0x1d2: {  	[tilespmem:$0x2360] =	vst v0  }
0x1d3: {  	v0 =	vld.idx.msk [tilespmem:v1+s10+$0x0], $0xffff;
	_ =	sdelay $0x2  }
0x1d4: {  	v61 =	vld [tilespmem:$0x1A80];
	_ =	sdelay $0x1  }
0x1d5: {  	[tilespmem:$0x1D70] =	vst v0  }
0x1d6: {  	v0 =	vld.idx.msk [tilespmem:v1+s12+$0x0], $0xffff;
	_ =	sdelay $0x1  }
0x1d7: {  	v62 =	vshra.s32 v61, $0x6  }
0x1d8: {  	vm15 =	vgt.s32 v62, $0x0  }
0x1d9: {  	v3 =	vnsel vm15, $0x0, v62  }
0x1da: {  	v63 =	vmin.u32 v3, $0xF;
	[tilespmem:$0x2070] =	vst v0  }
0x1db: {  	v2 =	vand.u32 $0x3F, v61;
	v0 =	vshll.u32 v63, $0x7;
	v1 =	vld.idx.msk [tilespmem:v1+s13+$0x0], $0xffff  }
0x1dc: {  	v0 =	vor.u32 v2, v0;
	_ =	sdelay $0x3  }
0x1dd: {  	[tilespmem:$0x2370] =	vst v1  }
0x1de: {  	v1 =	vld.idx.msk [tilespmem:v0+s10+$0x0], $0xffff;
	_ =	sdelay $0x4  }
0x1df: {  	[tilespmem:$0x1D80] =	vst v1  }
0x1e0: {  	v1 =	vld.idx.msk [tilespmem:v0+s12+$0x0], $0xffff;
	_ =	sdelay $0x4  }
0x1e1: {  	[tilespmem:$0x2080] =	vst v1  }
0x1e2: {  	v0 =	vld.idx.msk [tilespmem:v0+s13+$0x0], $0xffff;
	_ =	sdelay $0x4  }
0x1e3: {  	[tilespmem:$0x2380] =	vst v0  }
0x1e4: {  	[hbm4b:s3+s10] =	stream.linear.scatter [tilespmem:s15], [sflag:$0x1], $0x283, $0x38;
	[tilespmem:$0x2400] =	vst v63  }
0x1e5: {  	_ =	swait.ge [sflag:s11], $0x283  }
0x1e6: {  	[sflag:s11] =	ssyncset.done $0x0  }
0x1e7: {  	[sflag:s11] =	ssyncadd.s32 $0xFFFFFD7D  }
0x1e8: {  	[hbm4b:s5+s10] =	stream.linear.scatter [tilespmem:s16], [sflag:$0x1], $0x283, $0x38;
	[tilespmem:$0x2400] =	vst v63  }
0x1e9: {  	_ =	swait.ge [sflag:s11], $0x283  }
0x1ea: {  	p0 =	sne.s32 s9, $0x1;
	[sflag:s11] =	ssyncset.done $0x0  }
.Ltmp1:
0x1eb: {  	[sflag:s11] =	ssyncadd.s32 $0xFFFFFD7D;
	(pc) =	sbr.rel @p0 .LBB2_2-.Ltmp1, $4  }
0x1ec: {  	[hbm4b:s6+s10] =	stream.linear.scatter [tilespmem:s17], [sflag:$0x1], $0x283, $0x38;
	[tilespmem:$0x2400] =	vst v63  }
0x1ed: {  	_ =	swait.ge [sflag:s11], $0x283  }
0x1ee: {  	[sflag:s11] =	ssyncset.done $0x0  }
0x1ef: {  	s9 =	sadd.s32 $0xFFFFFFFF, s9;
	[sflag:s11] =	ssyncadd.s32 $0xFFFFFD7D  }
.LBB2_3:
0x1f0: {  	_ =	sfence.sel $0x180000  }
0x1f1: {  	[bflag:$0x0] =	sbarrier.arrive $0xFFFF  }
0x1f2: {  	p0 =	sne.s32 s2, $0x0;
	_ =	strace $0x9000004A  }
0x1f3: {  	s0 =	sadd.s32 @!p0 $0x100000, s4;
	[bflag:$0x2] =	sbarrier.arrive $0xFFFF  }
0x1f4: {  	[sflag:s0] =	ssyncadd.tile.s32 @!p0 $0x1;
	_ =	shalt  }
.Lfunc_end2:
_tile_overlayer_lowered:
.L_overlay_start_2:
0x1f5: {  	(tag) =	ssettag $0x2  }
0x1f6: {  	s0 =	rddreg [dreg:$0x0];
	s2 =	stileid.u32  }
0x1f7: {  	s1 =	rddreg [dreg:$0x1];
	p0 =	sne.s32 s2, $0x0  }
0x1f8: {  	s3 =	rddreg [dreg:$0x2];
	[bflag:$0x3] =	sbarrier.arrive $0xFFFF;
	s2 =	simm.s32 @!p0 $0x1C01  }
0x1f9: {  	[timem:s3], [sflag:s2] =	dma.local @!p0 [hbm:s0], s1  }
0x1fa: {  	s0 =	simm.s32 @!p0 $0x1  }
0x1fb: {  	_ =	swait.ge @!p0 [sflag:s0], s1  }
0x1fc: {  	s1 =	ssub.s32 @!p0 $0x0, s1;
	[sflag:s0] =	ssyncset.done @!p0 $0x0  }
0x1fd: {  	[sflag:s0] =	ssyncadd.s32 @!p0 s1  }
0x1fe: {  	[bflag:$0x3] =	sbarrier.arrive $0xFFFF  }
0x1ff: {  	_ =	shalt  }

</sc_bundles>
